<compile_context>
chip_gen: v7x
topology: tpu7x:2x2x1
jax: 0.10.2.dev20260603
libtpu: 0.0.44.dev20260713+nightly
codegen_flags: <defaults>
</compile_context>

<pallas_src>
import functools

import jax
import jax.numpy as jnp
from jax import lax
from jax.experimental import pallas as pl
from jax.experimental.pallas import tpu as pltpu
from jax.experimental.pallas import tpu_sc as plsc

N_NODES = 10000
D = 128
DH = D // 2
N_EDGES = 320000

NC = 2
NS = 16
K = 80
NCHUNK = 252
E_PAD = NS * NCHUNK * K
NBUF = 6
LEAD = 4
SLACK = NBUF - LEAD
N_PAD = 10240
ROWS_PER_S = N_PAD // NS
ZROWS = 128

_mesh = plsc.VectorSubcoreMesh(core_axis_name="c", subcore_axis_name="s")


@functools.partial(
    pl.kernel,
    out_type=jax.ShapeDtypeStruct((NC, N_PAD, DH), jnp.float32),
    mesh=_mesh,
    scratch_types=(
        [
            pltpu.VMEM((NCHUNK, K), jnp.int32),
            pltpu.VMEM((NCHUNK, K), jnp.int32),
        ]
        + [pltpu.VMEM((K, DH), jnp.float32) for _ in range(NBUF)]
        + [
            pltpu.VMEM((ZROWS, DH), jnp.float32),
            pltpu.VMEM_SHARED((N_PAD, DH), jnp.float32),
        ]
        + [pltpu.SemaphoreType.DMA for _ in range(2 * NBUF)]
    ),
    compiler_params=pltpu.CompilerParams(use_tc_tiling_on_sc=False),
)
def _aggregate(src_hbm, dst_hbm, xl_hbm, xr_hbm, part_hbm, *scratch):
    src_v, dst_v = scratch[0], scratch[1]
    rows = scratch[2:2 + NBUF]
    zbuf, acc = scratch[2 + NBUF], scratch[3 + NBUF]
    gsem = scratch[4 + NBUF:4 + 2 * NBUF]
    ssem = scratch[4 + 2 * NBUF:4 + 3 * NBUF]
    c = lax.axis_index("c")
    s = lax.axis_index("s")

    pltpu.async_copy(src_hbm.at[s], src_v, gsem[0])
    pltpu.async_copy(dst_hbm.at[s], dst_v, gsem[1])

    def zrow(i, carry):
        def zcol(j, carry2):
            zbuf[i, pl.ds(j * 16, 16)] = jnp.zeros((16,), jnp.float32)
            return carry2
        return lax.fori_loop(0, DH // 16, zcol, carry)
    lax.fori_loop(0, ZROWS, zrow, 0)
    for r in range(ROWS_PER_S // ZROWS):
        pltpu.sync_copy(zbuf, acc.at[pl.ds(s * ROWS_PER_S + r * ZROWS, ZROWS)])

    pltpu.make_async_copy(src_hbm.at[s], src_v, gsem[0]).wait()
    pltpu.make_async_copy(dst_hbm.at[s], dst_v, gsem[1]).wait()
    plsc.subcore_barrier()

    def run(x_tab):
        def issue_g(i, b):
            pltpu.async_copy(x_tab.at[src_v.at[i]], rows[b], gsem[b])

        def wait_g(i, b):
            pltpu.make_async_copy(x_tab.at[src_v.at[i]], rows[b],
                                  gsem[b]).wait()

        def issue_s(i, b):
            pltpu.async_copy(rows[b], acc.at[dst_v.at[i]], ssem[b], add=True)

        def wait_s(i, b):
            pltpu.make_async_copy(rows[b], acc.at[dst_v.at[i]],
                                  ssem[b]).wait()

        for i in range(LEAD):
            issue_g(i, i % NBUF)

        for j in range(NBUF):
            wait_g(j, j)
            issue_s(j, j)
            if j >= SLACK:
                wait_s(j - SLACK, (j + LEAD) % NBUF)
            issue_g(j + LEAD, (j + LEAD) % NBUF)

        def body(g, carry):
            i0 = NBUF * g
            for j in range(NBUF):
                i = i0 + j
                wait_g(i, j)
                issue_s(i, j)
                wait_s(i - SLACK, (j + LEAD) % NBUF)
                issue_g(i + LEAD, (j + LEAD) % NBUF)
            return carry
        lax.fori_loop(1, NCHUNK // NBUF - 1, body, 0)

        i0 = NCHUNK - NBUF
        for j in range(NBUF):
            i = i0 + j
            wait_g(i, j)
            issue_s(i, j)
            wait_s(i - SLACK, (j + LEAD) % NBUF)
            if j < NBUF - LEAD:
                issue_g(i + LEAD, (j + LEAD) % NBUF)
        for j in range(SLACK):
            i = NCHUNK - SLACK + j
            wait_s(i, i % NBUF)

    pl.when(c == 0)(lambda: run(xl_hbm))
    pl.when(c == 1)(lambda: run(xr_hbm))

    plsc.subcore_barrier()

    pltpu.sync_copy(acc.at[pl.ds(s * ROWS_PER_S, ROWS_PER_S)],
                    part_hbm.at[c, pl.ds(s * ROWS_PER_S, ROWS_PER_S)])


BLK = 1000


def _mlp_body(x_ref, p0_ref, p1_ref, w1_ref, b1_ref, w2_ref, b2_ref, o_ref):
    msg = jnp.concatenate([p0_ref[...], p1_ref[...]], axis=1)
    h = x_ref[...] + msg
    h1 = jnp.dot(h, w1_ref[...], preferred_element_type=jnp.float32)
    h1 = jnp.maximum(h1 + b1_ref[...], 0.0)
    o_ref[...] = jnp.dot(h1, w2_ref[...],
                         preferred_element_type=jnp.float32) + b2_ref[...]


_mlp = pl.pallas_call(
    _mlp_body,
    out_shape=jax.ShapeDtypeStruct((N_NODES, D), jnp.float32),
    grid=(N_NODES // BLK,),
    in_specs=[
        pl.BlockSpec((BLK, D), lambda i: (i, 0)),
        pl.BlockSpec((BLK, DH), lambda i: (i, 0)),
        pl.BlockSpec((BLK, DH), lambda i: (i, 0)),
        pl.BlockSpec((D, D), lambda i: (0, 0)),
        pl.BlockSpec((1, D), lambda i: (0, 0)),
        pl.BlockSpec((D, D), lambda i: (0, 0)),
        pl.BlockSpec((1, D), lambda i: (0, 0)),
    ],
    out_specs=pl.BlockSpec((BLK, D), lambda i: (i, 0)),
)


def kernel(x, edge_index, degrees, W1, b1, W2, b2):
    npad = E_PAD - N_EDGES
    src = jnp.concatenate(
        [edge_index[0].astype(jnp.int32), jnp.zeros((npad,), jnp.int32)]
    ).reshape(NS, NCHUNK, K)
    dst = jnp.concatenate(
        [edge_index[1].astype(jnp.int32),
         jnp.full((npad,), N_NODES, jnp.int32)]
    ).reshape(NS, NCHUNK, K)
    part = _aggregate(src, dst, x[:, :DH], x[:, DH:])
    return _mlp(x, part[0], part[1], W1, b1.reshape(1, D), W2, b2.reshape(1, D))

# --- scband reference (transcript-rebuilt; emitter-appended) ---
"""Pipeline reference for scband-mpnn-sparse-63780264346299 (READ-ONLY COPY).

The authoritative reference and input builder live on the scoring server;
editing this copy changes nothing except your own understanding.
"""

import jax, jax.numpy as jnp
import numpy as np

D_IN = 128
D_H = 128
D_UP = 128
N_NODES = 10000
N_EDGES = 320000
EPS = 0.0


def setup_inputs(seed: int = 0) -> dict:
    key = jax.random.key(seed)
    ks = jax.random.split(key, 8)
    x = jax.random.normal(ks[0], (N_NODES, D_IN), dtype=jnp.float32)
    edge_index = jax.random.randint(ks[1], (2, N_EDGES), 0, N_NODES, dtype=jnp.int64)
    degrees = jax.random.uniform(ks[2], (N_NODES, 1), dtype=jnp.float32)
    # update_fn = mlp(d_in, d_up, d_h): Linear(d_in, d_h) -> ReLU -> Linear(d_h, d_up)
    W1 = jax.random.normal(ks[3], (D_IN, D_H), dtype=jnp.float32) * (1.0 / np.sqrt(D_IN))
    b1 = jnp.zeros((D_H,), dtype=jnp.float32)
    W2 = jax.random.normal(ks[4], (D_H, D_UP), dtype=jnp.float32) * (1.0 / np.sqrt(D_H))
    b2 = jnp.zeros((D_UP,), dtype=jnp.float32)
    return {"x": x, "edge_index": edge_index, "degrees": degrees,
            "W1": W1, "b1": b1, "W2": W2, "b2": b2}


def reference(x, edge_index, degrees, W1, b1, W2, b2):
    # degree_as_tag=False, retain_features=False -> x unchanged (degrees unused)
    # msg_kind='gin', flow='source_to_target': select=1, aggr over dim 0
    # msgs = x[edge_index[0]] (x_j), scattered to edge_index[1], summed (aggr='add')
    n_nodes = x.shape[0]
    x_j = jnp.take(x, edge_index[0], axis=0)
    message = jax.ops.segment_sum(x_j, edge_index[1], num_segments=n_nodes)
    self_msg = x
    h = (1.0 + EPS) * self_msg + message
    # update_fn MLP
    h1 = jnp.maximum(h @ W1 + b1, 0.0)
    out = h1 @ W2 + b2
    return out

if __name__ == "__main__":
    import jax
    _d = setup_inputs()
    print(jax.jit(kernel)(*tuple(_d.values())))

</pallas_src>

<mosaic_0001>
#map = affine_map<(d0, d1) -> (0, 0, 0)>
#map1 = affine_map<(d0, d1) -> (0, 0)>
module attributes {stable_mosaic.version = 14 : i64} {
  func.func @_aggregate(%arg0: i32, %arg1: i32, %arg2: memref<16x252x80xi32, #tpu.memory_space<hbm>>, %arg3: memref<16x252x80xi32, #tpu.memory_space<hbm>>, %arg4: memref<10000x64xf32, #tpu.memory_space<hbm>>, %arg5: memref<10000x64xf32, #tpu.memory_space<hbm>>, %arg6: memref<2x10240x64xf32, #tpu.memory_space<hbm>>, %arg7: memref<252x80xi32, #tpu.memory_space<vmem>>, %arg8: memref<252x80xi32, #tpu.memory_space<vmem>>, %arg9: memref<80x64xf32, #tpu.memory_space<vmem>>, %arg10: memref<80x64xf32, #tpu.memory_space<vmem>>, %arg11: memref<80x64xf32, #tpu.memory_space<vmem>>, %arg12: memref<80x64xf32, #tpu.memory_space<vmem>>, %arg13: memref<80x64xf32, #tpu.memory_space<vmem>>, %arg14: memref<80x64xf32, #tpu.memory_space<vmem>>, %arg15: memref<128x64xf32, #tpu.memory_space<vmem>>, %arg16: memref<10240x64xf32, #tpu.memory_space<vmem_shared>>, %arg17: memref<!tpu.dma_semaphore, #tpu.memory_space<semaphore_mem>>, %arg18: memref<!tpu.dma_semaphore, #tpu.memory_space<semaphore_mem>>, %arg19: memref<!tpu.dma_semaphore, #tpu.memory_space<semaphore_mem>>, %arg20: memref<!tpu.dma_semaphore, #tpu.memory_space<semaphore_mem>>, %arg21: memref<!tpu.dma_semaphore, #tpu.memory_space<semaphore_mem>>, %arg22: memref<!tpu.dma_semaphore, #tpu.memory_space<semaphore_mem>>, %arg23: memref<!tpu.dma_semaphore, #tpu.memory_space<semaphore_mem>>, %arg24: memref<!tpu.dma_semaphore, #tpu.memory_space<semaphore_mem>>, %arg25: memref<!tpu.dma_semaphore, #tpu.memory_space<semaphore_mem>>, %arg26: memref<!tpu.dma_semaphore, #tpu.memory_space<semaphore_mem>>, %arg27: memref<!tpu.dma_semaphore, #tpu.memory_space<semaphore_mem>>, %arg28: memref<!tpu.dma_semaphore, #tpu.memory_space<semaphore_mem>>) attributes {dimension_semantics = [#tpu.dimension_semantics<core_parallel>, #tpu.dimension_semantics<subcore_parallel>], iteration_bounds = array<i64: 2, 16>, scalar_prefetch = 0 : i64, scratch_operands = 22 : i64, tpu.core_type = #tpu.core_type<sc_vector_subcore>, window_params = [{transform_indices = #map}, {transform_indices = #map}, {transform_indices = #map1}, {transform_indices = #map1}, {transform_indices = #map}]} {
    %dma_start3A = arith.constant 0 : i32
    %dma_start3A_0 = arith.constant 0 : i32
    %dma_start3A_1 = tpu.memref_slice %arg2[%arg1, %dma_start3A, %dma_start3A_0] : memref<16x252x80xi32, #tpu.memory_space<hbm>> -> memref<1x252x80xi32, #tpu.memory_space<hbm>>
    %dma_start3A_2 = tpu.memref_squeeze %dma_start3A_1 : memref<1x252x80xi32, #tpu.memory_space<hbm>> -> memref<252x80xi32, #tpu.memory_space<hbm>>
    %dma_start3A_3 = arith.constant 0 : i32
    %dma_start3A_4 = arith.constant 0 : i32
    %dma_start3A_5 = tpu.memref_slice %arg2[%arg1, %dma_start3A_3, %dma_start3A_4] : memref<16x252x80xi32, #tpu.memory_space<hbm>> -> memref<1x252x80xi32, #tpu.memory_space<hbm>>
    %dma_start3A_6 = tpu.memref_squeeze %dma_start3A_5 : memref<1x252x80xi32, #tpu.memory_space<hbm>> -> memref<252x80xi32, #tpu.memory_space<hbm>>
    tpu.enqueue_dma source(%dma_start3A_6 : memref<252x80xi32, #tpu.memory_space<hbm>>) target(%arg7 : memref<252x80xi32, #tpu.memory_space<vmem>>) target_semaphore(%arg17 : memref<!tpu.dma_semaphore, #tpu.memory_space<semaphore_mem>>)
    %dma_start3A_7 = arith.constant 0 : i32
    %dma_start3A_8 = arith.constant 0 : i32
    %dma_start3A_9 = tpu.memref_slice %arg3[%arg1, %dma_start3A_7, %dma_start3A_8] : memref<16x252x80xi32, #tpu.memory_space<hbm>> -> memref<1x252x80xi32, #tpu.memory_space<hbm>>
    %dma_start3A_10 = tpu.memref_squeeze %dma_start3A_9 : memref<1x252x80xi32, #tpu.memory_space<hbm>> -> memref<252x80xi32, #tpu.memory_space<hbm>>
    %dma_start3A_11 = arith.constant 0 : i32
    %dma_start3A_12 = arith.constant 0 : i32
    %dma_start3A_13 = tpu.memref_slice %arg3[%arg1, %dma_start3A_11, %dma_start3A_12] : memref<16x252x80xi32, #tpu.memory_space<hbm>> -> memref<1x252x80xi32, #tpu.memory_space<hbm>>
    %dma_start3A_14 = tpu.memref_squeeze %dma_start3A_13 : memref<1x252x80xi32, #tpu.memory_space<hbm>> -> memref<252x80xi32, #tpu.memory_space<hbm>>
    tpu.enqueue_dma source(%dma_start3A_14 : memref<252x80xi32, #tpu.memory_space<hbm>>) target(%arg8 : memref<252x80xi32, #tpu.memory_space<vmem>>) target_semaphore(%arg18 : memref<!tpu.dma_semaphore, #tpu.memory_space<semaphore_mem>>)
    %scan3A = arith.constant 0 : i32
    %scan3A_15 = arith.constant 0 : i32
    %scan3A_16 = arith.constant 128 : i32
    %scan3A_17 = arith.addi %scan3A_15, %scan3A_16 : i32
    %scan3A_18 = arith.constant 1 : i32
    scf.for %scan3A_65 = %scan3A_15 to %scan3A_17 step %scan3A_18  : i32 {
      %scan3A_66 = arith.constant 0 : i32
      %scan3A_67 = arith.constant 4 : i32
      %scan3A_68 = arith.addi %scan3A_66, %scan3A_67 : i32
      %scan3A_69 = arith.constant 1 : i32
      scf.for %scan3A_71 = %scan3A_66 to %scan3A_68 step %scan3A_69  : i32 {
        %broadcast_in_dim3A = arith.constant 0.000000e+00 : f32
        %broadcast_in_dim3A_72 = vector.broadcast %broadcast_in_dim3A : f32 to vector<16xf32>
        %mul3A_73 = arith.constant 16 : i32
        %mul3A_74 = arith.muli %scan3A_71, %mul3A_73 : i32
        %swap3A = arith.index_cast %scan3A_65 : i32 to index
        %swap3A_75 = arith.index_cast %mul3A_74 : i32 to index
        %swap3A_76 = tpu.vector_load %arg15[%swap3A, %swap3A_75] {strides = array<i32>} : memref<128x64xf32, #tpu.memory_space<vmem>>, vector<1x16xf32>,
        %swap3A_77 = vector.shape_cast %swap3A_76 : vector<1x16xf32> to vector<16xf32>
        %swap3A_78 = vector.shape_cast %broadcast_in_dim3A_72 : vector<16xf32> to vector<1x16xf32>
        tpu.vector_store %arg15[%swap3A, %swap3A_75], %swap3A_78 {strides = array<i32>} : memref<128x64xf32, #tpu.memory_space<vmem>>, vector<1x16xf32>,
      }
      %scan3A_70 = arith.constant 4 : i32
    }
    %scan3A_19 = arith.constant 128 : i32
    %mul3A = arith.constant 640 : i32
    %mul3A_20 = arith.muli %arg1, %mul3A : i32
    %add3A = arith.constant 0 : i32
    %add3A_21 = arith.addi %mul3A_20, %add3A : i32
    "tpu.region"() ({
      %run_scoped3A = tpu.sem_alloc : memref<!tpu.dma_semaphore, #tpu.memory_space<semaphore_mem>>
      %dma_start3A_65 = arith.constant 0 : i32
      %dma_start3A_66 = tpu.memref_slice %arg16[%add3A_21, %dma_start3A_65] : memref<10240x64xf32, #tpu.memory_space<vmem_shared>> -> memref<128x64xf32, #tpu.memory_space<vmem_shared>>
      %dma_start3A_67 = arith.constant 0 : i32
      %dma_start3A_68 = tpu.memref_slice %arg16[%add3A_21, %dma_start3A_67] : memref<10240x64xf32, #tpu.memory_space<vmem_shared>> -> memref<128x64xf32, #tpu.memory_space<vmem_shared>>
      tpu.enqueue_dma source(%arg15 : memref<128x64xf32, #tpu.memory_space<vmem>>) target(%dma_start3A_68 : memref<128x64xf32, #tpu.memory_space<vmem_shared>>) target_semaphore(%run_scoped3A : memref<!tpu.dma_semaphore, #tpu.memory_space<semaphore_mem>>)
      %dma_wait3A_69 = arith.constant 0 : i32
      %dma_wait3A_70 = tpu.memref_slice %arg16[%add3A_21, %dma_wait3A_69] : memref<10240x64xf32, #tpu.memory_space<vmem_shared>> -> memref<128x64xf32, #tpu.memory_space<vmem_shared>>
      %dma_wait3A_71 = arith.constant 0 : i32
      %dma_wait3A_72 = tpu.memref_slice %arg16[%add3A_21, %dma_wait3A_71] : memref<10240x64xf32, #tpu.memory_space<vmem_shared>> -> memref<128x64xf32, #tpu.memory_space<vmem_shared>>
      tpu.wait_dma2 semaphore(%run_scoped3A : memref<!tpu.dma_semaphore, #tpu.memory_space<semaphore_mem>>) src(%arg15 : memref<128x64xf32, #tpu.memory_space<vmem>>) dst(%dma_wait3A_72 : memref<128x64xf32, #tpu.memory_space<vmem_shared>>)
      tpu.yield
    }) : () -> ()
    %mul3A_22 = arith.constant 640 : i32
    %mul3A_23 = arith.muli %arg1, %mul3A_22 : i32
    %add3A_24 = arith.constant 128 : i32
    %add3A_25 = arith.addi %mul3A_23, %add3A_24 : i32
    "tpu.region"() ({
      %run_scoped3A = tpu.sem_alloc : memref<!tpu.dma_semaphore, #tpu.memory_space<semaphore_mem>>
      %dma_start3A_65 = arith.constant 0 : i32
      %dma_start3A_66 = tpu.memref_slice %arg16[%add3A_25, %dma_start3A_65] : memref<10240x64xf32, #tpu.memory_space<vmem_shared>> -> memref<128x64xf32, #tpu.memory_space<vmem_shared>>
      %dma_start3A_67 = arith.constant 0 : i32
      %dma_start3A_68 = tpu.memref_slice %arg16[%add3A_25, %dma_start3A_67] : memref<10240x64xf32, #tpu.memory_space<vmem_shared>> -> memref<128x64xf32, #tpu.memory_space<vmem_shared>>
      tpu.enqueue_dma source(%arg15 : memref<128x64xf32, #tpu.memory_space<vmem>>) target(%dma_start3A_68 : memref<128x64xf32, #tpu.memory_space<vmem_shared>>) target_semaphore(%run_scoped3A : memref<!tpu.dma_semaphore, #tpu.memory_space<semaphore_mem>>)
      %dma_wait3A_69 = arith.constant 0 : i32
      %dma_wait3A_70 = tpu.memref_slice %arg16[%add3A_25, %dma_wait3A_69] : memref<10240x64xf32, #tpu.memory_space<vmem_shared>> -> memref<128x64xf32, #tpu.memory_space<vmem_shared>>
      %dma_wait3A_71 = arith.constant 0 : i32
      %dma_wait3A_72 = tpu.memref_slice %arg16[%add3A_25, %dma_wait3A_71] : memref<10240x64xf32, #tpu.memory_space<vmem_shared>> -> memref<128x64xf32, #tpu.memory_space<vmem_shared>>
      tpu.wait_dma2 semaphore(%run_scoped3A : memref<!tpu.dma_semaphore, #tpu.memory_space<semaphore_mem>>) src(%arg15 : memref<128x64xf32, #tpu.memory_space<vmem>>) dst(%dma_wait3A_72 : memref<128x64xf32, #tpu.memory_space<vmem_shared>>)
      tpu.yield
    }) : () -> ()
    %mul3A_26 = arith.constant 640 : i32
    %mul3A_27 = arith.muli %arg1, %mul3A_26 : i32
    %add3A_28 = arith.constant 256 : i32
    %add3A_29 = arith.addi %mul3A_27, %add3A_28 : i32
    "tpu.region"() ({
      %run_scoped3A = tpu.sem_alloc : memref<!tpu.dma_semaphore, #tpu.memory_space<semaphore_mem>>
      %dma_start3A_65 = arith.constant 0 : i32
      %dma_start3A_66 = tpu.memref_slice %arg16[%add3A_29, %dma_start3A_65] : memref<10240x64xf32, #tpu.memory_space<vmem_shared>> -> memref<128x64xf32, #tpu.memory_space<vmem_shared>>
      %dma_start3A_67 = arith.constant 0 : i32
      %dma_start3A_68 = tpu.memref_slice %arg16[%add3A_29, %dma_start3A_67] : memref<10240x64xf32, #tpu.memory_space<vmem_shared>> -> memref<128x64xf32, #tpu.memory_space<vmem_shared>>
      tpu.enqueue_dma source(%arg15 : memref<128x64xf32, #tpu.memory_space<vmem>>) target(%dma_start3A_68 : memref<128x64xf32, #tpu.memory_space<vmem_shared>>) target_semaphore(%run_scoped3A : memref<!tpu.dma_semaphore, #tpu.memory_space<semaphore_mem>>)
      %dma_wait3A_69 = arith.constant 0 : i32
      %dma_wait3A_70 = tpu.memref_slice %arg16[%add3A_29, %dma_wait3A_69] : memref<10240x64xf32, #tpu.memory_space<vmem_shared>> -> memref<128x64xf32, #tpu.memory_space<vmem_shared>>
      %dma_wait3A_71 = arith.constant 0 : i32
      %dma_wait3A_72 = tpu.memref_slice %arg16[%add3A_29, %dma_wait3A_71] : memref<10240x64xf32, #tpu.memory_space<vmem_shared>> -> memref<128x64xf32, #tpu.memory_space<vmem_shared>>
      tpu.wait_dma2 semaphore(%run_scoped3A : memref<!tpu.dma_semaphore, #tpu.memory_space<semaphore_mem>>) src(%arg15 : memref<128x64xf32, #tpu.memory_space<vmem>>) dst(%dma_wait3A_72 : memref<128x64xf32, #tpu.memory_space<vmem_shared>>)
      tpu.yield
    }) : () -> ()
    %mul3A_30 = arith.constant 640 : i32
    %mul3A_31 = arith.muli %arg1, %mul3A_30 : i32
    %add3A_32 = arith.constant 384 : i32
    %add3A_33 = arith.addi %mul3A_31, %add3A_32 : i32
    "tpu.region"() ({
      %run_scoped3A = tpu.sem_alloc : memref<!tpu.dma_semaphore, #tpu.memory_space<semaphore_mem>>
      %dma_start3A_65 = arith.constant 0 : i32
      %dma_start3A_66 = tpu.memref_slice %arg16[%add3A_33, %dma_start3A_65] : memref<10240x64xf32, #tpu.memory_space<vmem_shared>> -> memref<128x64xf32, #tpu.memory_space<vmem_shared>>
      %dma_start3A_67 = arith.constant 0 : i32
      %dma_start3A_68 = tpu.memref_slice %arg16[%add3A_33, %dma_start3A_67] : memref<10240x64xf32, #tpu.memory_space<vmem_shared>> -> memref<128x64xf32, #tpu.memory_space<vmem_shared>>
      tpu.enqueue_dma source(%arg15 : memref<128x64xf32, #tpu.memory_space<vmem>>) target(%dma_start3A_68 : memref<128x64xf32, #tpu.memory_space<vmem_shared>>) target_semaphore(%run_scoped3A : memref<!tpu.dma_semaphore, #tpu.memory_space<semaphore_mem>>)
      %dma_wait3A_69 = arith.constant 0 : i32
      %dma_wait3A_70 = tpu.memref_slice %arg16[%add3A_33, %dma_wait3A_69] : memref<10240x64xf32, #tpu.memory_space<vmem_shared>> -> memref<128x64xf32, #tpu.memory_space<vmem_shared>>
      %dma_wait3A_71 = arith.constant 0 : i32
      %dma_wait3A_72 = tpu.memref_slice %arg16[%add3A_33, %dma_wait3A_71] : memref<10240x64xf32, #tpu.memory_space<vmem_shared>> -> memref<128x64xf32, #tpu.memory_space<vmem_shared>>
      tpu.wait_dma2 semaphore(%run_scoped3A : memref<!tpu.dma_semaphore, #tpu.memory_space<semaphore_mem>>) src(%arg15 : memref<128x64xf32, #tpu.memory_space<vmem>>) dst(%dma_wait3A_72 : memref<128x64xf32, #tpu.memory_space<vmem_shared>>)
      tpu.yield
    }) : () -> ()
    %mul3A_34 = arith.constant 640 : i32
    %mul3A_35 = arith.muli %arg1, %mul3A_34 : i32
    %add3A_36 = arith.constant 512 : i32
    %add3A_37 = arith.addi %mul3A_35, %add3A_36 : i32
    "tpu.region"() ({
      %run_scoped3A = tpu.sem_alloc : memref<!tpu.dma_semaphore, #tpu.memory_space<semaphore_mem>>
      %dma_start3A_65 = arith.constant 0 : i32
      %dma_start3A_66 = tpu.memref_slice %arg16[%add3A_37, %dma_start3A_65] : memref<10240x64xf32, #tpu.memory_space<vmem_shared>> -> memref<128x64xf32, #tpu.memory_space<vmem_shared>>
      %dma_start3A_67 = arith.constant 0 : i32
      %dma_start3A_68 = tpu.memref_slice %arg16[%add3A_37, %dma_start3A_67] : memref<10240x64xf32, #tpu.memory_space<vmem_shared>> -> memref<128x64xf32, #tpu.memory_space<vmem_shared>>
      tpu.enqueue_dma source(%arg15 : memref<128x64xf32, #tpu.memory_space<vmem>>) target(%dma_start3A_68 : memref<128x64xf32, #tpu.memory_space<vmem_shared>>) target_semaphore(%run_scoped3A : memref<!tpu.dma_semaphore, #tpu.memory_space<semaphore_mem>>)
      %dma_wait3A_69 = arith.constant 0 : i32
      %dma_wait3A_70 = tpu.memref_slice %arg16[%add3A_37, %dma_wait3A_69] : memref<10240x64xf32, #tpu.memory_space<vmem_shared>> -> memref<128x64xf32, #tpu.memory_space<vmem_shared>>
      %dma_wait3A_71 = arith.constant 0 : i32
      %dma_wait3A_72 = tpu.memref_slice %arg16[%add3A_37, %dma_wait3A_71] : memref<10240x64xf32, #tpu.memory_space<vmem_shared>> -> memref<128x64xf32, #tpu.memory_space<vmem_shared>>
      tpu.wait_dma2 semaphore(%run_scoped3A : memref<!tpu.dma_semaphore, #tpu.memory_space<semaphore_mem>>) src(%arg15 : memref<128x64xf32, #tpu.memory_space<vmem>>) dst(%dma_wait3A_72 : memref<128x64xf32, #tpu.memory_space<vmem_shared>>)
      tpu.yield
    }) : () -> ()
    %dma_wait3A = arith.constant 0 : i32
    %dma_wait3A_38 = arith.constant 0 : i32
    %dma_wait3A_39 = tpu.memref_slice %arg2[%arg1, %dma_wait3A, %dma_wait3A_38] : memref<16x252x80xi32, #tpu.memory_space<hbm>> -> memref<1x252x80xi32, #tpu.memory_space<hbm>>
    %dma_wait3A_40 = tpu.memref_squeeze %dma_wait3A_39 : memref<1x252x80xi32, #tpu.memory_space<hbm>> -> memref<252x80xi32, #tpu.memory_space<hbm>>
    %dma_wait3A_41 = arith.constant 0 : i32
    %dma_wait3A_42 = arith.constant 0 : i32
    %dma_wait3A_43 = tpu.memref_slice %arg2[%arg1, %dma_wait3A_41, %dma_wait3A_42] : memref<16x252x80xi32, #tpu.memory_space<hbm>> -> memref<1x252x80xi32, #tpu.memory_space<hbm>>
    %dma_wait3A_44 = tpu.memref_squeeze %dma_wait3A_43 : memref<1x252x80xi32, #tpu.memory_space<hbm>> -> memref<252x80xi32, #tpu.memory_space<hbm>>
    tpu.wait_dma2 semaphore(%arg17 : memref<!tpu.dma_semaphore, #tpu.memory_space<semaphore_mem>>) src(%dma_wait3A_44 : memref<252x80xi32, #tpu.memory_space<hbm>>) dst(%arg7 : memref<252x80xi32, #tpu.memory_space<vmem>>)
    %dma_wait3A_45 = arith.constant 0 : i32
    %dma_wait3A_46 = arith.constant 0 : i32
    %dma_wait3A_47 = tpu.memref_slice %arg3[%arg1, %dma_wait3A_45, %dma_wait3A_46] : memref<16x252x80xi32, #tpu.memory_space<hbm>> -> memref<1x252x80xi32, #tpu.memory_space<hbm>>
    %dma_wait3A_48 = tpu.memref_squeeze %dma_wait3A_47 : memref<1x252x80xi32, #tpu.memory_space<hbm>> -> memref<252x80xi32, #tpu.memory_space<hbm>>
    %dma_wait3A_49 = arith.constant 0 : i32
    %dma_wait3A_50 = arith.constant 0 : i32
    %dma_wait3A_51 = tpu.memref_slice %arg3[%arg1, %dma_wait3A_49, %dma_wait3A_50] : memref<16x252x80xi32, #tpu.memory_space<hbm>> -> memref<1x252x80xi32, #tpu.memory_space<hbm>>
    %dma_wait3A_52 = tpu.memref_squeeze %dma_wait3A_51 : memref<1x252x80xi32, #tpu.memory_space<hbm>> -> memref<252x80xi32, #tpu.memory_space<hbm>>
    tpu.wait_dma2 semaphore(%arg18 : memref<!tpu.dma_semaphore, #tpu.memory_space<semaphore_mem>>) src(%dma_wait3A_52 : memref<252x80xi32, #tpu.memory_space<hbm>>) dst(%arg8 : memref<252x80xi32, #tpu.memory_space<vmem>>)
    %barrier3A = arith.constant 0 : index
    tpu.barrier barrier_id(%barrier3A)
    %eq3A = arith.constant 0 : i32
    %eq3A_53 = arith.cmpi eq, %arg0, %eq3A : i32
    %convert_element_type3A = arith.extui %eq3A_53 : i1 to i32
    %cond3A = arith.constant 0 : i32
    %cond3A_54 = arith.cmpi ne, %convert_element_type3A, %cond3A : i32
    scf.if %cond3A_54 {
      %dma_start3A_65 = arith.constant 0 : i32
      %dma_start3A_66 = arith.constant 0 : i32
      %dma_start3A_67 = tpu.memref_slice %arg7[%dma_start3A_65, %dma_start3A_66] : memref<252x80xi32, #tpu.memory_space<vmem>> -> memref<1x80xi32, #tpu.memory_space<vmem>>
      %dma_start3A_68 = tpu.memref_squeeze %dma_start3A_67 : memref<1x80xi32, #tpu.memory_space<vmem>> -> memref<80xi32, #tpu.memory_space<vmem>>
      %dma_start3A_69 = arith.constant 0 : i32
      %dma_start3A_70 = arith.constant 0 : i32
      %dma_start3A_71 = tpu.memref_slice %arg4[%dma_start3A_69, %dma_start3A_70] : memref<10000x64xf32, #tpu.memory_space<hbm>> -> memref<10000x64xf32, #tpu.memory_space<hbm>>
      tpu.enqueue_indirect_dma source(%dma_start3A_71 : memref<10000x64xf32, #tpu.memory_space<hbm>>) target(%arg9 : memref<80x64xf32, #tpu.memory_space<vmem>>) offsets(%dma_start3A_68 : memref<80xi32, #tpu.memory_space<vmem>>) semaphore(%arg17 : memref<!tpu.dma_semaphore, #tpu.memory_space<semaphore_mem>>)
      %dma_start3A_72 = arith.constant 1 : i32
      %dma_start3A_73 = arith.constant 0 : i32
      %dma_start3A_74 = tpu.memref_slice %arg7[%dma_start3A_72, %dma_start3A_73] : memref<252x80xi32, #tpu.memory_space<vmem>> -> memref<1x80xi32, #tpu.memory_space<vmem>>
      %dma_start3A_75 = tpu.memref_squeeze %dma_start3A_74 : memref<1x80xi32, #tpu.memory_space<vmem>> -> memref<80xi32, #tpu.memory_space<vmem>>
      %dma_start3A_76 = arith.constant 0 : i32
      %dma_start3A_77 = arith.constant 0 : i32
      %dma_start3A_78 = tpu.memref_slice %arg4[%dma_start3A_76, %dma_start3A_77] : memref<10000x64xf32, #tpu.memory_space<hbm>> -> memref<10000x64xf32, #tpu.memory_space<hbm>>
      tpu.enqueue_indirect_dma source(%dma_start3A_78 : memref<10000x64xf32, #tpu.memory_space<hbm>>) target(%arg10 : memref<80x64xf32, #tpu.memory_space<vmem>>) offsets(%dma_start3A_75 : memref<80xi32, #tpu.memory_space<vmem>>) semaphore(%arg18 : memref<!tpu.dma_semaphore, #tpu.memory_space<semaphore_mem>>)
      %dma_start3A_79 = arith.constant 2 : i32
      %dma_start3A_80 = arith.constant 0 : i32
      %dma_start3A_81 = tpu.memref_slice %arg7[%dma_start3A_79, %dma_start3A_80] : memref<252x80xi32, #tpu.memory_space<vmem>> -> memref<1x80xi32, #tpu.memory_space<vmem>>
      %dma_start3A_82 = tpu.memref_squeeze %dma_start3A_81 : memref<1x80xi32, #tpu.memory_space<vmem>> -> memref<80xi32, #tpu.memory_space<vmem>>
      %dma_start3A_83 = arith.constant 0 : i32
      %dma_start3A_84 = arith.constant 0 : i32
      %dma_start3A_85 = tpu.memref_slice %arg4[%dma_start3A_83, %dma_start3A_84] : memref<10000x64xf32, #tpu.memory_space<hbm>> -> memref<10000x64xf32, #tpu.memory_space<hbm>>
      tpu.enqueue_indirect_dma source(%dma_start3A_85 : memref<10000x64xf32, #tpu.memory_space<hbm>>) target(%arg11 : memref<80x64xf32, #tpu.memory_space<vmem>>) offsets(%dma_start3A_82 : memref<80xi32, #tpu.memory_space<vmem>>) semaphore(%arg19 : memref<!tpu.dma_semaphore, #tpu.memory_space<semaphore_mem>>)
      %dma_start3A_86 = arith.constant 3 : i32
      %dma_start3A_87 = arith.constant 0 : i32
      %dma_start3A_88 = tpu.memref_slice %arg7[%dma_start3A_86, %dma_start3A_87] : memref<252x80xi32, #tpu.memory_space<vmem>> -> memref<1x80xi32, #tpu.memory_space<vmem>>
      %dma_start3A_89 = tpu.memref_squeeze %dma_start3A_88 : memref<1x80xi32, #tpu.memory_space<vmem>> -> memref<80xi32, #tpu.memory_space<vmem>>
      %dma_start3A_90 = arith.constant 0 : i32
      %dma_start3A_91 = arith.constant 0 : i32
      %dma_start3A_92 = tpu.memref_slice %arg4[%dma_start3A_90, %dma_start3A_91] : memref<10000x64xf32, #tpu.memory_space<hbm>> -> memref<10000x64xf32, #tpu.memory_space<hbm>>
      tpu.enqueue_indirect_dma source(%dma_start3A_92 : memref<10000x64xf32, #tpu.memory_space<hbm>>) target(%arg12 : memref<80x64xf32, #tpu.memory_space<vmem>>) offsets(%dma_start3A_89 : memref<80xi32, #tpu.memory_space<vmem>>) semaphore(%arg20 : memref<!tpu.dma_semaphore, #tpu.memory_space<semaphore_mem>>)
      %dma_wait3A_93 = arith.constant 0 : i32
      %dma_wait3A_94 = arith.constant 0 : i32
      %dma_wait3A_95 = tpu.memref_slice %arg7[%dma_wait3A_93, %dma_wait3A_94] : memref<252x80xi32, #tpu.memory_space<vmem>> -> memref<1x80xi32, #tpu.memory_space<vmem>>
      %dma_wait3A_96 = tpu.memref_squeeze %dma_wait3A_95 : memref<1x80xi32, #tpu.memory_space<vmem>> -> memref<80xi32, #tpu.memory_space<vmem>>
      %dma_wait3A_97 = arith.constant 0 : i32
      %dma_wait3A_98 = arith.constant 0 : i32
      %dma_wait3A_99 = tpu.memref_slice %arg4[%dma_wait3A_97, %dma_wait3A_98] : memref<10000x64xf32, #tpu.memory_space<hbm>> -> memref<10000x64xf32, #tpu.memory_space<hbm>>
      tpu.wait_indirect_dma semaphore(%arg17 : memref<!tpu.dma_semaphore, #tpu.memory_space<semaphore_mem>>) src(%dma_wait3A_99 : memref<10000x64xf32, #tpu.memory_space<hbm>>) dst(%arg9 : memref<80x64xf32, #tpu.memory_space<vmem>>)
      %dma_start3A_100 = arith.constant 0 : i32
      %dma_start3A_101 = arith.constant 0 : i32
      %dma_start3A_102 = tpu.memref_slice %arg8[%dma_start3A_100, %dma_start3A_101] : memref<252x80xi32, #tpu.memory_space<vmem>> -> memref<1x80xi32, #tpu.memory_space<vmem>>
      %dma_start3A_103 = tpu.memref_squeeze %dma_start3A_102 : memref<1x80xi32, #tpu.memory_space<vmem>> -> memref<80xi32, #tpu.memory_space<vmem>>
      %dma_start3A_104 = arith.constant 0 : i32
      %dma_start3A_105 = arith.constant 0 : i32
      %dma_start3A_106 = tpu.memref_slice %arg16[%dma_start3A_104, %dma_start3A_105] : memref<10240x64xf32, #tpu.memory_space<vmem_shared>> -> memref<10240x64xf32, #tpu.memory_space<vmem_shared>>
      tpu.enqueue_indirect_dma source(%arg9 : memref<80x64xf32, #tpu.memory_space<vmem>>) target(%dma_start3A_106 : memref<10240x64xf32, #tpu.memory_space<vmem_shared>>) offsets(%dma_start3A_103 : memref<80xi32, #tpu.memory_space<vmem>>) semaphore(%arg23 : memref<!tpu.dma_semaphore, #tpu.memory_space<semaphore_mem>>) {add = true}
      %dma_start3A_107 = arith.constant 4 : i32
      %dma_start3A_108 = arith.constant 0 : i32
      %dma_start3A_109 = tpu.memref_slice %arg7[%dma_start3A_107, %dma_start3A_108] : memref<252x80xi32, #tpu.memory_space<vmem>> -> memref<1x80xi32, #tpu.memory_space<vmem>>
      %dma_start3A_110 = tpu.memref_squeeze %dma_start3A_109 : memref<1x80xi32, #tpu.memory_space<vmem>> -> memref<80xi32, #tpu.memory_space<vmem>>
      %dma_start3A_111 = arith.constant 0 : i32
      %dma_start3A_112 = arith.constant 0 : i32
      %dma_start3A_113 = tpu.memref_slice %arg4[%dma_start3A_111, %dma_start3A_112] : memref<10000x64xf32, #tpu.memory_space<hbm>> -> memref<10000x64xf32, #tpu.memory_space<hbm>>
      tpu.enqueue_indirect_dma source(%dma_start3A_113 : memref<10000x64xf32, #tpu.memory_space<hbm>>) target(%arg13 : memref<80x64xf32, #tpu.memory_space<vmem>>) offsets(%dma_start3A_110 : memref<80xi32, #tpu.memory_space<vmem>>) semaphore(%arg21 : memref<!tpu.dma_semaphore, #tpu.memory_space<semaphore_mem>>)
      %dma_wait3A_114 = arith.constant 1 : i32
      %dma_wait3A_115 = arith.constant 0 : i32
      %dma_wait3A_116 = tpu.memref_slice %arg7[%dma_wait3A_114, %dma_wait3A_115] : memref<252x80xi32, #tpu.memory_space<vmem>> -> memref<1x80xi32, #tpu.memory_space<vmem>>
      %dma_wait3A_117 = tpu.memref_squeeze %dma_wait3A_116 : memref<1x80xi32, #tpu.memory_space<vmem>> -> memref<80xi32, #tpu.memory_space<vmem>>
      %dma_wait3A_118 = arith.constant 0 : i32
      %dma_wait3A_119 = arith.constant 0 : i32
      %dma_wait3A_120 = tpu.memref_slice %arg4[%dma_wait3A_118, %dma_wait3A_119] : memref<10000x64xf32, #tpu.memory_space<hbm>> -> memref<10000x64xf32, #tpu.memory_space<hbm>>
      tpu.wait_indirect_dma semaphore(%arg18 : memref<!tpu.dma_semaphore, #tpu.memory_space<semaphore_mem>>) src(%dma_wait3A_120 : memref<10000x64xf32, #tpu.memory_space<hbm>>) dst(%arg10 : memref<80x64xf32, #tpu.memory_space<vmem>>)
      %dma_start3A_121 = arith.constant 1 : i32
      %dma_start3A_122 = arith.constant 0 : i32
      %dma_start3A_123 = tpu.memref_slice %arg8[%dma_start3A_121, %dma_start3A_122] : memref<252x80xi32, #tpu.memory_space<vmem>> -> memref<1x80xi32, #tpu.memory_space<vmem>>
      %dma_start3A_124 = tpu.memref_squeeze %dma_start3A_123 : memref<1x80xi32, #tpu.memory_space<vmem>> -> memref<80xi32, #tpu.memory_space<vmem>>
      %dma_start3A_125 = arith.constant 0 : i32
      %dma_start3A_126 = arith.constant 0 : i32
      %dma_start3A_127 = tpu.memref_slice %arg16[%dma_start3A_125, %dma_start3A_126] : memref<10240x64xf32, #tpu.memory_space<vmem_shared>> -> memref<10240x64xf32, #tpu.memory_space<vmem_shared>>
      tpu.enqueue_indirect_dma source(%arg10 : memref<80x64xf32, #tpu.memory_space<vmem>>) target(%dma_start3A_127 : memref<10240x64xf32, #tpu.memory_space<vmem_shared>>) offsets(%dma_start3A_124 : memref<80xi32, #tpu.memory_space<vmem>>) semaphore(%arg24 : memref<!tpu.dma_semaphore, #tpu.memory_space<semaphore_mem>>) {add = true}
      %dma_start3A_128 = arith.constant 5 : i32
      %dma_start3A_129 = arith.constant 0 : i32
      %dma_start3A_130 = tpu.memref_slice %arg7[%dma_start3A_128, %dma_start3A_129] : memref<252x80xi32, #tpu.memory_space<vmem>> -> memref<1x80xi32, #tpu.memory_space<vmem>>
      %dma_start3A_131 = tpu.memref_squeeze %dma_start3A_130 : memref<1x80xi32, #tpu.memory_space<vmem>> -> memref<80xi32, #tpu.memory_space<vmem>>
      %dma_start3A_132 = arith.constant 0 : i32
      %dma_start3A_133 = arith.constant 0 : i32
      %dma_start3A_134 = tpu.memref_slice %arg4[%dma_start3A_132, %dma_start3A_133] : memref<10000x64xf32, #tpu.memory_space<hbm>> -> memref<10000x64xf32, #tpu.memory_space<hbm>>
      tpu.enqueue_indirect_dma source(%dma_start3A_134 : memref<10000x64xf32, #tpu.memory_space<hbm>>) target(%arg14 : memref<80x64xf32, #tpu.memory_space<vmem>>) offsets(%dma_start3A_131 : memref<80xi32, #tpu.memory_space<vmem>>) semaphore(%arg22 : memref<!tpu.dma_semaphore, #tpu.memory_space<semaphore_mem>>)
      %dma_wait3A_135 = arith.constant 2 : i32
      %dma_wait3A_136 = arith.constant 0 : i32
      %dma_wait3A_137 = tpu.memref_slice %arg7[%dma_wait3A_135, %dma_wait3A_136] : memref<252x80xi32, #tpu.memory_space<vmem>> -> memref<1x80xi32, #tpu.memory_space<vmem>>
      %dma_wait3A_138 = tpu.memref_squeeze %dma_wait3A_137 : memref<1x80xi32, #tpu.memory_space<vmem>> -> memref<80xi32, #tpu.memory_space<vmem>>
      %dma_wait3A_139 = arith.constant 0 : i32
      %dma_wait3A_140 = arith.constant 0 : i32
      %dma_wait3A_141 = tpu.memref_slice %arg4[%dma_wait3A_139, %dma_wait3A_140] : memref<10000x64xf32, #tpu.memory_space<hbm>> -> memref<10000x64xf32, #tpu.memory_space<hbm>>
      tpu.wait_indirect_dma semaphore(%arg19 : memref<!tpu.dma_semaphore, #tpu.memory_space<semaphore_mem>>) src(%dma_wait3A_141 : memref<10000x64xf32, #tpu.memory_space<hbm>>) dst(%arg11 : memref<80x64xf32, #tpu.memory_space<vmem>>)
      %dma_start3A_142 = arith.constant 2 : i32
      %dma_start3A_143 = arith.constant 0 : i32
      %dma_start3A_144 = tpu.memref_slice %arg8[%dma_start3A_142, %dma_start3A_143] : memref<252x80xi32, #tpu.memory_space<vmem>> -> memref<1x80xi32, #tpu.memory_space<vmem>>
      %dma_start3A_145 = tpu.memref_squeeze %dma_start3A_144 : memref<1x80xi32, #tpu.memory_space<vmem>> -> memref<80xi32, #tpu.memory_space<vmem>>
      %dma_start3A_146 = arith.constant 0 : i32
      %dma_start3A_147 = arith.constant 0 : i32
      %dma_start3A_148 = tpu.memref_slice %arg16[%dma_start3A_146, %dma_start3A_147] : memref<10240x64xf32, #tpu.memory_space<vmem_shared>> -> memref<10240x64xf32, #tpu.memory_space<vmem_shared>>
      tpu.enqueue_indirect_dma source(%arg11 : memref<80x64xf32, #tpu.memory_space<vmem>>) target(%dma_start3A_148 : memref<10240x64xf32, #tpu.memory_space<vmem_shared>>) offsets(%dma_start3A_145 : memref<80xi32, #tpu.memory_space<vmem>>) semaphore(%arg25 : memref<!tpu.dma_semaphore, #tpu.memory_space<semaphore_mem>>) {add = true}
      %dma_wait3A_149 = arith.constant 0 : i32
      %dma_wait3A_150 = arith.constant 0 : i32
      %dma_wait3A_151 = tpu.memref_slice %arg8[%dma_wait3A_149, %dma_wait3A_150] : memref<252x80xi32, #tpu.memory_space<vmem>> -> memref<1x80xi32, #tpu.memory_space<vmem>>
      %dma_wait3A_152 = tpu.memref_squeeze %dma_wait3A_151 : memref<1x80xi32, #tpu.memory_space<vmem>> -> memref<80xi32, #tpu.memory_space<vmem>>
      %dma_wait3A_153 = arith.constant 0 : i32
      %dma_wait3A_154 = arith.constant 0 : i32
      %dma_wait3A_155 = tpu.memref_slice %arg16[%dma_wait3A_153, %dma_wait3A_154] : memref<10240x64xf32, #tpu.memory_space<vmem_shared>> -> memref<10240x64xf32, #tpu.memory_space<vmem_shared>>
      tpu.wait_indirect_dma semaphore(%arg23 : memref<!tpu.dma_semaphore, #tpu.memory_space<semaphore_mem>>) src(%arg9 : memref<80x64xf32, #tpu.memory_space<vmem>>) dst(%dma_wait3A_155 : memref<10240x64xf32, #tpu.memory_space<vmem_shared>>)
      %dma_start3A_156 = arith.constant 6 : i32
      %dma_start3A_157 = arith.constant 0 : i32
      %dma_start3A_158 = tpu.memref_slice %arg7[%dma_start3A_156, %dma_start3A_157] : memref<252x80xi32, #tpu.memory_space<vmem>> -> memref<1x80xi32, #tpu.memory_space<vmem>>
      %dma_start3A_159 = tpu.memref_squeeze %dma_start3A_158 : memref<1x80xi32, #tpu.memory_space<vmem>> -> memref<80xi32, #tpu.memory_space<vmem>>
      %dma_start3A_160 = arith.constant 0 : i32
      %dma_start3A_161 = arith.constant 0 : i32
      %dma_start3A_162 = tpu.memref_slice %arg4[%dma_start3A_160, %dma_start3A_161] : memref<10000x64xf32, #tpu.memory_space<hbm>> -> memref<10000x64xf32, #tpu.memory_space<hbm>>
      tpu.enqueue_indirect_dma source(%dma_start3A_162 : memref<10000x64xf32, #tpu.memory_space<hbm>>) target(%arg9 : memref<80x64xf32, #tpu.memory_space<vmem>>) offsets(%dma_start3A_159 : memref<80xi32, #tpu.memory_space<vmem>>) semaphore(%arg17 : memref<!tpu.dma_semaphore, #tpu.memory_space<semaphore_mem>>)
      %dma_wait3A_163 = arith.constant 3 : i32
      %dma_wait3A_164 = arith.constant 0 : i32
      %dma_wait3A_165 = tpu.memref_slice %arg7[%dma_wait3A_163, %dma_wait3A_164] : memref<252x80xi32, #tpu.memory_space<vmem>> -> memref<1x80xi32, #tpu.memory_space<vmem>>
      %dma_wait3A_166 = tpu.memref_squeeze %dma_wait3A_165 : memref<1x80xi32, #tpu.memory_space<vmem>> -> memref<80xi32, #tpu.memory_space<vmem>>
      %dma_wait3A_167 = arith.constant 0 : i32
      %dma_wait3A_168 = arith.constant 0 : i32
      %dma_wait3A_169 = tpu.memref_slice %arg4[%dma_wait3A_167, %dma_wait3A_168] : memref<10000x64xf32, #tpu.memory_space<hbm>> -> memref<10000x64xf32, #tpu.memory_space<hbm>>
      tpu.wait_indirect_dma semaphore(%arg20 : memref<!tpu.dma_semaphore, #tpu.memory_space<semaphore_mem>>) src(%dma_wait3A_169 : memref<10000x64xf32, #tpu.memory_space<hbm>>) dst(%arg12 : memref<80x64xf32, #tpu.memory_space<vmem>>)
      %dma_start3A_170 = arith.constant 3 : i32
      %dma_start3A_171 = arith.constant 0 : i32
      %dma_start3A_172 = tpu.memref_slice %arg8[%dma_start3A_170, %dma_start3A_171] : memref<252x80xi32, #tpu.memory_space<vmem>> -> memref<1x80xi32, #tpu.memory_space<vmem>>
      %dma_start3A_173 = tpu.memref_squeeze %dma_start3A_172 : memref<1x80xi32, #tpu.memory_space<vmem>> -> memref<80xi32, #tpu.memory_space<vmem>>
      %dma_start3A_174 = arith.constant 0 : i32
      %dma_start3A_175 = arith.constant 0 : i32
      %dma_start3A_176 = tpu.memref_slice %arg16[%dma_start3A_174, %dma_start3A_175] : memref<10240x64xf32, #tpu.memory_space<vmem_shared>> -> memref<10240x64xf32, #tpu.memory_space<vmem_shared>>
      tpu.enqueue_indirect_dma source(%arg12 : memref<80x64xf32, #tpu.memory_space<vmem>>) target(%dma_start3A_176 : memref<10240x64xf32, #tpu.memory_space<vmem_shared>>) offsets(%dma_start3A_173 : memref<80xi32, #tpu.memory_space<vmem>>) semaphore(%arg26 : memref<!tpu.dma_semaphore, #tpu.memory_space<semaphore_mem>>) {add = true}
      %dma_wait3A_177 = arith.constant 1 : i32
      %dma_wait3A_178 = arith.constant 0 : i32
      %dma_wait3A_179 = tpu.memref_slice %arg8[%dma_wait3A_177, %dma_wait3A_178] : memref<252x80xi32, #tpu.memory_space<vmem>> -> memref<1x80xi32, #tpu.memory_space<vmem>>
      %dma_wait3A_180 = tpu.memref_squeeze %dma_wait3A_179 : memref<1x80xi32, #tpu.memory_space<vmem>> -> memref<80xi32, #tpu.memory_space<vmem>>
      %dma_wait3A_181 = arith.constant 0 : i32
      %dma_wait3A_182 = arith.constant 0 : i32
      %dma_wait3A_183 = tpu.memref_slice %arg16[%dma_wait3A_181, %dma_wait3A_182] : memref<10240x64xf32, #tpu.memory_space<vmem_shared>> -> memref<10240x64xf32, #tpu.memory_space<vmem_shared>>
      tpu.wait_indirect_dma semaphore(%arg24 : memref<!tpu.dma_semaphore, #tpu.memory_space<semaphore_mem>>) src(%arg10 : memref<80x64xf32, #tpu.memory_space<vmem>>) dst(%dma_wait3A_183 : memref<10240x64xf32, #tpu.memory_space<vmem_shared>>)
      %dma_start3A_184 = arith.constant 7 : i32
      %dma_start3A_185 = arith.constant 0 : i32
      %dma_start3A_186 = tpu.memref_slice %arg7[%dma_start3A_184, %dma_start3A_185] : memref<252x80xi32, #tpu.memory_space<vmem>> -> memref<1x80xi32, #tpu.memory_space<vmem>>
      %dma_start3A_187 = tpu.memref_squeeze %dma_start3A_186 : memref<1x80xi32, #tpu.memory_space<vmem>> -> memref<80xi32, #tpu.memory_space<vmem>>
      %dma_start3A_188 = arith.constant 0 : i32
      %dma_start3A_189 = arith.constant 0 : i32
      %dma_start3A_190 = tpu.memref_slice %arg4[%dma_start3A_188, %dma_start3A_189] : memref<10000x64xf32, #tpu.memory_space<hbm>> -> memref<10000x64xf32, #tpu.memory_space<hbm>>
      tpu.enqueue_indirect_dma source(%dma_start3A_190 : memref<10000x64xf32, #tpu.memory_space<hbm>>) target(%arg10 : memref<80x64xf32, #tpu.memory_space<vmem>>) offsets(%dma_start3A_187 : memref<80xi32, #tpu.memory_space<vmem>>) semaphore(%arg18 : memref<!tpu.dma_semaphore, #tpu.memory_space<semaphore_mem>>)
      %dma_wait3A_191 = arith.constant 4 : i32
      %dma_wait3A_192 = arith.constant 0 : i32
      %dma_wait3A_193 = tpu.memref_slice %arg7[%dma_wait3A_191, %dma_wait3A_192] : memref<252x80xi32, #tpu.memory_space<vmem>> -> memref<1x80xi32, #tpu.memory_space<vmem>>
      %dma_wait3A_194 = tpu.memref_squeeze %dma_wait3A_193 : memref<1x80xi32, #tpu.memory_space<vmem>> -> memref<80xi32, #tpu.memory_space<vmem>>
      %dma_wait3A_195 = arith.constant 0 : i32
      %dma_wait3A_196 = arith.constant 0 : i32
      %dma_wait3A_197 = tpu.memref_slice %arg4[%dma_wait3A_195, %dma_wait3A_196] : memref<10000x64xf32, #tpu.memory_space<hbm>> -> memref<10000x64xf32, #tpu.memory_space<hbm>>
      tpu.wait_indirect_dma semaphore(%arg21 : memref<!tpu.dma_semaphore, #tpu.memory_space<semaphore_mem>>) src(%dma_wait3A_197 : memref<10000x64xf32, #tpu.memory_space<hbm>>) dst(%arg13 : memref<80x64xf32, #tpu.memory_space<vmem>>)
      %dma_start3A_198 = arith.constant 4 : i32
      %dma_start3A_199 = arith.constant 0 : i32
      %dma_start3A_200 = tpu.memref_slice %arg8[%dma_start3A_198, %dma_start3A_199] : memref<252x80xi32, #tpu.memory_space<vmem>> -> memref<1x80xi32, #tpu.memory_space<vmem>>
      %dma_start3A_201 = tpu.memref_squeeze %dma_start3A_200 : memref<1x80xi32, #tpu.memory_space<vmem>> -> memref<80xi32, #tpu.memory_space<vmem>>
      %dma_start3A_202 = arith.constant 0 : i32
      %dma_start3A_203 = arith.constant 0 : i32
      %dma_start3A_204 = tpu.memref_slice %arg16[%dma_start3A_202, %dma_start3A_203] : memref<10240x64xf32, #tpu.memory_space<vmem_shared>> -> memref<10240x64xf32, #tpu.memory_space<vmem_shared>>
      tpu.enqueue_indirect_dma source(%arg13 : memref<80x64xf32, #tpu.memory_space<vmem>>) target(%dma_start3A_204 : memref<10240x64xf32, #tpu.memory_space<vmem_shared>>) offsets(%dma_start3A_201 : memref<80xi32, #tpu.memory_space<vmem>>) semaphore(%arg27 : memref<!tpu.dma_semaphore, #tpu.memory_space<semaphore_mem>>) {add = true}
      %dma_wait3A_205 = arith.constant 2 : i32
      %dma_wait3A_206 = arith.constant 0 : i32
      %dma_wait3A_207 = tpu.memref_slice %arg8[%dma_wait3A_205, %dma_wait3A_206] : memref<252x80xi32, #tpu.memory_space<vmem>> -> memref<1x80xi32, #tpu.memory_space<vmem>>
      %dma_wait3A_208 = tpu.memref_squeeze %dma_wait3A_207 : memref<1x80xi32, #tpu.memory_space<vmem>> -> memref<80xi32, #tpu.memory_space<vmem>>
      %dma_wait3A_209 = arith.constant 0 : i32
      %dma_wait3A_210 = arith.constant 0 : i32
      %dma_wait3A_211 = tpu.memref_slice %arg16[%dma_wait3A_209, %dma_wait3A_210] : memref<10240x64xf32, #tpu.memory_space<vmem_shared>> -> memref<10240x64xf32, #tpu.memory_space<vmem_shared>>
      tpu.wait_indirect_dma semaphore(%arg25 : memref<!tpu.dma_semaphore, #tpu.memory_space<semaphore_mem>>) src(%arg11 : memref<80x64xf32, #tpu.memory_space<vmem>>) dst(%dma_wait3A_211 : memref<10240x64xf32, #tpu.memory_space<vmem_shared>>)
      %dma_start3A_212 = arith.constant 8 : i32
      %dma_start3A_213 = arith.constant 0 : i32
      %dma_start3A_214 = tpu.memref_slice %arg7[%dma_start3A_212, %dma_start3A_213] : memref<252x80xi32, #tpu.memory_space<vmem>> -> memref<1x80xi32, #tpu.memory_space<vmem>>
      %dma_start3A_215 = tpu.memref_squeeze %dma_start3A_214 : memref<1x80xi32, #tpu.memory_space<vmem>> -> memref<80xi32, #tpu.memory_space<vmem>>
      %dma_start3A_216 = arith.constant 0 : i32
      %dma_start3A_217 = arith.constant 0 : i32
      %dma_start3A_218 = tpu.memref_slice %arg4[%dma_start3A_216, %dma_start3A_217] : memref<10000x64xf32, #tpu.memory_space<hbm>> -> memref<10000x64xf32, #tpu.memory_space<hbm>>
      tpu.enqueue_indirect_dma source(%dma_start3A_218 : memref<10000x64xf32, #tpu.memory_space<hbm>>) target(%arg11 : memref<80x64xf32, #tpu.memory_space<vmem>>) offsets(%dma_start3A_215 : memref<80xi32, #tpu.memory_space<vmem>>) semaphore(%arg19 : memref<!tpu.dma_semaphore, #tpu.memory_space<semaphore_mem>>)
      %dma_wait3A_219 = arith.constant 5 : i32
      %dma_wait3A_220 = arith.constant 0 : i32
      %dma_wait3A_221 = tpu.memref_slice %arg7[%dma_wait3A_219, %dma_wait3A_220] : memref<252x80xi32, #tpu.memory_space<vmem>> -> memref<1x80xi32, #tpu.memory_space<vmem>>
      %dma_wait3A_222 = tpu.memref_squeeze %dma_wait3A_221 : memref<1x80xi32, #tpu.memory_space<vmem>> -> memref<80xi32, #tpu.memory_space<vmem>>
      %dma_wait3A_223 = arith.constant 0 : i32
      %dma_wait3A_224 = arith.constant 0 : i32
      %dma_wait3A_225 = tpu.memref_slice %arg4[%dma_wait3A_223, %dma_wait3A_224] : memref<10000x64xf32, #tpu.memory_space<hbm>> -> memref<10000x64xf32, #tpu.memory_space<hbm>>
      tpu.wait_indirect_dma semaphore(%arg22 : memref<!tpu.dma_semaphore, #tpu.memory_space<semaphore_mem>>) src(%dma_wait3A_225 : memref<10000x64xf32, #tpu.memory_space<hbm>>) dst(%arg14 : memref<80x64xf32, #tpu.memory_space<vmem>>)
      %dma_start3A_226 = arith.constant 5 : i32
      %dma_start3A_227 = arith.constant 0 : i32
      %dma_start3A_228 = tpu.memref_slice %arg8[%dma_start3A_226, %dma_start3A_227] : memref<252x80xi32, #tpu.memory_space<vmem>> -> memref<1x80xi32, #tpu.memory_space<vmem>>
      %dma_start3A_229 = tpu.memref_squeeze %dma_start3A_228 : memref<1x80xi32, #tpu.memory_space<vmem>> -> memref<80xi32, #tpu.memory_space<vmem>>
      %dma_start3A_230 = arith.constant 0 : i32
      %dma_start3A_231 = arith.constant 0 : i32
      %dma_start3A_232 = tpu.memref_slice %arg16[%dma_start3A_230, %dma_start3A_231] : memref<10240x64xf32, #tpu.memory_space<vmem_shared>> -> memref<10240x64xf32, #tpu.memory_space<vmem_shared>>
      tpu.enqueue_indirect_dma source(%arg14 : memref<80x64xf32, #tpu.memory_space<vmem>>) target(%dma_start3A_232 : memref<10240x64xf32, #tpu.memory_space<vmem_shared>>) offsets(%dma_start3A_229 : memref<80xi32, #tpu.memory_space<vmem>>) semaphore(%arg28 : memref<!tpu.dma_semaphore, #tpu.memory_space<semaphore_mem>>) {add = true}
      %dma_wait3A_233 = arith.constant 3 : i32
      %dma_wait3A_234 = arith.constant 0 : i32
      %dma_wait3A_235 = tpu.memref_slice %arg8[%dma_wait3A_233, %dma_wait3A_234] : memref<252x80xi32, #tpu.memory_space<vmem>> -> memref<1x80xi32, #tpu.memory_space<vmem>>
      %dma_wait3A_236 = tpu.memref_squeeze %dma_wait3A_235 : memref<1x80xi32, #tpu.memory_space<vmem>> -> memref<80xi32, #tpu.memory_space<vmem>>
      %dma_wait3A_237 = arith.constant 0 : i32
      %dma_wait3A_238 = arith.constant 0 : i32
      %dma_wait3A_239 = tpu.memref_slice %arg16[%dma_wait3A_237, %dma_wait3A_238] : memref<10240x64xf32, #tpu.memory_space<vmem_shared>> -> memref<10240x64xf32, #tpu.memory_space<vmem_shared>>
      tpu.wait_indirect_dma semaphore(%arg26 : memref<!tpu.dma_semaphore, #tpu.memory_space<semaphore_mem>>) src(%arg12 : memref<80x64xf32, #tpu.memory_space<vmem>>) dst(%dma_wait3A_239 : memref<10240x64xf32, #tpu.memory_space<vmem_shared>>)
      %dma_start3A_240 = arith.constant 9 : i32
      %dma_start3A_241 = arith.constant 0 : i32
      %dma_start3A_242 = tpu.memref_slice %arg7[%dma_start3A_240, %dma_start3A_241] : memref<252x80xi32, #tpu.memory_space<vmem>> -> memref<1x80xi32, #tpu.memory_space<vmem>>
      %dma_start3A_243 = tpu.memref_squeeze %dma_start3A_242 : memref<1x80xi32, #tpu.memory_space<vmem>> -> memref<80xi32, #tpu.memory_space<vmem>>
      %dma_start3A_244 = arith.constant 0 : i32
      %dma_start3A_245 = arith.constant 0 : i32
      %dma_start3A_246 = tpu.memref_slice %arg4[%dma_start3A_244, %dma_start3A_245] : memref<10000x64xf32, #tpu.memory_space<hbm>> -> memref<10000x64xf32, #tpu.memory_space<hbm>>
      tpu.enqueue_indirect_dma source(%dma_start3A_246 : memref<10000x64xf32, #tpu.memory_space<hbm>>) target(%arg12 : memref<80x64xf32, #tpu.memory_space<vmem>>) offsets(%dma_start3A_243 : memref<80xi32, #tpu.memory_space<vmem>>) semaphore(%arg20 : memref<!tpu.dma_semaphore, #tpu.memory_space<semaphore_mem>>)
      %scan3A_247 = arith.constant 0 : i32
      %scan3A_248 = arith.constant 1 : i32
      %scan3A_249 = arith.constant 40 : i32
      %scan3A_250 = arith.addi %scan3A_248, %scan3A_249 : i32
      %scan3A_251 = arith.constant 1 : i32
      scf.for %scan3A_407 = %scan3A_248 to %scan3A_250 step %scan3A_251  : i32 {
        %mul3A_408 = arith.constant 6 : i32
        %mul3A_409 = arith.muli %mul3A_408, %scan3A_407 : i32
        %add3A_410 = arith.constant 0 : i32
        %add3A_411 = arith.addi %mul3A_409, %add3A_410 : i32
        %dma_wait3A_412 = arith.constant 0 : i32
        %dma_wait3A_413 = tpu.memref_slice %arg7[%add3A_411, %dma_wait3A_412] : memref<252x80xi32, #tpu.memory_space<vmem>> -> memref<1x80xi32, #tpu.memory_space<vmem>>
        %dma_wait3A_414 = tpu.memref_squeeze %dma_wait3A_413 : memref<1x80xi32, #tpu.memory_space<vmem>> -> memref<80xi32, #tpu.memory_space<vmem>>
        %dma_wait3A_415 = arith.constant 0 : i32
        %dma_wait3A_416 = arith.constant 0 : i32
        %dma_wait3A_417 = tpu.memref_slice %arg4[%dma_wait3A_415, %dma_wait3A_416] : memref<10000x64xf32, #tpu.memory_space<hbm>> -> memref<10000x64xf32, #tpu.memory_space<hbm>>
        tpu.wait_indirect_dma semaphore(%arg17 : memref<!tpu.dma_semaphore, #tpu.memory_space<semaphore_mem>>) src(%dma_wait3A_417 : memref<10000x64xf32, #tpu.memory_space<hbm>>) dst(%arg9 : memref<80x64xf32, #tpu.memory_space<vmem>>)
        %dma_start3A_418 = arith.constant 0 : i32
        %dma_start3A_419 = tpu.memref_slice %arg8[%add3A_411, %dma_start3A_418] : memref<252x80xi32, #tpu.memory_space<vmem>> -> memref<1x80xi32, #tpu.memory_space<vmem>>
        %dma_start3A_420 = tpu.memref_squeeze %dma_start3A_419 : memref<1x80xi32, #tpu.memory_space<vmem>> -> memref<80xi32, #tpu.memory_space<vmem>>
        %dma_start3A_421 = arith.constant 0 : i32
        %dma_start3A_422 = arith.constant 0 : i32
        %dma_start3A_423 = tpu.memref_slice %arg16[%dma_start3A_421, %dma_start3A_422] : memref<10240x64xf32, #tpu.memory_space<vmem_shared>> -> memref<10240x64xf32, #tpu.memory_space<vmem_shared>>
        tpu.enqueue_indirect_dma source(%arg9 : memref<80x64xf32, #tpu.memory_space<vmem>>) target(%dma_start3A_423 : memref<10240x64xf32, #tpu.memory_space<vmem_shared>>) offsets(%dma_start3A_420 : memref<80xi32, #tpu.memory_space<vmem>>) semaphore(%arg23 : memref<!tpu.dma_semaphore, #tpu.memory_space<semaphore_mem>>) {add = true}
        %sub3A = arith.constant 2 : i32
        %sub3A_424 = arith.subi %add3A_411, %sub3A : i32
        %dma_wait3A_425 = arith.constant 0 : i32
        %dma_wait3A_426 = tpu.memref_slice %arg8[%sub3A_424, %dma_wait3A_425] : memref<252x80xi32, #tpu.memory_space<vmem>> -> memref<1x80xi32, #tpu.memory_space<vmem>>
        %dma_wait3A_427 = tpu.memref_squeeze %dma_wait3A_426 : memref<1x80xi32, #tpu.memory_space<vmem>> -> memref<80xi32, #tpu.memory_space<vmem>>
        %dma_wait3A_428 = arith.constant 0 : i32
        %dma_wait3A_429 = arith.constant 0 : i32
        %dma_wait3A_430 = tpu.memref_slice %arg16[%dma_wait3A_428, %dma_wait3A_429] : memref<10240x64xf32, #tpu.memory_space<vmem_shared>> -> memref<10240x64xf32, #tpu.memory_space<vmem_shared>>
        tpu.wait_indirect_dma semaphore(%arg27 : memref<!tpu.dma_semaphore, #tpu.memory_space<semaphore_mem>>) src(%arg13 : memref<80x64xf32, #tpu.memory_space<vmem>>) dst(%dma_wait3A_430 : memref<10240x64xf32, #tpu.memory_space<vmem_shared>>)
        %add3A_431 = arith.constant 4 : i32
        %add3A_432 = arith.addi %add3A_411, %add3A_431 : i32
        %dma_start3A_433 = arith.constant 0 : i32
        %dma_start3A_434 = tpu.memref_slice %arg7[%add3A_432, %dma_start3A_433] : memref<252x80xi32, #tpu.memory_space<vmem>> -> memref<1x80xi32, #tpu.memory_space<vmem>>
        %dma_start3A_435 = tpu.memref_squeeze %dma_start3A_434 : memref<1x80xi32, #tpu.memory_space<vmem>> -> memref<80xi32, #tpu.memory_space<vmem>>
        %dma_start3A_436 = arith.constant 0 : i32
        %dma_start3A_437 = arith.constant 0 : i32
        %dma_start3A_438 = tpu.memref_slice %arg4[%dma_start3A_436, %dma_start3A_437] : memref<10000x64xf32, #tpu.memory_space<hbm>> -> memref<10000x64xf32, #tpu.memory_space<hbm>>
        tpu.enqueue_indirect_dma source(%dma_start3A_438 : memref<10000x64xf32, #tpu.memory_space<hbm>>) target(%arg13 : memref<80x64xf32, #tpu.memory_space<vmem>>) offsets(%dma_start3A_435 : memref<80xi32, #tpu.memory_space<vmem>>) semaphore(%arg21 : memref<!tpu.dma_semaphore, #tpu.memory_space<semaphore_mem>>)
        %add3A_439 = arith.constant 1 : i32
        %add3A_440 = arith.addi %mul3A_409, %add3A_439 : i32
        %dma_wait3A_441 = arith.constant 0 : i32
        %dma_wait3A_442 = tpu.memref_slice %arg7[%add3A_440, %dma_wait3A_441] : memref<252x80xi32, #tpu.memory_space<vmem>> -> memref<1x80xi32, #tpu.memory_space<vmem>>
        %dma_wait3A_443 = tpu.memref_squeeze %dma_wait3A_442 : memref<1x80xi32, #tpu.memory_space<vmem>> -> memref<80xi32, #tpu.memory_space<vmem>>
        %dma_wait3A_444 = arith.constant 0 : i32
        %dma_wait3A_445 = arith.constant 0 : i32
        %dma_wait3A_446 = tpu.memref_slice %arg4[%dma_wait3A_444, %dma_wait3A_445] : memref<10000x64xf32, #tpu.memory_space<hbm>> -> memref<10000x64xf32, #tpu.memory_space<hbm>>
        tpu.wait_indirect_dma semaphore(%arg18 : memref<!tpu.dma_semaphore, #tpu.memory_space<semaphore_mem>>) src(%dma_wait3A_446 : memref<10000x64xf32, #tpu.memory_space<hbm>>) dst(%arg10 : memref<80x64xf32, #tpu.memory_space<vmem>>)
        %dma_start3A_447 = arith.constant 0 : i32
        %dma_start3A_448 = tpu.memref_slice %arg8[%add3A_440, %dma_start3A_447] : memref<252x80xi32, #tpu.memory_space<vmem>> -> memref<1x80xi32, #tpu.memory_space<vmem>>
        %dma_start3A_449 = tpu.memref_squeeze %dma_start3A_448 : memref<1x80xi32, #tpu.memory_space<vmem>> -> memref<80xi32, #tpu.memory_space<vmem>>
        %dma_start3A_450 = arith.constant 0 : i32
        %dma_start3A_451 = arith.constant 0 : i32
        %dma_start3A_452 = tpu.memref_slice %arg16[%dma_start3A_450, %dma_start3A_451] : memref<10240x64xf32, #tpu.memory_space<vmem_shared>> -> memref<10240x64xf32, #tpu.memory_space<vmem_shared>>
        tpu.enqueue_indirect_dma source(%arg10 : memref<80x64xf32, #tpu.memory_space<vmem>>) target(%dma_start3A_452 : memref<10240x64xf32, #tpu.memory_space<vmem_shared>>) offsets(%dma_start3A_449 : memref<80xi32, #tpu.memory_space<vmem>>) semaphore(%arg24 : memref<!tpu.dma_semaphore, #tpu.memory_space<semaphore_mem>>) {add = true}
        %sub3A_453 = arith.constant 2 : i32
        %sub3A_454 = arith.subi %add3A_440, %sub3A_453 : i32
        %dma_wait3A_455 = arith.constant 0 : i32
        %dma_wait3A_456 = tpu.memref_slice %arg8[%sub3A_454, %dma_wait3A_455] : memref<252x80xi32, #tpu.memory_space<vmem>> -> memref<1x80xi32, #tpu.memory_space<vmem>>
        %dma_wait3A_457 = tpu.memref_squeeze %dma_wait3A_456 : memref<1x80xi32, #tpu.memory_space<vmem>> -> memref<80xi32, #tpu.memory_space<vmem>>
        %dma_wait3A_458 = arith.constant 0 : i32
        %dma_wait3A_459 = arith.constant 0 : i32
        %dma_wait3A_460 = tpu.memref_slice %arg16[%dma_wait3A_458, %dma_wait3A_459] : memref<10240x64xf32, #tpu.memory_space<vmem_shared>> -> memref<10240x64xf32, #tpu.memory_space<vmem_shared>>
        tpu.wait_indirect_dma semaphore(%arg28 : memref<!tpu.dma_semaphore, #tpu.memory_space<semaphore_mem>>) src(%arg14 : memref<80x64xf32, #tpu.memory_space<vmem>>) dst(%dma_wait3A_460 : memref<10240x64xf32, #tpu.memory_space<vmem_shared>>)
        %add3A_461 = arith.constant 4 : i32
        %add3A_462 = arith.addi %add3A_440, %add3A_461 : i32
        %dma_start3A_463 = arith.constant 0 : i32
        %dma_start3A_464 = tpu.memref_slice %arg7[%add3A_462, %dma_start3A_463] : memref<252x80xi32, #tpu.memory_space<vmem>> -> memref<1x80xi32, #tpu.memory_space<vmem>>
        %dma_start3A_465 = tpu.memref_squeeze %dma_start3A_464 : memref<1x80xi32, #tpu.memory_space<vmem>> -> memref<80xi32, #tpu.memory_space<vmem>>
        %dma_start3A_466 = arith.constant 0 : i32
        %dma_start3A_467 = arith.constant 0 : i32
        %dma_start3A_468 = tpu.memref_slice %arg4[%dma_start3A_466, %dma_start3A_467] : memref<10000x64xf32, #tpu.memory_space<hbm>> -> memref<10000x64xf32, #tpu.memory_space<hbm>>
        tpu.enqueue_indirect_dma source(%dma_start3A_468 : memref<10000x64xf32, #tpu.memory_space<hbm>>) target(%arg14 : memref<80x64xf32, #tpu.memory_space<vmem>>) offsets(%dma_start3A_465 : memref<80xi32, #tpu.memory_space<vmem>>) semaphore(%arg22 : memref<!tpu.dma_semaphore, #tpu.memory_space<semaphore_mem>>)
        %add3A_469 = arith.constant 2 : i32
        %add3A_470 = arith.addi %mul3A_409, %add3A_469 : i32
        %dma_wait3A_471 = arith.constant 0 : i32
        %dma_wait3A_472 = tpu.memref_slice %arg7[%add3A_470, %dma_wait3A_471] : memref<252x80xi32, #tpu.memory_space<vmem>> -> memref<1x80xi32, #tpu.memory_space<vmem>>
        %dma_wait3A_473 = tpu.memref_squeeze %dma_wait3A_472 : memref<1x80xi32, #tpu.memory_space<vmem>> -> memref<80xi32, #tpu.memory_space<vmem>>
        %dma_wait3A_474 = arith.constant 0 : i32
        %dma_wait3A_475 = arith.constant 0 : i32
        %dma_wait3A_476 = tpu.memref_slice %arg4[%dma_wait3A_474, %dma_wait3A_475] : memref<10000x64xf32, #tpu.memory_space<hbm>> -> memref<10000x64xf32, #tpu.memory_space<hbm>>
        tpu.wait_indirect_dma semaphore(%arg19 : memref<!tpu.dma_semaphore, #tpu.memory_space<semaphore_mem>>) src(%dma_wait3A_476 : memref<10000x64xf32, #tpu.memory_space<hbm>>) dst(%arg11 : memref<80x64xf32, #tpu.memory_space<vmem>>)
        %dma_start3A_477 = arith.constant 0 : i32
        %dma_start3A_478 = tpu.memref_slice %arg8[%add3A_470, %dma_start3A_477] : memref<252x80xi32, #tpu.memory_space<vmem>> -> memref<1x80xi32, #tpu.memory_space<vmem>>
        %dma_start3A_479 = tpu.memref_squeeze %dma_start3A_478 : memref<1x80xi32, #tpu.memory_space<vmem>> -> memref<80xi32, #tpu.memory_space<vmem>>
        %dma_start3A_480 = arith.constant 0 : i32
        %dma_start3A_481 = arith.constant 0 : i32
        %dma_start3A_482 = tpu.memref_slice %arg16[%dma_start3A_480, %dma_start3A_481] : memref<10240x64xf32, #tpu.memory_space<vmem_shared>> -> memref<10240x64xf32, #tpu.memory_space<vmem_shared>>
        tpu.enqueue_indirect_dma source(%arg11 : memref<80x64xf32, #tpu.memory_space<vmem>>) target(%dma_start3A_482 : memref<10240x64xf32, #tpu.memory_space<vmem_shared>>) offsets(%dma_start3A_479 : memref<80xi32, #tpu.memory_space<vmem>>) semaphore(%arg25 : memref<!tpu.dma_semaphore, #tpu.memory_space<semaphore_mem>>) {add = true}
        %sub3A_483 = arith.constant 2 : i32
        %sub3A_484 = arith.subi %add3A_470, %sub3A_483 : i32
        %dma_wait3A_485 = arith.constant 0 : i32
        %dma_wait3A_486 = tpu.memref_slice %arg8[%sub3A_484, %dma_wait3A_485] : memref<252x80xi32, #tpu.memory_space<vmem>> -> memref<1x80xi32, #tpu.memory_space<vmem>>
        %dma_wait3A_487 = tpu.memref_squeeze %dma_wait3A_486 : memref<1x80xi32, #tpu.memory_space<vmem>> -> memref<80xi32, #tpu.memory_space<vmem>>
        %dma_wait3A_488 = arith.constant 0 : i32
        %dma_wait3A_489 = arith.constant 0 : i32
        %dma_wait3A_490 = tpu.memref_slice %arg16[%dma_wait3A_488, %dma_wait3A_489] : memref<10240x64xf32, #tpu.memory_space<vmem_shared>> -> memref<10240x64xf32, #tpu.memory_space<vmem_shared>>
        tpu.wait_indirect_dma semaphore(%arg23 : memref<!tpu.dma_semaphore, #tpu.memory_space<semaphore_mem>>) src(%arg9 : memref<80x64xf32, #tpu.memory_space<vmem>>) dst(%dma_wait3A_490 : memref<10240x64xf32, #tpu.memory_space<vmem_shared>>)
        %add3A_491 = arith.constant 4 : i32
        %add3A_492 = arith.addi %add3A_470, %add3A_491 : i32
        %dma_start3A_493 = arith.constant 0 : i32
        %dma_start3A_494 = tpu.memref_slice %arg7[%add3A_492, %dma_start3A_493] : memref<252x80xi32, #tpu.memory_space<vmem>> -> memref<1x80xi32, #tpu.memory_space<vmem>>
        %dma_start3A_495 = tpu.memref_squeeze %dma_start3A_494 : memref<1x80xi32, #tpu.memory_space<vmem>> -> memref<80xi32, #tpu.memory_space<vmem>>
        %dma_start3A_496 = arith.constant 0 : i32
        %dma_start3A_497 = arith.constant 0 : i32
        %dma_start3A_498 = tpu.memref_slice %arg4[%dma_start3A_496, %dma_start3A_497] : memref<10000x64xf32, #tpu.memory_space<hbm>> -> memref<10000x64xf32, #tpu.memory_space<hbm>>
        tpu.enqueue_indirect_dma source(%dma_start3A_498 : memref<10000x64xf32, #tpu.memory_space<hbm>>) target(%arg9 : memref<80x64xf32, #tpu.memory_space<vmem>>) offsets(%dma_start3A_495 : memref<80xi32, #tpu.memory_space<vmem>>) semaphore(%arg17 : memref<!tpu.dma_semaphore, #tpu.memory_space<semaphore_mem>>)
        %add3A_499 = arith.constant 3 : i32
        %add3A_500 = arith.addi %mul3A_409, %add3A_499 : i32
        %dma_wait3A_501 = arith.constant 0 : i32
        %dma_wait3A_502 = tpu.memref_slice %arg7[%add3A_500, %dma_wait3A_501] : memref<252x80xi32, #tpu.memory_space<vmem>> -> memref<1x80xi32, #tpu.memory_space<vmem>>
        %dma_wait3A_503 = tpu.memref_squeeze %dma_wait3A_502 : memref<1x80xi32, #tpu.memory_space<vmem>> -> memref<80xi32, #tpu.memory_space<vmem>>
        %dma_wait3A_504 = arith.constant 0 : i32
        %dma_wait3A_505 = arith.constant 0 : i32
        %dma_wait3A_506 = tpu.memref_slice %arg4[%dma_wait3A_504, %dma_wait3A_505] : memref<10000x64xf32, #tpu.memory_space<hbm>> -> memref<10000x64xf32, #tpu.memory_space<hbm>>
        tpu.wait_indirect_dma semaphore(%arg20 : memref<!tpu.dma_semaphore, #tpu.memory_space<semaphore_mem>>) src(%dma_wait3A_506 : memref<10000x64xf32, #tpu.memory_space<hbm>>) dst(%arg12 : memref<80x64xf32, #tpu.memory_space<vmem>>)
        %dma_start3A_507 = arith.constant 0 : i32
        %dma_start3A_508 = tpu.memref_slice %arg8[%add3A_500, %dma_start3A_507] : memref<252x80xi32, #tpu.memory_space<vmem>> -> memref<1x80xi32, #tpu.memory_space<vmem>>
        %dma_start3A_509 = tpu.memref_squeeze %dma_start3A_508 : memref<1x80xi32, #tpu.memory_space<vmem>> -> memref<80xi32, #tpu.memory_space<vmem>>
        %dma_start3A_510 = arith.constant 0 : i32
        %dma_start3A_511 = arith.constant 0 : i32
        %dma_start3A_512 = tpu.memref_slice %arg16[%dma_start3A_510, %dma_start3A_511] : memref<10240x64xf32, #tpu.memory_space<vmem_shared>> -> memref<10240x64xf32, #tpu.memory_space<vmem_shared>>
        tpu.enqueue_indirect_dma source(%arg12 : memref<80x64xf32, #tpu.memory_space<vmem>>) target(%dma_start3A_512 : memref<10240x64xf32, #tpu.memory_space<vmem_shared>>) offsets(%dma_start3A_509 : memref<80xi32, #tpu.memory_space<vmem>>) semaphore(%arg26 : memref<!tpu.dma_semaphore, #tpu.memory_space<semaphore_mem>>) {add = true}
        %sub3A_513 = arith.constant 2 : i32
        %sub3A_514 = arith.subi %add3A_500, %sub3A_513 : i32
        %dma_wait3A_515 = arith.constant 0 : i32
        %dma_wait3A_516 = tpu.memref_slice %arg8[%sub3A_514, %dma_wait3A_515] : memref<252x80xi32, #tpu.memory_space<vmem>> -> memref<1x80xi32, #tpu.memory_space<vmem>>
        %dma_wait3A_517 = tpu.memref_squeeze %dma_wait3A_516 : memref<1x80xi32, #tpu.memory_space<vmem>> -> memref<80xi32, #tpu.memory_space<vmem>>
        %dma_wait3A_518 = arith.constant 0 : i32
        %dma_wait3A_519 = arith.constant 0 : i32
        %dma_wait3A_520 = tpu.memref_slice %arg16[%dma_wait3A_518, %dma_wait3A_519] : memref<10240x64xf32, #tpu.memory_space<vmem_shared>> -> memref<10240x64xf32, #tpu.memory_space<vmem_shared>>
        tpu.wait_indirect_dma semaphore(%arg24 : memref<!tpu.dma_semaphore, #tpu.memory_space<semaphore_mem>>) src(%arg10 : memref<80x64xf32, #tpu.memory_space<vmem>>) dst(%dma_wait3A_520 : memref<10240x64xf32, #tpu.memory_space<vmem_shared>>)
        %add3A_521 = arith.constant 4 : i32
        %add3A_522 = arith.addi %add3A_500, %add3A_521 : i32
        %dma_start3A_523 = arith.constant 0 : i32
        %dma_start3A_524 = tpu.memref_slice %arg7[%add3A_522, %dma_start3A_523] : memref<252x80xi32, #tpu.memory_space<vmem>> -> memref<1x80xi32, #tpu.memory_space<vmem>>
        %dma_start3A_525 = tpu.memref_squeeze %dma_start3A_524 : memref<1x80xi32, #tpu.memory_space<vmem>> -> memref<80xi32, #tpu.memory_space<vmem>>
        %dma_start3A_526 = arith.constant 0 : i32
        %dma_start3A_527 = arith.constant 0 : i32
        %dma_start3A_528 = tpu.memref_slice %arg4[%dma_start3A_526, %dma_start3A_527] : memref<10000x64xf32, #tpu.memory_space<hbm>> -> memref<10000x64xf32, #tpu.memory_space<hbm>>
        tpu.enqueue_indirect_dma source(%dma_start3A_528 : memref<10000x64xf32, #tpu.memory_space<hbm>>) target(%arg10 : memref<80x64xf32, #tpu.memory_space<vmem>>) offsets(%dma_start3A_525 : memref<80xi32, #tpu.memory_space<vmem>>) semaphore(%arg18 : memref<!tpu.dma_semaphore, #tpu.memory_space<semaphore_mem>>)
        %add3A_529 = arith.constant 4 : i32
        %add3A_530 = arith.addi %mul3A_409, %add3A_529 : i32
        %dma_wait3A_531 = arith.constant 0 : i32
        %dma_wait3A_532 = tpu.memref_slice %arg7[%add3A_530, %dma_wait3A_531] : memref<252x80xi32, #tpu.memory_space<vmem>> -> memref<1x80xi32, #tpu.memory_space<vmem>>
        %dma_wait3A_533 = tpu.memref_squeeze %dma_wait3A_532 : memref<1x80xi32, #tpu.memory_space<vmem>> -> memref<80xi32, #tpu.memory_space<vmem>>
        %dma_wait3A_534 = arith.constant 0 : i32
        %dma_wait3A_535 = arith.constant 0 : i32
        %dma_wait3A_536 = tpu.memref_slice %arg4[%dma_wait3A_534, %dma_wait3A_535] : memref<10000x64xf32, #tpu.memory_space<hbm>> -> memref<10000x64xf32, #tpu.memory_space<hbm>>
        tpu.wait_indirect_dma semaphore(%arg21 : memref<!tpu.dma_semaphore, #tpu.memory_space<semaphore_mem>>) src(%dma_wait3A_536 : memref<10000x64xf32, #tpu.memory_space<hbm>>) dst(%arg13 : memref<80x64xf32, #tpu.memory_space<vmem>>)
        %dma_start3A_537 = arith.constant 0 : i32
        %dma_start3A_538 = tpu.memref_slice %arg8[%add3A_530, %dma_start3A_537] : memref<252x80xi32, #tpu.memory_space<vmem>> -> memref<1x80xi32, #tpu.memory_space<vmem>>
        %dma_start3A_539 = tpu.memref_squeeze %dma_start3A_538 : memref<1x80xi32, #tpu.memory_space<vmem>> -> memref<80xi32, #tpu.memory_space<vmem>>
        %dma_start3A_540 = arith.constant 0 : i32
        %dma_start3A_541 = arith.constant 0 : i32
        %dma_start3A_542 = tpu.memref_slice %arg16[%dma_start3A_540, %dma_start3A_541] : memref<10240x64xf32, #tpu.memory_space<vmem_shared>> -> memref<10240x64xf32, #tpu.memory_space<vmem_shared>>
        tpu.enqueue_indirect_dma source(%arg13 : memref<80x64xf32, #tpu.memory_space<vmem>>) target(%dma_start3A_542 : memref<10240x64xf32, #tpu.memory_space<vmem_shared>>) offsets(%dma_start3A_539 : memref<80xi32, #tpu.memory_space<vmem>>) semaphore(%arg27 : memref<!tpu.dma_semaphore, #tpu.memory_space<semaphore_mem>>) {add = true}
        %sub3A_543 = arith.constant 2 : i32
        %sub3A_544 = arith.subi %add3A_530, %sub3A_543 : i32
        %dma_wait3A_545 = arith.constant 0 : i32
        %dma_wait3A_546 = tpu.memref_slice %arg8[%sub3A_544, %dma_wait3A_545] : memref<252x80xi32, #tpu.memory_space<vmem>> -> memref<1x80xi32, #tpu.memory_space<vmem>>
        %dma_wait3A_547 = tpu.memref_squeeze %dma_wait3A_546 : memref<1x80xi32, #tpu.memory_space<vmem>> -> memref<80xi32, #tpu.memory_space<vmem>>
        %dma_wait3A_548 = arith.constant 0 : i32
        %dma_wait3A_549 = arith.constant 0 : i32
        %dma_wait3A_550 = tpu.memref_slice %arg16[%dma_wait3A_548, %dma_wait3A_549] : memref<10240x64xf32, #tpu.memory_space<vmem_shared>> -> memref<10240x64xf32, #tpu.memory_space<vmem_shared>>
        tpu.wait_indirect_dma semaphore(%arg25 : memref<!tpu.dma_semaphore, #tpu.memory_space<semaphore_mem>>) src(%arg11 : memref<80x64xf32, #tpu.memory_space<vmem>>) dst(%dma_wait3A_550 : memref<10240x64xf32, #tpu.memory_space<vmem_shared>>)
        %add3A_551 = arith.constant 4 : i32
        %add3A_552 = arith.addi %add3A_530, %add3A_551 : i32
        %dma_start3A_553 = arith.constant 0 : i32
        %dma_start3A_554 = tpu.memref_slice %arg7[%add3A_552, %dma_start3A_553] : memref<252x80xi32, #tpu.memory_space<vmem>> -> memref<1x80xi32, #tpu.memory_space<vmem>>
        %dma_start3A_555 = tpu.memref_squeeze %dma_start3A_554 : memref<1x80xi32, #tpu.memory_space<vmem>> -> memref<80xi32, #tpu.memory_space<vmem>>
        %dma_start3A_556 = arith.constant 0 : i32
        %dma_start3A_557 = arith.constant 0 : i32
        %dma_start3A_558 = tpu.memref_slice %arg4[%dma_start3A_556, %dma_start3A_557] : memref<10000x64xf32, #tpu.memory_space<hbm>> -> memref<10000x64xf32, #tpu.memory_space<hbm>>
        tpu.enqueue_indirect_dma source(%dma_start3A_558 : memref<10000x64xf32, #tpu.memory_space<hbm>>) target(%arg11 : memref<80x64xf32, #tpu.memory_space<vmem>>) offsets(%dma_start3A_555 : memref<80xi32, #tpu.memory_space<vmem>>) semaphore(%arg19 : memref<!tpu.dma_semaphore, #tpu.memory_space<semaphore_mem>>)
        %add3A_559 = arith.constant 5 : i32
        %add3A_560 = arith.addi %mul3A_409, %add3A_559 : i32
        %dma_wait3A_561 = arith.constant 0 : i32
        %dma_wait3A_562 = tpu.memref_slice %arg7[%add3A_560, %dma_wait3A_561] : memref<252x80xi32, #tpu.memory_space<vmem>> -> memref<1x80xi32, #tpu.memory_space<vmem>>
        %dma_wait3A_563 = tpu.memref_squeeze %dma_wait3A_562 : memref<1x80xi32, #tpu.memory_space<vmem>> -> memref<80xi32, #tpu.memory_space<vmem>>
        %dma_wait3A_564 = arith.constant 0 : i32
        %dma_wait3A_565 = arith.constant 0 : i32
        %dma_wait3A_566 = tpu.memref_slice %arg4[%dma_wait3A_564, %dma_wait3A_565] : memref<10000x64xf32, #tpu.memory_space<hbm>> -> memref<10000x64xf32, #tpu.memory_space<hbm>>
        tpu.wait_indirect_dma semaphore(%arg22 : memref<!tpu.dma_semaphore, #tpu.memory_space<semaphore_mem>>) src(%dma_wait3A_566 : memref<10000x64xf32, #tpu.memory_space<hbm>>) dst(%arg14 : memref<80x64xf32, #tpu.memory_space<vmem>>)
        %dma_start3A_567 = arith.constant 0 : i32
        %dma_start3A_568 = tpu.memref_slice %arg8[%add3A_560, %dma_start3A_567] : memref<252x80xi32, #tpu.memory_space<vmem>> -> memref<1x80xi32, #tpu.memory_space<vmem>>
        %dma_start3A_569 = tpu.memref_squeeze %dma_start3A_568 : memref<1x80xi32, #tpu.memory_space<vmem>> -> memref<80xi32, #tpu.memory_space<vmem>>
        %dma_start3A_570 = arith.constant 0 : i32
        %dma_start3A_571 = arith.constant 0 : i32
        %dma_start3A_572 = tpu.memref_slice %arg16[%dma_start3A_570, %dma_start3A_571] : memref<10240x64xf32, #tpu.memory_space<vmem_shared>> -> memref<10240x64xf32, #tpu.memory_space<vmem_shared>>
        tpu.enqueue_indirect_dma source(%arg14 : memref<80x64xf32, #tpu.memory_space<vmem>>) target(%dma_start3A_572 : memref<10240x64xf32, #tpu.memory_space<vmem_shared>>) offsets(%dma_start3A_569 : memref<80xi32, #tpu.memory_space<vmem>>) semaphore(%arg28 : memref<!tpu.dma_semaphore, #tpu.memory_space<semaphore_mem>>) {add = true}
        %sub3A_573 = arith.constant 2 : i32
        %sub3A_574 = arith.subi %add3A_560, %sub3A_573 : i32
        %dma_wait3A_575 = arith.constant 0 : i32
        %dma_wait3A_576 = tpu.memref_slice %arg8[%sub3A_574, %dma_wait3A_575] : memref<252x80xi32, #tpu.memory_space<vmem>> -> memref<1x80xi32, #tpu.memory_space<vmem>>
        %dma_wait3A_577 = tpu.memref_squeeze %dma_wait3A_576 : memref<1x80xi32, #tpu.memory_space<vmem>> -> memref<80xi32, #tpu.memory_space<vmem>>
        %dma_wait3A_578 = arith.constant 0 : i32
        %dma_wait3A_579 = arith.constant 0 : i32
        %dma_wait3A_580 = tpu.memref_slice %arg16[%dma_wait3A_578, %dma_wait3A_579] : memref<10240x64xf32, #tpu.memory_space<vmem_shared>> -> memref<10240x64xf32, #tpu.memory_space<vmem_shared>>
        tpu.wait_indirect_dma semaphore(%arg26 : memref<!tpu.dma_semaphore, #tpu.memory_space<semaphore_mem>>) src(%arg12 : memref<80x64xf32, #tpu.memory_space<vmem>>) dst(%dma_wait3A_580 : memref<10240x64xf32, #tpu.memory_space<vmem_shared>>)
        %add3A_581 = arith.constant 4 : i32
        %add3A_582 = arith.addi %add3A_560, %add3A_581 : i32
        %dma_start3A_583 = arith.constant 0 : i32
        %dma_start3A_584 = tpu.memref_slice %arg7[%add3A_582, %dma_start3A_583] : memref<252x80xi32, #tpu.memory_space<vmem>> -> memref<1x80xi32, #tpu.memory_space<vmem>>
        %dma_start3A_585 = tpu.memref_squeeze %dma_start3A_584 : memref<1x80xi32, #tpu.memory_space<vmem>> -> memref<80xi32, #tpu.memory_space<vmem>>
        %dma_start3A_586 = arith.constant 0 : i32
        %dma_start3A_587 = arith.constant 0 : i32
        %dma_start3A_588 = tpu.memref_slice %arg4[%dma_start3A_586, %dma_start3A_587] : memref<10000x64xf32, #tpu.memory_space<hbm>> -> memref<10000x64xf32, #tpu.memory_space<hbm>>
        tpu.enqueue_indirect_dma source(%dma_start3A_588 : memref<10000x64xf32, #tpu.memory_space<hbm>>) target(%arg12 : memref<80x64xf32, #tpu.memory_space<vmem>>) offsets(%dma_start3A_585 : memref<80xi32, #tpu.memory_space<vmem>>) semaphore(%arg20 : memref<!tpu.dma_semaphore, #tpu.memory_space<semaphore_mem>>)
      }
      %scan3A_252 = arith.constant 40 : i32
      %dma_wait3A_253 = arith.constant 246 : i32
      %dma_wait3A_254 = arith.constant 0 : i32
      %dma_wait3A_255 = tpu.memref_slice %arg7[%dma_wait3A_253, %dma_wait3A_254] : memref<252x80xi32, #tpu.memory_space<vmem>> -> memref<1x80xi32, #tpu.memory_space<vmem>>
      %dma_wait3A_256 = tpu.memref_squeeze %dma_wait3A_255 : memref<1x80xi32, #tpu.memory_space<vmem>> -> memref<80xi32, #tpu.memory_space<vmem>>
      %dma_wait3A_257 = arith.constant 0 : i32
      %dma_wait3A_258 = arith.constant 0 : i32
      %dma_wait3A_259 = tpu.memref_slice %arg4[%dma_wait3A_257, %dma_wait3A_258] : memref<10000x64xf32, #tpu.memory_space<hbm>> -> memref<10000x64xf32, #tpu.memory_space<hbm>>
      tpu.wait_indirect_dma semaphore(%arg17 : memref<!tpu.dma_semaphore, #tpu.memory_space<semaphore_mem>>) src(%dma_wait3A_259 : memref<10000x64xf32, #tpu.memory_space<hbm>>) dst(%arg9 : memref<80x64xf32, #tpu.memory_space<vmem>>)
      %dma_start3A_260 = arith.constant 246 : i32
      %dma_start3A_261 = arith.constant 0 : i32
      %dma_start3A_262 = tpu.memref_slice %arg8[%dma_start3A_260, %dma_start3A_261] : memref<252x80xi32, #tpu.memory_space<vmem>> -> memref<1x80xi32, #tpu.memory_space<vmem>>
      %dma_start3A_263 = tpu.memref_squeeze %dma_start3A_262 : memref<1x80xi32, #tpu.memory_space<vmem>> -> memref<80xi32, #tpu.memory_space<vmem>>
      %dma_start3A_264 = arith.constant 0 : i32
      %dma_start3A_265 = arith.constant 0 : i32
      %dma_start3A_266 = tpu.memref_slice %arg16[%dma_start3A_264, %dma_start3A_265] : memref<10240x64xf32, #tpu.memory_space<vmem_shared>> -> memref<10240x64xf32, #tpu.memory_space<vmem_shared>>
      tpu.enqueue_indirect_dma source(%arg9 : memref<80x64xf32, #tpu.memory_space<vmem>>) target(%dma_start3A_266 : memref<10240x64xf32, #tpu.memory_space<vmem_shared>>) offsets(%dma_start3A_263 : memref<80xi32, #tpu.memory_space<vmem>>) semaphore(%arg23 : memref<!tpu.dma_semaphore, #tpu.memory_space<semaphore_mem>>) {add = true}
      %dma_wait3A_267 = arith.constant 244 : i32
      %dma_wait3A_268 = arith.constant 0 : i32
      %dma_wait3A_269 = tpu.memref_slice %arg8[%dma_wait3A_267, %dma_wait3A_268] : memref<252x80xi32, #tpu.memory_space<vmem>> -> memref<1x80xi32, #tpu.memory_space<vmem>>
      %dma_wait3A_270 = tpu.memref_squeeze %dma_wait3A_269 : memref<1x80xi32, #tpu.memory_space<vmem>> -> memref<80xi32, #tpu.memory_space<vmem>>
      %dma_wait3A_271 = arith.constant 0 : i32
      %dma_wait3A_272 = arith.constant 0 : i32
      %dma_wait3A_273 = tpu.memref_slice %arg16[%dma_wait3A_271, %dma_wait3A_272] : memref<10240x64xf32, #tpu.memory_space<vmem_shared>> -> memref<10240x64xf32, #tpu.memory_space<vmem_shared>>
      tpu.wait_indirect_dma semaphore(%arg27 : memref<!tpu.dma_semaphore, #tpu.memory_space<semaphore_mem>>) src(%arg13 : memref<80x64xf32, #tpu.memory_space<vmem>>) dst(%dma_wait3A_273 : memref<10240x64xf32, #tpu.memory_space<vmem_shared>>)
      %dma_start3A_274 = arith.constant 250 : i32
      %dma_start3A_275 = arith.constant 0 : i32
      %dma_start3A_276 = tpu.memref_slice %arg7[%dma_start3A_274, %dma_start3A_275] : memref<252x80xi32, #tpu.memory_space<vmem>> -> memref<1x80xi32, #tpu.memory_space<vmem>>
      %dma_start3A_277 = tpu.memref_squeeze %dma_start3A_276 : memref<1x80xi32, #tpu.memory_space<vmem>> -> memref<80xi32, #tpu.memory_space<vmem>>
      %dma_start3A_278 = arith.constant 0 : i32
      %dma_start3A_279 = arith.constant 0 : i32
      %dma_start3A_280 = tpu.memref_slice %arg4[%dma_start3A_278, %dma_start3A_279] : memref<10000x64xf32, #tpu.memory_space<hbm>> -> memref<10000x64xf32, #tpu.memory_space<hbm>>
      tpu.enqueue_indirect_dma source(%dma_start3A_280 : memref<10000x64xf32, #tpu.memory_space<hbm>>) target(%arg13 : memref<80x64xf32, #tpu.memory_space<vmem>>) offsets(%dma_start3A_277 : memref<80xi32, #tpu.memory_space<vmem>>) semaphore(%arg21 : memref<!tpu.dma_semaphore, #tpu.memory_space<semaphore_mem>>)
      %dma_wait3A_281 = arith.constant 247 : i32
      %dma_wait3A_282 = arith.constant 0 : i32
      %dma_wait3A_283 = tpu.memref_slice %arg7[%dma_wait3A_281, %dma_wait3A_282] : memref<252x80xi32, #tpu.memory_space<vmem>> -> memref<1x80xi32, #tpu.memory_space<vmem>>
      %dma_wait3A_284 = tpu.memref_squeeze %dma_wait3A_283 : memref<1x80xi32, #tpu.memory_space<vmem>> -> memref<80xi32, #tpu.memory_space<vmem>>
      %dma_wait3A_285 = arith.constant 0 : i32
      %dma_wait3A_286 = arith.constant 0 : i32
      %dma_wait3A_287 = tpu.memref_slice %arg4[%dma_wait3A_285, %dma_wait3A_286] : memref<10000x64xf32, #tpu.memory_space<hbm>> -> memref<10000x64xf32, #tpu.memory_space<hbm>>
      tpu.wait_indirect_dma semaphore(%arg18 : memref<!tpu.dma_semaphore, #tpu.memory_space<semaphore_mem>>) src(%dma_wait3A_287 : memref<10000x64xf32, #tpu.memory_space<hbm>>) dst(%arg10 : memref<80x64xf32, #tpu.memory_space<vmem>>)
      %dma_start3A_288 = arith.constant 247 : i32
      %dma_start3A_289 = arith.constant 0 : i32
      %dma_start3A_290 = tpu.memref_slice %arg8[%dma_start3A_288, %dma_start3A_289] : memref<252x80xi32, #tpu.memory_space<vmem>> -> memref<1x80xi32, #tpu.memory_space<vmem>>
      %dma_start3A_291 = tpu.memref_squeeze %dma_start3A_290 : memref<1x80xi32, #tpu.memory_space<vmem>> -> memref<80xi32, #tpu.memory_space<vmem>>
      %dma_start3A_292 = arith.constant 0 : i32
      %dma_start3A_293 = arith.constant 0 : i32
      %dma_start3A_294 = tpu.memref_slice %arg16[%dma_start3A_292, %dma_start3A_293] : memref<10240x64xf32, #tpu.memory_space<vmem_shared>> -> memref<10240x64xf32, #tpu.memory_space<vmem_shared>>
      tpu.enqueue_indirect_dma source(%arg10 : memref<80x64xf32, #tpu.memory_space<vmem>>) target(%dma_start3A_294 : memref<10240x64xf32, #tpu.memory_space<vmem_shared>>) offsets(%dma_start3A_291 : memref<80xi32, #tpu.memory_space<vmem>>) semaphore(%arg24 : memref<!tpu.dma_semaphore, #tpu.memory_space<semaphore_mem>>) {add = true}
      %dma_wait3A_295 = arith.constant 245 : i32
      %dma_wait3A_296 = arith.constant 0 : i32
      %dma_wait3A_297 = tpu.memref_slice %arg8[%dma_wait3A_295, %dma_wait3A_296] : memref<252x80xi32, #tpu.memory_space<vmem>> -> memref<1x80xi32, #tpu.memory_space<vmem>>
      %dma_wait3A_298 = tpu.memref_squeeze %dma_wait3A_297 : memref<1x80xi32, #tpu.memory_space<vmem>> -> memref<80xi32, #tpu.memory_space<vmem>>
      %dma_wait3A_299 = arith.constant 0 : i32
      %dma_wait3A_300 = arith.constant 0 : i32
      %dma_wait3A_301 = tpu.memref_slice %arg16[%dma_wait3A_299, %dma_wait3A_300] : memref<10240x64xf32, #tpu.memory_space<vmem_shared>> -> memref<10240x64xf32, #tpu.memory_space<vmem_shared>>
      tpu.wait_indirect_dma semaphore(%arg28 : memref<!tpu.dma_semaphore, #tpu.memory_space<semaphore_mem>>) src(%arg14 : memref<80x64xf32, #tpu.memory_space<vmem>>) dst(%dma_wait3A_301 : memref<10240x64xf32, #tpu.memory_space<vmem_shared>>)
      %dma_start3A_302 = arith.constant 251 : i32
      %dma_start3A_303 = arith.constant 0 : i32
      %dma_start3A_304 = tpu.memref_slice %arg7[%dma_start3A_302, %dma_start3A_303] : memref<252x80xi32, #tpu.memory_space<vmem>> -> memref<1x80xi32, #tpu.memory_space<vmem>>
      %dma_start3A_305 = tpu.memref_squeeze %dma_start3A_304 : memref<1x80xi32, #tpu.memory_space<vmem>> -> memref<80xi32, #tpu.memory_space<vmem>>
      %dma_start3A_306 = arith.constant 0 : i32
      %dma_start3A_307 = arith.constant 0 : i32
      %dma_start3A_308 = tpu.memref_slice %arg4[%dma_start3A_306, %dma_start3A_307] : memref<10000x64xf32, #tpu.memory_space<hbm>> -> memref<10000x64xf32, #tpu.memory_space<hbm>>
      tpu.enqueue_indirect_dma source(%dma_start3A_308 : memref<10000x64xf32, #tpu.memory_space<hbm>>) target(%arg14 : memref<80x64xf32, #tpu.memory_space<vmem>>) offsets(%dma_start3A_305 : memref<80xi32, #tpu.memory_space<vmem>>) semaphore(%arg22 : memref<!tpu.dma_semaphore, #tpu.memory_space<semaphore_mem>>)
      %dma_wait3A_309 = arith.constant 248 : i32
      %dma_wait3A_310 = arith.constant 0 : i32
      %dma_wait3A_311 = tpu.memref_slice %arg7[%dma_wait3A_309, %dma_wait3A_310] : memref<252x80xi32, #tpu.memory_space<vmem>> -> memref<1x80xi32, #tpu.memory_space<vmem>>
      %dma_wait3A_312 = tpu.memref_squeeze %dma_wait3A_311 : memref<1x80xi32, #tpu.memory_space<vmem>> -> memref<80xi32, #tpu.memory_space<vmem>>
      %dma_wait3A_313 = arith.constant 0 : i32
      %dma_wait3A_314 = arith.constant 0 : i32
      %dma_wait3A_315 = tpu.memref_slice %arg4[%dma_wait3A_313, %dma_wait3A_314] : memref<10000x64xf32, #tpu.memory_space<hbm>> -> memref<10000x64xf32, #tpu.memory_space<hbm>>
      tpu.wait_indirect_dma semaphore(%arg19 : memref<!tpu.dma_semaphore, #tpu.memory_space<semaphore_mem>>) src(%dma_wait3A_315 : memref<10000x64xf32, #tpu.memory_space<hbm>>) dst(%arg11 : memref<80x64xf32, #tpu.memory_space<vmem>>)
      %dma_start3A_316 = arith.constant 248 : i32
      %dma_start3A_317 = arith.constant 0 : i32
      %dma_start3A_318 = tpu.memref_slice %arg8[%dma_start3A_316, %dma_start3A_317] : memref<252x80xi32, #tpu.memory_space<vmem>> -> memref<1x80xi32, #tpu.memory_space<vmem>>
      %dma_start3A_319 = tpu.memref_squeeze %dma_start3A_318 : memref<1x80xi32, #tpu.memory_space<vmem>> -> memref<80xi32, #tpu.memory_space<vmem>>
      %dma_start3A_320 = arith.constant 0 : i32
      %dma_start3A_321 = arith.constant 0 : i32
      %dma_start3A_322 = tpu.memref_slice %arg16[%dma_start3A_320, %dma_start3A_321] : memref<10240x64xf32, #tpu.memory_space<vmem_shared>> -> memref<10240x64xf32, #tpu.memory_space<vmem_shared>>
      tpu.enqueue_indirect_dma source(%arg11 : memref<80x64xf32, #tpu.memory_space<vmem>>) target(%dma_start3A_322 : memref<10240x64xf32, #tpu.memory_space<vmem_shared>>) offsets(%dma_start3A_319 : memref<80xi32, #tpu.memory_space<vmem>>) semaphore(%arg25 : memref<!tpu.dma_semaphore, #tpu.memory_space<semaphore_mem>>) {add = true}
      %dma_wait3A_323 = arith.constant 246 : i32
      %dma_wait3A_324 = arith.constant 0 : i32
      %dma_wait3A_325 = tpu.memref_slice %arg8[%dma_wait3A_323, %dma_wait3A_324] : memref<252x80xi32, #tpu.memory_space<vmem>> -> memref<1x80xi32, #tpu.memory_space<vmem>>
      %dma_wait3A_326 = tpu.memref_squeeze %dma_wait3A_325 : memref<1x80xi32, #tpu.memory_space<vmem>> -> memref<80xi32, #tpu.memory_space<vmem>>
      %dma_wait3A_327 = arith.constant 0 : i32
      %dma_wait3A_328 = arith.constant 0 : i32
      %dma_wait3A_329 = tpu.memref_slice %arg16[%dma_wait3A_327, %dma_wait3A_328] : memref<10240x64xf32, #tpu.memory_space<vmem_shared>> -> memref<10240x64xf32, #tpu.memory_space<vmem_shared>>
      tpu.wait_indirect_dma semaphore(%arg23 : memref<!tpu.dma_semaphore, #tpu.memory_space<semaphore_mem>>) src(%arg9 : memref<80x64xf32, #tpu.memory_space<vmem>>) dst(%dma_wait3A_329 : memref<10240x64xf32, #tpu.memory_space<vmem_shared>>)
      %dma_wait3A_330 = arith.constant 249 : i32
      %dma_wait3A_331 = arith.constant 0 : i32
      %dma_wait3A_332 = tpu.memref_slice %arg7[%dma_wait3A_330, %dma_wait3A_331] : memref<252x80xi32, #tpu.memory_space<vmem>> -> memref<1x80xi32, #tpu.memory_space<vmem>>
      %dma_wait3A_333 = tpu.memref_squeeze %dma_wait3A_332 : memref<1x80xi32, #tpu.memory_space<vmem>> -> memref<80xi32, #tpu.memory_space<vmem>>
      %dma_wait3A_334 = arith.constant 0 : i32
      %dma_wait3A_335 = arith.constant 0 : i32
      %dma_wait3A_336 = tpu.memref_slice %arg4[%dma_wait3A_334, %dma_wait3A_335] : memref<10000x64xf32, #tpu.memory_space<hbm>> -> memref<10000x64xf32, #tpu.memory_space<hbm>>
      tpu.wait_indirect_dma semaphore(%arg20 : memref<!tpu.dma_semaphore, #tpu.memory_space<semaphore_mem>>) src(%dma_wait3A_336 : memref<10000x64xf32, #tpu.memory_space<hbm>>) dst(%arg12 : memref<80x64xf32, #tpu.memory_space<vmem>>)
      %dma_start3A_337 = arith.constant 249 : i32
      %dma_start3A_338 = arith.constant 0 : i32
      %dma_start3A_339 = tpu.memref_slice %arg8[%dma_start3A_337, %dma_start3A_338] : memref<252x80xi32, #tpu.memory_space<vmem>> -> memref<1x80xi32, #tpu.memory_space<vmem>>
      %dma_start3A_340 = tpu.memref_squeeze %dma_start3A_339 : memref<1x80xi32, #tpu.memory_space<vmem>> -> memref<80xi32, #tpu.memory_space<vmem>>
      %dma_start3A_341 = arith.constant 0 : i32
      %dma_start3A_342 = arith.constant 0 : i32
      %dma_start3A_343 = tpu.memref_slice %arg16[%dma_start3A_341, %dma_start3A_342] : memref<10240x64xf32, #tpu.memory_space<vmem_shared>> -> memref<10240x64xf32, #tpu.memory_space<vmem_shared>>
      tpu.enqueue_indirect_dma source(%arg12 : memref<80x64xf32, #tpu.memory_space<vmem>>) target(%dma_start3A_343 : memref<10240x64xf32, #tpu.memory_space<vmem_shared>>) offsets(%dma_start3A_340 : memref<80xi32, #tpu.memory_space<vmem>>) semaphore(%arg26 : memref<!tpu.dma_semaphore, #tpu.memory_space<semaphore_mem>>) {add = true}
      %dma_wait3A_344 = arith.constant 247 : i32
      %dma_wait3A_345 = arith.constant 0 : i32
      %dma_wait3A_346 = tpu.memref_slice %arg8[%dma_wait3A_344, %dma_wait3A_345] : memref<252x80xi32, #tpu.memory_space<vmem>> -> memref<1x80xi32, #tpu.memory_space<vmem>>
      %dma_wait3A_347 = tpu.memref_squeeze %dma_wait3A_346 : memref<1x80xi32, #tpu.memory_space<vmem>> -> memref<80xi32, #tpu.memory_space<vmem>>
      %dma_wait3A_348 = arith.constant 0 : i32
      %dma_wait3A_349 = arith.constant 0 : i32
      %dma_wait3A_350 = tpu.memref_slice %arg16[%dma_wait3A_348, %dma_wait3A_349] : memref<10240x64xf32, #tpu.memory_space<vmem_shared>> -> memref<10240x64xf32, #tpu.memory_space<vmem_shared>>
      tpu.wait_indirect_dma semaphore(%arg24 : memref<!tpu.dma_semaphore, #tpu.memory_space<semaphore_mem>>) src(%arg10 : memref<80x64xf32, #tpu.memory_space<vmem>>) dst(%dma_wait3A_350 : memref<10240x64xf32, #tpu.memory_space<vmem_shared>>)
      %dma_wait3A_351 = arith.constant 250 : i32
      %dma_wait3A_352 = arith.constant 0 : i32
      %dma_wait3A_353 = tpu.memref_slice %arg7[%dma_wait3A_351, %dma_wait3A_352] : memref<252x80xi32, #tpu.memory_space<vmem>> -> memref<1x80xi32, #tpu.memory_space<vmem>>
      %dma_wait3A_354 = tpu.memref_squeeze %dma_wait3A_353 : memref<1x80xi32, #tpu.memory_space<vmem>> -> memref<80xi32, #tpu.memory_space<vmem>>
      %dma_wait3A_355 = arith.constant 0 : i32
      %dma_wait3A_356 = arith.constant 0 : i32
      %dma_wait3A_357 = tpu.memref_slice %arg4[%dma_wait3A_355, %dma_wait3A_356] : memref<10000x64xf32, #tpu.memory_space<hbm>> -> memref<10000x64xf32, #tpu.memory_space<hbm>>
      tpu.wait_indirect_dma semaphore(%arg21 : memref<!tpu.dma_semaphore, #tpu.memory_space<semaphore_mem>>) src(%dma_wait3A_357 : memref<10000x64xf32, #tpu.memory_space<hbm>>) dst(%arg13 : memref<80x64xf32, #tpu.memory_space<vmem>>)
      %dma_start3A_358 = arith.constant 250 : i32
      %dma_start3A_359 = arith.constant 0 : i32
      %dma_start3A_360 = tpu.memref_slice %arg8[%dma_start3A_358, %dma_start3A_359] : memref<252x80xi32, #tpu.memory_space<vmem>> -> memref<1x80xi32, #tpu.memory_space<vmem>>
      %dma_start3A_361 = tpu.memref_squeeze %dma_start3A_360 : memref<1x80xi32, #tpu.memory_space<vmem>> -> memref<80xi32, #tpu.memory_space<vmem>>
      %dma_start3A_362 = arith.constant 0 : i32
      %dma_start3A_363 = arith.constant 0 : i32
      %dma_start3A_364 = tpu.memref_slice %arg16[%dma_start3A_362, %dma_start3A_363] : memref<10240x64xf32, #tpu.memory_space<vmem_shared>> -> memref<10240x64xf32, #tpu.memory_space<vmem_shared>>
      tpu.enqueue_indirect_dma source(%arg13 : memref<80x64xf32, #tpu.memory_space<vmem>>) target(%dma_start3A_364 : memref<10240x64xf32, #tpu.memory_space<vmem_shared>>) offsets(%dma_start3A_361 : memref<80xi32, #tpu.memory_space<vmem>>) semaphore(%arg27 : memref<!tpu.dma_semaphore, #tpu.memory_space<semaphore_mem>>) {add = true}
      %dma_wait3A_365 = arith.constant 248 : i32
      %dma_wait3A_366 = arith.constant 0 : i32
      %dma_wait3A_367 = tpu.memref_slice %arg8[%dma_wait3A_365, %dma_wait3A_366] : memref<252x80xi32, #tpu.memory_space<vmem>> -> memref<1x80xi32, #tpu.memory_space<vmem>>
      %dma_wait3A_368 = tpu.memref_squeeze %dma_wait3A_367 : memref<1x80xi32, #tpu.memory_space<vmem>> -> memref<80xi32, #tpu.memory_space<vmem>>
      %dma_wait3A_369 = arith.constant 0 : i32
      %dma_wait3A_370 = arith.constant 0 : i32
      %dma_wait3A_371 = tpu.memref_slice %arg16[%dma_wait3A_369, %dma_wait3A_370] : memref<10240x64xf32, #tpu.memory_space<vmem_shared>> -> memref<10240x64xf32, #tpu.memory_space<vmem_shared>>
      tpu.wait_indirect_dma semaphore(%arg25 : memref<!tpu.dma_semaphore, #tpu.memory_space<semaphore_mem>>) src(%arg11 : memref<80x64xf32, #tpu.memory_space<vmem>>) dst(%dma_wait3A_371 : memref<10240x64xf32, #tpu.memory_space<vmem_shared>>)
      %dma_wait3A_372 = arith.constant 251 : i32
      %dma_wait3A_373 = arith.constant 0 : i32
      %dma_wait3A_374 = tpu.memref_slice %arg7[%dma_wait3A_372, %dma_wait3A_373] : memref<252x80xi32, #tpu.memory_space<vmem>> -> memref<1x80xi32, #tpu.memory_space<vmem>>
      %dma_wait3A_375 = tpu.memref_squeeze %dma_wait3A_374 : memref<1x80xi32, #tpu.memory_space<vmem>> -> memref<80xi32, #tpu.memory_space<vmem>>
      %dma_wait3A_376 = arith.constant 0 : i32
      %dma_wait3A_377 = arith.constant 0 : i32
      %dma_wait3A_378 = tpu.memref_slice %arg4[%dma_wait3A_376, %dma_wait3A_377] : memref<10000x64xf32, #tpu.memory_space<hbm>> -> memref<10000x64xf32, #tpu.memory_space<hbm>>
      tpu.wait_indirect_dma semaphore(%arg22 : memref<!tpu.dma_semaphore, #tpu.memory_space<semaphore_mem>>) src(%dma_wait3A_378 : memref<10000x64xf32, #tpu.memory_space<hbm>>) dst(%arg14 : memref<80x64xf32, #tpu.memory_space<vmem>>)
      %dma_start3A_379 = arith.constant 251 : i32
      %dma_start3A_380 = arith.constant 0 : i32
      %dma_start3A_381 = tpu.memref_slice %arg8[%dma_start3A_379, %dma_start3A_380] : memref<252x80xi32, #tpu.memory_space<vmem>> -> memref<1x80xi32, #tpu.memory_space<vmem>>
      %dma_start3A_382 = tpu.memref_squeeze %dma_start3A_381 : memref<1x80xi32, #tpu.memory_space<vmem>> -> memref<80xi32, #tpu.memory_space<vmem>>
      %dma_start3A_383 = arith.constant 0 : i32
      %dma_start3A_384 = arith.constant 0 : i32
      %dma_start3A_385 = tpu.memref_slice %arg16[%dma_start3A_383, %dma_start3A_384] : memref<10240x64xf32, #tpu.memory_space<vmem_shared>> -> memref<10240x64xf32, #tpu.memory_space<vmem_shared>>
      tpu.enqueue_indirect_dma source(%arg14 : memref<80x64xf32, #tpu.memory_space<vmem>>) target(%dma_start3A_385 : memref<10240x64xf32, #tpu.memory_space<vmem_shared>>) offsets(%dma_start3A_382 : memref<80xi32, #tpu.memory_space<vmem>>) semaphore(%arg28 : memref<!tpu.dma_semaphore, #tpu.memory_space<semaphore_mem>>) {add = true}
      %dma_wait3A_386 = arith.constant 249 : i32
      %dma_wait3A_387 = arith.constant 0 : i32
      %dma_wait3A_388 = tpu.memref_slice %arg8[%dma_wait3A_386, %dma_wait3A_387] : memref<252x80xi32, #tpu.memory_space<vmem>> -> memref<1x80xi32, #tpu.memory_space<vmem>>
      %dma_wait3A_389 = tpu.memref_squeeze %dma_wait3A_388 : memref<1x80xi32, #tpu.memory_space<vmem>> -> memref<80xi32, #tpu.memory_space<vmem>>
      %dma_wait3A_390 = arith.constant 0 : i32
      %dma_wait3A_391 = arith.constant 0 : i32
      %dma_wait3A_392 = tpu.memref_slice %arg16[%dma_wait3A_390, %dma_wait3A_391] : memref<10240x64xf32, #tpu.memory_space<vmem_shared>> -> memref<10240x64xf32, #tpu.memory_space<vmem_shared>>
      tpu.wait_indirect_dma semaphore(%arg26 : memref<!tpu.dma_semaphore, #tpu.memory_space<semaphore_mem>>) src(%arg12 : memref<80x64xf32, #tpu.memory_space<vmem>>) dst(%dma_wait3A_392 : memref<10240x64xf32, #tpu.memory_space<vmem_shared>>)
      %dma_wait3A_393 = arith.constant 250 : i32
      %dma_wait3A_394 = arith.constant 0 : i32
      %dma_wait3A_395 = tpu.memref_slice %arg8[%dma_wait3A_393, %dma_wait3A_394] : memref<252x80xi32, #tpu.memory_space<vmem>> -> memref<1x80xi32, #tpu.memory_space<vmem>>
      %dma_wait3A_396 = tpu.memref_squeeze %dma_wait3A_395 : memref<1x80xi32, #tpu.memory_space<vmem>> -> memref<80xi32, #tpu.memory_space<vmem>>
      %dma_wait3A_397 = arith.constant 0 : i32
      %dma_wait3A_398 = arith.constant 0 : i32
      %dma_wait3A_399 = tpu.memref_slice %arg16[%dma_wait3A_397, %dma_wait3A_398] : memref<10240x64xf32, #tpu.memory_space<vmem_shared>> -> memref<10240x64xf32, #tpu.memory_space<vmem_shared>>
      tpu.wait_indirect_dma semaphore(%arg27 : memref<!tpu.dma_semaphore, #tpu.memory_space<semaphore_mem>>) src(%arg13 : memref<80x64xf32, #tpu.memory_space<vmem>>) dst(%dma_wait3A_399 : memref<10240x64xf32, #tpu.memory_space<vmem_shared>>)
      %dma_wait3A_400 = arith.constant 251 : i32
      %dma_wait3A_401 = arith.constant 0 : i32
      %dma_wait3A_402 = tpu.memref_slice %arg8[%dma_wait3A_400, %dma_wait3A_401] : memref<252x80xi32, #tpu.memory_space<vmem>> -> memref<1x80xi32, #tpu.memory_space<vmem>>
      %dma_wait3A_403 = tpu.memref_squeeze %dma_wait3A_402 : memref<1x80xi32, #tpu.memory_space<vmem>> -> memref<80xi32, #tpu.memory_space<vmem>>
      %dma_wait3A_404 = arith.constant 0 : i32
      %dma_wait3A_405 = arith.constant 0 : i32
      %dma_wait3A_406 = tpu.memref_slice %arg16[%dma_wait3A_404, %dma_wait3A_405] : memref<10240x64xf32, #tpu.memory_space<vmem_shared>> -> memref<10240x64xf32, #tpu.memory_space<vmem_shared>>
      tpu.wait_indirect_dma semaphore(%arg28 : memref<!tpu.dma_semaphore, #tpu.memory_space<semaphore_mem>>) src(%arg14 : memref<80x64xf32, #tpu.memory_space<vmem>>) dst(%dma_wait3A_406 : memref<10240x64xf32, #tpu.memory_space<vmem_shared>>)
    } else {
    }
    %eq3A_55 = arith.constant 1 : i32
    %eq3A_56 = arith.cmpi eq, %arg0, %eq3A_55 : i32
    %convert_element_type3A_57 = arith.extui %eq3A_56 : i1 to i32
    %cond3A_58 = arith.constant 0 : i32
    %cond3A_59 = arith.cmpi ne, %convert_element_type3A_57, %cond3A_58 : i32
    scf.if %cond3A_59 {
      %dma_start3A_65 = arith.constant 0 : i32
      %dma_start3A_66 = arith.constant 0 : i32
      %dma_start3A_67 = tpu.memref_slice %arg7[%dma_start3A_65, %dma_start3A_66] : memref<252x80xi32, #tpu.memory_space<vmem>> -> memref<1x80xi32, #tpu.memory_space<vmem>>
      %dma_start3A_68 = tpu.memref_squeeze %dma_start3A_67 : memref<1x80xi32, #tpu.memory_space<vmem>> -> memref<80xi32, #tpu.memory_space<vmem>>
      %dma_start3A_69 = arith.constant 0 : i32
      %dma_start3A_70 = arith.constant 0 : i32
      %dma_start3A_71 = tpu.memref_slice %arg5[%dma_start3A_69, %dma_start3A_70] : memref<10000x64xf32, #tpu.memory_space<hbm>> -> memref<10000x64xf32, #tpu.memory_space<hbm>>
      tpu.enqueue_indirect_dma source(%dma_start3A_71 : memref<10000x64xf32, #tpu.memory_space<hbm>>) target(%arg9 : memref<80x64xf32, #tpu.memory_space<vmem>>) offsets(%dma_start3A_68 : memref<80xi32, #tpu.memory_space<vmem>>) semaphore(%arg17 : memref<!tpu.dma_semaphore, #tpu.memory_space<semaphore_mem>>)
      %dma_start3A_72 = arith.constant 1 : i32
      %dma_start3A_73 = arith.constant 0 : i32
      %dma_start3A_74 = tpu.memref_slice %arg7[%dma_start3A_72, %dma_start3A_73] : memref<252x80xi32, #tpu.memory_space<vmem>> -> memref<1x80xi32, #tpu.memory_space<vmem>>
      %dma_start3A_75 = tpu.memref_squeeze %dma_start3A_74 : memref<1x80xi32, #tpu.memory_space<vmem>> -> memref<80xi32, #tpu.memory_space<vmem>>
      %dma_start3A_76 = arith.constant 0 : i32
      %dma_start3A_77 = arith.constant 0 : i32
      %dma_start3A_78 = tpu.memref_slice %arg5[%dma_start3A_76, %dma_start3A_77] : memref<10000x64xf32, #tpu.memory_space<hbm>> -> memref<10000x64xf32, #tpu.memory_space<hbm>>
      tpu.enqueue_indirect_dma source(%dma_start3A_78 : memref<10000x64xf32, #tpu.memory_space<hbm>>) target(%arg10 : memref<80x64xf32, #tpu.memory_space<vmem>>) offsets(%dma_start3A_75 : memref<80xi32, #tpu.memory_space<vmem>>) semaphore(%arg18 : memref<!tpu.dma_semaphore, #tpu.memory_space<semaphore_mem>>)
      %dma_start3A_79 = arith.constant 2 : i32
      %dma_start3A_80 = arith.constant 0 : i32
      %dma_start3A_81 = tpu.memref_slice %arg7[%dma_start3A_79, %dma_start3A_80] : memref<252x80xi32, #tpu.memory_space<vmem>> -> memref<1x80xi32, #tpu.memory_space<vmem>>
      %dma_start3A_82 = tpu.memref_squeeze %dma_start3A_81 : memref<1x80xi32, #tpu.memory_space<vmem>> -> memref<80xi32, #tpu.memory_space<vmem>>
      %dma_start3A_83 = arith.constant 0 : i32
      %dma_start3A_84 = arith.constant 0 : i32
      %dma_start3A_85 = tpu.memref_slice %arg5[%dma_start3A_83, %dma_start3A_84] : memref<10000x64xf32, #tpu.memory_space<hbm>> -> memref<10000x64xf32, #tpu.memory_space<hbm>>
      tpu.enqueue_indirect_dma source(%dma_start3A_85 : memref<10000x64xf32, #tpu.memory_space<hbm>>) target(%arg11 : memref<80x64xf32, #tpu.memory_space<vmem>>) offsets(%dma_start3A_82 : memref<80xi32, #tpu.memory_space<vmem>>) semaphore(%arg19 : memref<!tpu.dma_semaphore, #tpu.memory_space<semaphore_mem>>)
      %dma_start3A_86 = arith.constant 3 : i32
      %dma_start3A_87 = arith.constant 0 : i32
      %dma_start3A_88 = tpu.memref_slice %arg7[%dma_start3A_86, %dma_start3A_87] : memref<252x80xi32, #tpu.memory_space<vmem>> -> memref<1x80xi32, #tpu.memory_space<vmem>>
      %dma_start3A_89 = tpu.memref_squeeze %dma_start3A_88 : memref<1x80xi32, #tpu.memory_space<vmem>> -> memref<80xi32, #tpu.memory_space<vmem>>
      %dma_start3A_90 = arith.constant 0 : i32
      %dma_start3A_91 = arith.constant 0 : i32
      %dma_start3A_92 = tpu.memref_slice %arg5[%dma_start3A_90, %dma_start3A_91] : memref<10000x64xf32, #tpu.memory_space<hbm>> -> memref<10000x64xf32, #tpu.memory_space<hbm>>
      tpu.enqueue_indirect_dma source(%dma_start3A_92 : memref<10000x64xf32, #tpu.memory_space<hbm>>) target(%arg12 : memref<80x64xf32, #tpu.memory_space<vmem>>) offsets(%dma_start3A_89 : memref<80xi32, #tpu.memory_space<vmem>>) semaphore(%arg20 : memref<!tpu.dma_semaphore, #tpu.memory_space<semaphore_mem>>)
      %dma_wait3A_93 = arith.constant 0 : i32
      %dma_wait3A_94 = arith.constant 0 : i32
      %dma_wait3A_95 = tpu.memref_slice %arg7[%dma_wait3A_93, %dma_wait3A_94] : memref<252x80xi32, #tpu.memory_space<vmem>> -> memref<1x80xi32, #tpu.memory_space<vmem>>
      %dma_wait3A_96 = tpu.memref_squeeze %dma_wait3A_95 : memref<1x80xi32, #tpu.memory_space<vmem>> -> memref<80xi32, #tpu.memory_space<vmem>>
      %dma_wait3A_97 = arith.constant 0 : i32
      %dma_wait3A_98 = arith.constant 0 : i32
      %dma_wait3A_99 = tpu.memref_slice %arg5[%dma_wait3A_97, %dma_wait3A_98] : memref<10000x64xf32, #tpu.memory_space<hbm>> -> memref<10000x64xf32, #tpu.memory_space<hbm>>
      tpu.wait_indirect_dma semaphore(%arg17 : memref<!tpu.dma_semaphore, #tpu.memory_space<semaphore_mem>>) src(%dma_wait3A_99 : memref<10000x64xf32, #tpu.memory_space<hbm>>) dst(%arg9 : memref<80x64xf32, #tpu.memory_space<vmem>>)
      %dma_start3A_100 = arith.constant 0 : i32
      %dma_start3A_101 = arith.constant 0 : i32
      %dma_start3A_102 = tpu.memref_slice %arg8[%dma_start3A_100, %dma_start3A_101] : memref<252x80xi32, #tpu.memory_space<vmem>> -> memref<1x80xi32, #tpu.memory_space<vmem>>
      %dma_start3A_103 = tpu.memref_squeeze %dma_start3A_102 : memref<1x80xi32, #tpu.memory_space<vmem>> -> memref<80xi32, #tpu.memory_space<vmem>>
      %dma_start3A_104 = arith.constant 0 : i32
      %dma_start3A_105 = arith.constant 0 : i32
      %dma_start3A_106 = tpu.memref_slice %arg16[%dma_start3A_104, %dma_start3A_105] : memref<10240x64xf32, #tpu.memory_space<vmem_shared>> -> memref<10240x64xf32, #tpu.memory_space<vmem_shared>>
      tpu.enqueue_indirect_dma source(%arg9 : memref<80x64xf32, #tpu.memory_space<vmem>>) target(%dma_start3A_106 : memref<10240x64xf32, #tpu.memory_space<vmem_shared>>) offsets(%dma_start3A_103 : memref<80xi32, #tpu.memory_space<vmem>>) semaphore(%arg23 : memref<!tpu.dma_semaphore, #tpu.memory_space<semaphore_mem>>) {add = true}
      %dma_start3A_107 = arith.constant 4 : i32
      %dma_start3A_108 = arith.constant 0 : i32
      %dma_start3A_109 = tpu.memref_slice %arg7[%dma_start3A_107, %dma_start3A_108] : memref<252x80xi32, #tpu.memory_space<vmem>> -> memref<1x80xi32, #tpu.memory_space<vmem>>
      %dma_start3A_110 = tpu.memref_squeeze %dma_start3A_109 : memref<1x80xi32, #tpu.memory_space<vmem>> -> memref<80xi32, #tpu.memory_space<vmem>>
      %dma_start3A_111 = arith.constant 0 : i32
      %dma_start3A_112 = arith.constant 0 : i32
      %dma_start3A_113 = tpu.memref_slice %arg5[%dma_start3A_111, %dma_start3A_112] : memref<10000x64xf32, #tpu.memory_space<hbm>> -> memref<10000x64xf32, #tpu.memory_space<hbm>>
      tpu.enqueue_indirect_dma source(%dma_start3A_113 : memref<10000x64xf32, #tpu.memory_space<hbm>>) target(%arg13 : memref<80x64xf32, #tpu.memory_space<vmem>>) offsets(%dma_start3A_110 : memref<80xi32, #tpu.memory_space<vmem>>) semaphore(%arg21 : memref<!tpu.dma_semaphore, #tpu.memory_space<semaphore_mem>>)
      %dma_wait3A_114 = arith.constant 1 : i32
      %dma_wait3A_115 = arith.constant 0 : i32
      %dma_wait3A_116 = tpu.memref_slice %arg7[%dma_wait3A_114, %dma_wait3A_115] : memref<252x80xi32, #tpu.memory_space<vmem>> -> memref<1x80xi32, #tpu.memory_space<vmem>>
      %dma_wait3A_117 = tpu.memref_squeeze %dma_wait3A_116 : memref<1x80xi32, #tpu.memory_space<vmem>> -> memref<80xi32, #tpu.memory_space<vmem>>
      %dma_wait3A_118 = arith.constant 0 : i32
      %dma_wait3A_119 = arith.constant 0 : i32
      %dma_wait3A_120 = tpu.memref_slice %arg5[%dma_wait3A_118, %dma_wait3A_119] : memref<10000x64xf32, #tpu.memory_space<hbm>> -> memref<10000x64xf32, #tpu.memory_space<hbm>>
      tpu.wait_indirect_dma semaphore(%arg18 : memref<!tpu.dma_semaphore, #tpu.memory_space<semaphore_mem>>) src(%dma_wait3A_120 : memref<10000x64xf32, #tpu.memory_space<hbm>>) dst(%arg10 : memref<80x64xf32, #tpu.memory_space<vmem>>)
      %dma_start3A_121 = arith.constant 1 : i32
      %dma_start3A_122 = arith.constant 0 : i32
      %dma_start3A_123 = tpu.memref_slice %arg8[%dma_start3A_121, %dma_start3A_122] : memref<252x80xi32, #tpu.memory_space<vmem>> -> memref<1x80xi32, #tpu.memory_space<vmem>>
      %dma_start3A_124 = tpu.memref_squeeze %dma_start3A_123 : memref<1x80xi32, #tpu.memory_space<vmem>> -> memref<80xi32, #tpu.memory_space<vmem>>
      %dma_start3A_125 = arith.constant 0 : i32
      %dma_start3A_126 = arith.constant 0 : i32
      %dma_start3A_127 = tpu.memref_slice %arg16[%dma_start3A_125, %dma_start3A_126] : memref<10240x64xf32, #tpu.memory_space<vmem_shared>> -> memref<10240x64xf32, #tpu.memory_space<vmem_shared>>
      tpu.enqueue_indirect_dma source(%arg10 : memref<80x64xf32, #tpu.memory_space<vmem>>) target(%dma_start3A_127 : memref<10240x64xf32, #tpu.memory_space<vmem_shared>>) offsets(%dma_start3A_124 : memref<80xi32, #tpu.memory_space<vmem>>) semaphore(%arg24 : memref<!tpu.dma_semaphore, #tpu.memory_space<semaphore_mem>>) {add = true}
      %dma_start3A_128 = arith.constant 5 : i32
      %dma_start3A_129 = arith.constant 0 : i32
      %dma_start3A_130 = tpu.memref_slice %arg7[%dma_start3A_128, %dma_start3A_129] : memref<252x80xi32, #tpu.memory_space<vmem>> -> memref<1x80xi32, #tpu.memory_space<vmem>>
      %dma_start3A_131 = tpu.memref_squeeze %dma_start3A_130 : memref<1x80xi32, #tpu.memory_space<vmem>> -> memref<80xi32, #tpu.memory_space<vmem>>
      %dma_start3A_132 = arith.constant 0 : i32
      %dma_start3A_133 = arith.constant 0 : i32
      %dma_start3A_134 = tpu.memref_slice %arg5[%dma_start3A_132, %dma_start3A_133] : memref<10000x64xf32, #tpu.memory_space<hbm>> -> memref<10000x64xf32, #tpu.memory_space<hbm>>
      tpu.enqueue_indirect_dma source(%dma_start3A_134 : memref<10000x64xf32, #tpu.memory_space<hbm>>) target(%arg14 : memref<80x64xf32, #tpu.memory_space<vmem>>) offsets(%dma_start3A_131 : memref<80xi32, #tpu.memory_space<vmem>>) semaphore(%arg22 : memref<!tpu.dma_semaphore, #tpu.memory_space<semaphore_mem>>)
      %dma_wait3A_135 = arith.constant 2 : i32
      %dma_wait3A_136 = arith.constant 0 : i32
      %dma_wait3A_137 = tpu.memref_slice %arg7[%dma_wait3A_135, %dma_wait3A_136] : memref<252x80xi32, #tpu.memory_space<vmem>> -> memref<1x80xi32, #tpu.memory_space<vmem>>
      %dma_wait3A_138 = tpu.memref_squeeze %dma_wait3A_137 : memref<1x80xi32, #tpu.memory_space<vmem>> -> memref<80xi32, #tpu.memory_space<vmem>>
      %dma_wait3A_139 = arith.constant 0 : i32
      %dma_wait3A_140 = arith.constant 0 : i32
      %dma_wait3A_141 = tpu.memref_slice %arg5[%dma_wait3A_139, %dma_wait3A_140] : memref<10000x64xf32, #tpu.memory_space<hbm>> -> memref<10000x64xf32, #tpu.memory_space<hbm>>
      tpu.wait_indirect_dma semaphore(%arg19 : memref<!tpu.dma_semaphore, #tpu.memory_space<semaphore_mem>>) src(%dma_wait3A_141 : memref<10000x64xf32, #tpu.memory_space<hbm>>) dst(%arg11 : memref<80x64xf32, #tpu.memory_space<vmem>>)
      %dma_start3A_142 = arith.constant 2 : i32
      %dma_start3A_143 = arith.constant 0 : i32
      %dma_start3A_144 = tpu.memref_slice %arg8[%dma_start3A_142, %dma_start3A_143] : memref<252x80xi32, #tpu.memory_space<vmem>> -> memref<1x80xi32, #tpu.memory_space<vmem>>
      %dma_start3A_145 = tpu.memref_squeeze %dma_start3A_144 : memref<1x80xi32, #tpu.memory_space<vmem>> -> memref<80xi32, #tpu.memory_space<vmem>>
      %dma_start3A_146 = arith.constant 0 : i32
      %dma_start3A_147 = arith.constant 0 : i32
      %dma_start3A_148 = tpu.memref_slice %arg16[%dma_start3A_146, %dma_start3A_147] : memref<10240x64xf32, #tpu.memory_space<vmem_shared>> -> memref<10240x64xf32, #tpu.memory_space<vmem_shared>>
      tpu.enqueue_indirect_dma source(%arg11 : memref<80x64xf32, #tpu.memory_space<vmem>>) target(%dma_start3A_148 : memref<10240x64xf32, #tpu.memory_space<vmem_shared>>) offsets(%dma_start3A_145 : memref<80xi32, #tpu.memory_space<vmem>>) semaphore(%arg25 : memref<!tpu.dma_semaphore, #tpu.memory_space<semaphore_mem>>) {add = true}
      %dma_wait3A_149 = arith.constant 0 : i32
      %dma_wait3A_150 = arith.constant 0 : i32
      %dma_wait3A_151 = tpu.memref_slice %arg8[%dma_wait3A_149, %dma_wait3A_150] : memref<252x80xi32, #tpu.memory_space<vmem>> -> memref<1x80xi32, #tpu.memory_space<vmem>>
      %dma_wait3A_152 = tpu.memref_squeeze %dma_wait3A_151 : memref<1x80xi32, #tpu.memory_space<vmem>> -> memref<80xi32, #tpu.memory_space<vmem>>
      %dma_wait3A_153 = arith.constant 0 : i32
      %dma_wait3A_154 = arith.constant 0 : i32
      %dma_wait3A_155 = tpu.memref_slice %arg16[%dma_wait3A_153, %dma_wait3A_154] : memref<10240x64xf32, #tpu.memory_space<vmem_shared>> -> memref<10240x64xf32, #tpu.memory_space<vmem_shared>>
      tpu.wait_indirect_dma semaphore(%arg23 : memref<!tpu.dma_semaphore, #tpu.memory_space<semaphore_mem>>) src(%arg9 : memref<80x64xf32, #tpu.memory_space<vmem>>) dst(%dma_wait3A_155 : memref<10240x64xf32, #tpu.memory_space<vmem_shared>>)
      %dma_start3A_156 = arith.constant 6 : i32
      %dma_start3A_157 = arith.constant 0 : i32
      %dma_start3A_158 = tpu.memref_slice %arg7[%dma_start3A_156, %dma_start3A_157] : memref<252x80xi32, #tpu.memory_space<vmem>> -> memref<1x80xi32, #tpu.memory_space<vmem>>
      %dma_start3A_159 = tpu.memref_squeeze %dma_start3A_158 : memref<1x80xi32, #tpu.memory_space<vmem>> -> memref<80xi32, #tpu.memory_space<vmem>>
      %dma_start3A_160 = arith.constant 0 : i32
      %dma_start3A_161 = arith.constant 0 : i32
      %dma_start3A_162 = tpu.memref_slice %arg5[%dma_start3A_160, %dma_start3A_161] : memref<10000x64xf32, #tpu.memory_space<hbm>> -> memref<10000x64xf32, #tpu.memory_space<hbm>>
      tpu.enqueue_indirect_dma source(%dma_start3A_162 : memref<10000x64xf32, #tpu.memory_space<hbm>>) target(%arg9 : memref<80x64xf32, #tpu.memory_space<vmem>>) offsets(%dma_start3A_159 : memref<80xi32, #tpu.memory_space<vmem>>) semaphore(%arg17 : memref<!tpu.dma_semaphore, #tpu.memory_space<semaphore_mem>>)
      %dma_wait3A_163 = arith.constant 3 : i32
      %dma_wait3A_164 = arith.constant 0 : i32
      %dma_wait3A_165 = tpu.memref_slice %arg7[%dma_wait3A_163, %dma_wait3A_164] : memref<252x80xi32, #tpu.memory_space<vmem>> -> memref<1x80xi32, #tpu.memory_space<vmem>>
      %dma_wait3A_166 = tpu.memref_squeeze %dma_wait3A_165 : memref<1x80xi32, #tpu.memory_space<vmem>> -> memref<80xi32, #tpu.memory_space<vmem>>
      %dma_wait3A_167 = arith.constant 0 : i32
      %dma_wait3A_168 = arith.constant 0 : i32
      %dma_wait3A_169 = tpu.memref_slice %arg5[%dma_wait3A_167, %dma_wait3A_168] : memref<10000x64xf32, #tpu.memory_space<hbm>> -> memref<10000x64xf32, #tpu.memory_space<hbm>>
      tpu.wait_indirect_dma semaphore(%arg20 : memref<!tpu.dma_semaphore, #tpu.memory_space<semaphore_mem>>) src(%dma_wait3A_169 : memref<10000x64xf32, #tpu.memory_space<hbm>>) dst(%arg12 : memref<80x64xf32, #tpu.memory_space<vmem>>)
      %dma_start3A_170 = arith.constant 3 : i32
      %dma_start3A_171 = arith.constant 0 : i32
      %dma_start3A_172 = tpu.memref_slice %arg8[%dma_start3A_170, %dma_start3A_171] : memref<252x80xi32, #tpu.memory_space<vmem>> -> memref<1x80xi32, #tpu.memory_space<vmem>>
      %dma_start3A_173 = tpu.memref_squeeze %dma_start3A_172 : memref<1x80xi32, #tpu.memory_space<vmem>> -> memref<80xi32, #tpu.memory_space<vmem>>
      %dma_start3A_174 = arith.constant 0 : i32
      %dma_start3A_175 = arith.constant 0 : i32
      %dma_start3A_176 = tpu.memref_slice %arg16[%dma_start3A_174, %dma_start3A_175] : memref<10240x64xf32, #tpu.memory_space<vmem_shared>> -> memref<10240x64xf32, #tpu.memory_space<vmem_shared>>
      tpu.enqueue_indirect_dma source(%arg12 : memref<80x64xf32, #tpu.memory_space<vmem>>) target(%dma_start3A_176 : memref<10240x64xf32, #tpu.memory_space<vmem_shared>>) offsets(%dma_start3A_173 : memref<80xi32, #tpu.memory_space<vmem>>) semaphore(%arg26 : memref<!tpu.dma_semaphore, #tpu.memory_space<semaphore_mem>>) {add = true}
      %dma_wait3A_177 = arith.constant 1 : i32
      %dma_wait3A_178 = arith.constant 0 : i32
      %dma_wait3A_179 = tpu.memref_slice %arg8[%dma_wait3A_177, %dma_wait3A_178] : memref<252x80xi32, #tpu.memory_space<vmem>> -> memref<1x80xi32, #tpu.memory_space<vmem>>
      %dma_wait3A_180 = tpu.memref_squeeze %dma_wait3A_179 : memref<1x80xi32, #tpu.memory_space<vmem>> -> memref<80xi32, #tpu.memory_space<vmem>>
      %dma_wait3A_181 = arith.constant 0 : i32
      %dma_wait3A_182 = arith.constant 0 : i32
      %dma_wait3A_183 = tpu.memref_slice %arg16[%dma_wait3A_181, %dma_wait3A_182] : memref<10240x64xf32, #tpu.memory_space<vmem_shared>> -> memref<10240x64xf32, #tpu.memory_space<vmem_shared>>
      tpu.wait_indirect_dma semaphore(%arg24 : memref<!tpu.dma_semaphore, #tpu.memory_space<semaphore_mem>>) src(%arg10 : memref<80x64xf32, #tpu.memory_space<vmem>>) dst(%dma_wait3A_183 : memref<10240x64xf32, #tpu.memory_space<vmem_shared>>)
      %dma_start3A_184 = arith.constant 7 : i32
      %dma_start3A_185 = arith.constant 0 : i32
      %dma_start3A_186 = tpu.memref_slice %arg7[%dma_start3A_184, %dma_start3A_185] : memref<252x80xi32, #tpu.memory_space<vmem>> -> memref<1x80xi32, #tpu.memory_space<vmem>>
      %dma_start3A_187 = tpu.memref_squeeze %dma_start3A_186 : memref<1x80xi32, #tpu.memory_space<vmem>> -> memref<80xi32, #tpu.memory_space<vmem>>
      %dma_start3A_188 = arith.constant 0 : i32
      %dma_start3A_189 = arith.constant 0 : i32
      %dma_start3A_190 = tpu.memref_slice %arg5[%dma_start3A_188, %dma_start3A_189] : memref<10000x64xf32, #tpu.memory_space<hbm>> -> memref<10000x64xf32, #tpu.memory_space<hbm>>
      tpu.enqueue_indirect_dma source(%dma_start3A_190 : memref<10000x64xf32, #tpu.memory_space<hbm>>) target(%arg10 : memref<80x64xf32, #tpu.memory_space<vmem>>) offsets(%dma_start3A_187 : memref<80xi32, #tpu.memory_space<vmem>>) semaphore(%arg18 : memref<!tpu.dma_semaphore, #tpu.memory_space<semaphore_mem>>)
      %dma_wait3A_191 = arith.constant 4 : i32
      %dma_wait3A_192 = arith.constant 0 : i32
      %dma_wait3A_193 = tpu.memref_slice %arg7[%dma_wait3A_191, %dma_wait3A_192] : memref<252x80xi32, #tpu.memory_space<vmem>> -> memref<1x80xi32, #tpu.memory_space<vmem>>
      %dma_wait3A_194 = tpu.memref_squeeze %dma_wait3A_193 : memref<1x80xi32, #tpu.memory_space<vmem>> -> memref<80xi32, #tpu.memory_space<vmem>>
      %dma_wait3A_195 = arith.constant 0 : i32
      %dma_wait3A_196 = arith.constant 0 : i32
      %dma_wait3A_197 = tpu.memref_slice %arg5[%dma_wait3A_195, %dma_wait3A_196] : memref<10000x64xf32, #tpu.memory_space<hbm>> -> memref<10000x64xf32, #tpu.memory_space<hbm>>
      tpu.wait_indirect_dma semaphore(%arg21 : memref<!tpu.dma_semaphore, #tpu.memory_space<semaphore_mem>>) src(%dma_wait3A_197 : memref<10000x64xf32, #tpu.memory_space<hbm>>) dst(%arg13 : memref<80x64xf32, #tpu.memory_space<vmem>>)
      %dma_start3A_198 = arith.constant 4 : i32
      %dma_start3A_199 = arith.constant 0 : i32
      %dma_start3A_200 = tpu.memref_slice %arg8[%dma_start3A_198, %dma_start3A_199] : memref<252x80xi32, #tpu.memory_space<vmem>> -> memref<1x80xi32, #tpu.memory_space<vmem>>
      %dma_start3A_201 = tpu.memref_squeeze %dma_start3A_200 : memref<1x80xi32, #tpu.memory_space<vmem>> -> memref<80xi32, #tpu.memory_space<vmem>>
      %dma_start3A_202 = arith.constant 0 : i32
      %dma_start3A_203 = arith.constant 0 : i32
      %dma_start3A_204 = tpu.memref_slice %arg16[%dma_start3A_202, %dma_start3A_203] : memref<10240x64xf32, #tpu.memory_space<vmem_shared>> -> memref<10240x64xf32, #tpu.memory_space<vmem_shared>>
      tpu.enqueue_indirect_dma source(%arg13 : memref<80x64xf32, #tpu.memory_space<vmem>>) target(%dma_start3A_204 : memref<10240x64xf32, #tpu.memory_space<vmem_shared>>) offsets(%dma_start3A_201 : memref<80xi32, #tpu.memory_space<vmem>>) semaphore(%arg27 : memref<!tpu.dma_semaphore, #tpu.memory_space<semaphore_mem>>) {add = true}
      %dma_wait3A_205 = arith.constant 2 : i32
      %dma_wait3A_206 = arith.constant 0 : i32
      %dma_wait3A_207 = tpu.memref_slice %arg8[%dma_wait3A_205, %dma_wait3A_206] : memref<252x80xi32, #tpu.memory_space<vmem>> -> memref<1x80xi32, #tpu.memory_space<vmem>>
      %dma_wait3A_208 = tpu.memref_squeeze %dma_wait3A_207 : memref<1x80xi32, #tpu.memory_space<vmem>> -> memref<80xi32, #tpu.memory_space<vmem>>
      %dma_wait3A_209 = arith.constant 0 : i32
      %dma_wait3A_210 = arith.constant 0 : i32
      %dma_wait3A_211 = tpu.memref_slice %arg16[%dma_wait3A_209, %dma_wait3A_210] : memref<10240x64xf32, #tpu.memory_space<vmem_shared>> -> memref<10240x64xf32, #tpu.memory_space<vmem_shared>>
      tpu.wait_indirect_dma semaphore(%arg25 : memref<!tpu.dma_semaphore, #tpu.memory_space<semaphore_mem>>) src(%arg11 : memref<80x64xf32, #tpu.memory_space<vmem>>) dst(%dma_wait3A_211 : memref<10240x64xf32, #tpu.memory_space<vmem_shared>>)
      %dma_start3A_212 = arith.constant 8 : i32
      %dma_start3A_213 = arith.constant 0 : i32
      %dma_start3A_214 = tpu.memref_slice %arg7[%dma_start3A_212, %dma_start3A_213] : memref<252x80xi32, #tpu.memory_space<vmem>> -> memref<1x80xi32, #tpu.memory_space<vmem>>
      %dma_start3A_215 = tpu.memref_squeeze %dma_start3A_214 : memref<1x80xi32, #tpu.memory_space<vmem>> -> memref<80xi32, #tpu.memory_space<vmem>>
      %dma_start3A_216 = arith.constant 0 : i32
      %dma_start3A_217 = arith.constant 0 : i32
      %dma_start3A_218 = tpu.memref_slice %arg5[%dma_start3A_216, %dma_start3A_217] : memref<10000x64xf32, #tpu.memory_space<hbm>> -> memref<10000x64xf32, #tpu.memory_space<hbm>>
      tpu.enqueue_indirect_dma source(%dma_start3A_218 : memref<10000x64xf32, #tpu.memory_space<hbm>>) target(%arg11 : memref<80x64xf32, #tpu.memory_space<vmem>>) offsets(%dma_start3A_215 : memref<80xi32, #tpu.memory_space<vmem>>) semaphore(%arg19 : memref<!tpu.dma_semaphore, #tpu.memory_space<semaphore_mem>>)
      %dma_wait3A_219 = arith.constant 5 : i32
      %dma_wait3A_220 = arith.constant 0 : i32
      %dma_wait3A_221 = tpu.memref_slice %arg7[%dma_wait3A_219, %dma_wait3A_220] : memref<252x80xi32, #tpu.memory_space<vmem>> -> memref<1x80xi32, #tpu.memory_space<vmem>>
      %dma_wait3A_222 = tpu.memref_squeeze %dma_wait3A_221 : memref<1x80xi32, #tpu.memory_space<vmem>> -> memref<80xi32, #tpu.memory_space<vmem>>
      %dma_wait3A_223 = arith.constant 0 : i32
      %dma_wait3A_224 = arith.constant 0 : i32
      %dma_wait3A_225 = tpu.memref_slice %arg5[%dma_wait3A_223, %dma_wait3A_224] : memref<10000x64xf32, #tpu.memory_space<hbm>> -> memref<10000x64xf32, #tpu.memory_space<hbm>>
      tpu.wait_indirect_dma semaphore(%arg22 : memref<!tpu.dma_semaphore, #tpu.memory_space<semaphore_mem>>) src(%dma_wait3A_225 : memref<10000x64xf32, #tpu.memory_space<hbm>>) dst(%arg14 : memref<80x64xf32, #tpu.memory_space<vmem>>)
      %dma_start3A_226 = arith.constant 5 : i32
      %dma_start3A_227 = arith.constant 0 : i32
      %dma_start3A_228 = tpu.memref_slice %arg8[%dma_start3A_226, %dma_start3A_227] : memref<252x80xi32, #tpu.memory_space<vmem>> -> memref<1x80xi32, #tpu.memory_space<vmem>>
      %dma_start3A_229 = tpu.memref_squeeze %dma_start3A_228 : memref<1x80xi32, #tpu.memory_space<vmem>> -> memref<80xi32, #tpu.memory_space<vmem>>
      %dma_start3A_230 = arith.constant 0 : i32
      %dma_start3A_231 = arith.constant 0 : i32
      %dma_start3A_232 = tpu.memref_slice %arg16[%dma_start3A_230, %dma_start3A_231] : memref<10240x64xf32, #tpu.memory_space<vmem_shared>> -> memref<10240x64xf32, #tpu.memory_space<vmem_shared>>
      tpu.enqueue_indirect_dma source(%arg14 : memref<80x64xf32, #tpu.memory_space<vmem>>) target(%dma_start3A_232 : memref<10240x64xf32, #tpu.memory_space<vmem_shared>>) offsets(%dma_start3A_229 : memref<80xi32, #tpu.memory_space<vmem>>) semaphore(%arg28 : memref<!tpu.dma_semaphore, #tpu.memory_space<semaphore_mem>>) {add = true}
      %dma_wait3A_233 = arith.constant 3 : i32
      %dma_wait3A_234 = arith.constant 0 : i32
      %dma_wait3A_235 = tpu.memref_slice %arg8[%dma_wait3A_233, %dma_wait3A_234] : memref<252x80xi32, #tpu.memory_space<vmem>> -> memref<1x80xi32, #tpu.memory_space<vmem>>
      %dma_wait3A_236 = tpu.memref_squeeze %dma_wait3A_235 : memref<1x80xi32, #tpu.memory_space<vmem>> -> memref<80xi32, #tpu.memory_space<vmem>>
      %dma_wait3A_237 = arith.constant 0 : i32
      %dma_wait3A_238 = arith.constant 0 : i32
      %dma_wait3A_239 = tpu.memref_slice %arg16[%dma_wait3A_237, %dma_wait3A_238] : memref<10240x64xf32, #tpu.memory_space<vmem_shared>> -> memref<10240x64xf32, #tpu.memory_space<vmem_shared>>
      tpu.wait_indirect_dma semaphore(%arg26 : memref<!tpu.dma_semaphore, #tpu.memory_space<semaphore_mem>>) src(%arg12 : memref<80x64xf32, #tpu.memory_space<vmem>>) dst(%dma_wait3A_239 : memref<10240x64xf32, #tpu.memory_space<vmem_shared>>)
      %dma_start3A_240 = arith.constant 9 : i32
      %dma_start3A_241 = arith.constant 0 : i32
      %dma_start3A_242 = tpu.memref_slice %arg7[%dma_start3A_240, %dma_start3A_241] : memref<252x80xi32, #tpu.memory_space<vmem>> -> memref<1x80xi32, #tpu.memory_space<vmem>>
      %dma_start3A_243 = tpu.memref_squeeze %dma_start3A_242 : memref<1x80xi32, #tpu.memory_space<vmem>> -> memref<80xi32, #tpu.memory_space<vmem>>
      %dma_start3A_244 = arith.constant 0 : i32
      %dma_start3A_245 = arith.constant 0 : i32
      %dma_start3A_246 = tpu.memref_slice %arg5[%dma_start3A_244, %dma_start3A_245] : memref<10000x64xf32, #tpu.memory_space<hbm>> -> memref<10000x64xf32, #tpu.memory_space<hbm>>
      tpu.enqueue_indirect_dma source(%dma_start3A_246 : memref<10000x64xf32, #tpu.memory_space<hbm>>) target(%arg12 : memref<80x64xf32, #tpu.memory_space<vmem>>) offsets(%dma_start3A_243 : memref<80xi32, #tpu.memory_space<vmem>>) semaphore(%arg20 : memref<!tpu.dma_semaphore, #tpu.memory_space<semaphore_mem>>)
      %scan3A_247 = arith.constant 0 : i32
      %scan3A_248 = arith.constant 1 : i32
      %scan3A_249 = arith.constant 40 : i32
      %scan3A_250 = arith.addi %scan3A_248, %scan3A_249 : i32
      %scan3A_251 = arith.constant 1 : i32
      scf.for %scan3A_407 = %scan3A_248 to %scan3A_250 step %scan3A_251  : i32 {
        %mul3A_408 = arith.constant 6 : i32
        %mul3A_409 = arith.muli %mul3A_408, %scan3A_407 : i32
        %add3A_410 = arith.constant 0 : i32
        %add3A_411 = arith.addi %mul3A_409, %add3A_410 : i32
        %dma_wait3A_412 = arith.constant 0 : i32
        %dma_wait3A_413 = tpu.memref_slice %arg7[%add3A_411, %dma_wait3A_412] : memref<252x80xi32, #tpu.memory_space<vmem>> -> memref<1x80xi32, #tpu.memory_space<vmem>>
        %dma_wait3A_414 = tpu.memref_squeeze %dma_wait3A_413 : memref<1x80xi32, #tpu.memory_space<vmem>> -> memref<80xi32, #tpu.memory_space<vmem>>
        %dma_wait3A_415 = arith.constant 0 : i32
        %dma_wait3A_416 = arith.constant 0 : i32
        %dma_wait3A_417 = tpu.memref_slice %arg5[%dma_wait3A_415, %dma_wait3A_416] : memref<10000x64xf32, #tpu.memory_space<hbm>> -> memref<10000x64xf32, #tpu.memory_space<hbm>>
        tpu.wait_indirect_dma semaphore(%arg17 : memref<!tpu.dma_semaphore, #tpu.memory_space<semaphore_mem>>) src(%dma_wait3A_417 : memref<10000x64xf32, #tpu.memory_space<hbm>>) dst(%arg9 : memref<80x64xf32, #tpu.memory_space<vmem>>)
        %dma_start3A_418 = arith.constant 0 : i32
        %dma_start3A_419 = tpu.memref_slice %arg8[%add3A_411, %dma_start3A_418] : memref<252x80xi32, #tpu.memory_space<vmem>> -> memref<1x80xi32, #tpu.memory_space<vmem>>
        %dma_start3A_420 = tpu.memref_squeeze %dma_start3A_419 : memref<1x80xi32, #tpu.memory_space<vmem>> -> memref<80xi32, #tpu.memory_space<vmem>>
        %dma_start3A_421 = arith.constant 0 : i32
        %dma_start3A_422 = arith.constant 0 : i32
        %dma_start3A_423 = tpu.memref_slice %arg16[%dma_start3A_421, %dma_start3A_422] : memref<10240x64xf32, #tpu.memory_space<vmem_shared>> -> memref<10240x64xf32, #tpu.memory_space<vmem_shared>>
        tpu.enqueue_indirect_dma source(%arg9 : memref<80x64xf32, #tpu.memory_space<vmem>>) target(%dma_start3A_423 : memref<10240x64xf32, #tpu.memory_space<vmem_shared>>) offsets(%dma_start3A_420 : memref<80xi32, #tpu.memory_space<vmem>>) semaphore(%arg23 : memref<!tpu.dma_semaphore, #tpu.memory_space<semaphore_mem>>) {add = true}
        %sub3A = arith.constant 2 : i32
        %sub3A_424 = arith.subi %add3A_411, %sub3A : i32
        %dma_wait3A_425 = arith.constant 0 : i32
        %dma_wait3A_426 = tpu.memref_slice %arg8[%sub3A_424, %dma_wait3A_425] : memref<252x80xi32, #tpu.memory_space<vmem>> -> memref<1x80xi32, #tpu.memory_space<vmem>>
        %dma_wait3A_427 = tpu.memref_squeeze %dma_wait3A_426 : memref<1x80xi32, #tpu.memory_space<vmem>> -> memref<80xi32, #tpu.memory_space<vmem>>
        %dma_wait3A_428 = arith.constant 0 : i32
        %dma_wait3A_429 = arith.constant 0 : i32
        %dma_wait3A_430 = tpu.memref_slice %arg16[%dma_wait3A_428, %dma_wait3A_429] : memref<10240x64xf32, #tpu.memory_space<vmem_shared>> -> memref<10240x64xf32, #tpu.memory_space<vmem_shared>>
        tpu.wait_indirect_dma semaphore(%arg27 : memref<!tpu.dma_semaphore, #tpu.memory_space<semaphore_mem>>) src(%arg13 : memref<80x64xf32, #tpu.memory_space<vmem>>) dst(%dma_wait3A_430 : memref<10240x64xf32, #tpu.memory_space<vmem_shared>>)
        %add3A_431 = arith.constant 4 : i32
        %add3A_432 = arith.addi %add3A_411, %add3A_431 : i32
        %dma_start3A_433 = arith.constant 0 : i32
        %dma_start3A_434 = tpu.memref_slice %arg7[%add3A_432, %dma_start3A_433] : memref<252x80xi32, #tpu.memory_space<vmem>> -> memref<1x80xi32, #tpu.memory_space<vmem>>
        %dma_start3A_435 = tpu.memref_squeeze %dma_start3A_434 : memref<1x80xi32, #tpu.memory_space<vmem>> -> memref<80xi32, #tpu.memory_space<vmem>>
        %dma_start3A_436 = arith.constant 0 : i32
        %dma_start3A_437 = arith.constant 0 : i32
        %dma_start3A_438 = tpu.memref_slice %arg5[%dma_start3A_436, %dma_start3A_437] : memref<10000x64xf32, #tpu.memory_space<hbm>> -> memref<10000x64xf32, #tpu.memory_space<hbm>>
        tpu.enqueue_indirect_dma source(%dma_start3A_438 : memref<10000x64xf32, #tpu.memory_space<hbm>>) target(%arg13 : memref<80x64xf32, #tpu.memory_space<vmem>>) offsets(%dma_start3A_435 : memref<80xi32, #tpu.memory_space<vmem>>) semaphore(%arg21 : memref<!tpu.dma_semaphore, #tpu.memory_space<semaphore_mem>>)
        %add3A_439 = arith.constant 1 : i32
        %add3A_440 = arith.addi %mul3A_409, %add3A_439 : i32
        %dma_wait3A_441 = arith.constant 0 : i32
        %dma_wait3A_442 = tpu.memref_slice %arg7[%add3A_440, %dma_wait3A_441] : memref<252x80xi32, #tpu.memory_space<vmem>> -> memref<1x80xi32, #tpu.memory_space<vmem>>
        %dma_wait3A_443 = tpu.memref_squeeze %dma_wait3A_442 : memref<1x80xi32, #tpu.memory_space<vmem>> -> memref<80xi32, #tpu.memory_space<vmem>>
        %dma_wait3A_444 = arith.constant 0 : i32
        %dma_wait3A_445 = arith.constant 0 : i32
        %dma_wait3A_446 = tpu.memref_slice %arg5[%dma_wait3A_444, %dma_wait3A_445] : memref<10000x64xf32, #tpu.memory_space<hbm>> -> memref<10000x64xf32, #tpu.memory_space<hbm>>
        tpu.wait_indirect_dma semaphore(%arg18 : memref<!tpu.dma_semaphore, #tpu.memory_space<semaphore_mem>>) src(%dma_wait3A_446 : memref<10000x64xf32, #tpu.memory_space<hbm>>) dst(%arg10 : memref<80x64xf32, #tpu.memory_space<vmem>>)
        %dma_start3A_447 = arith.constant 0 : i32
        %dma_start3A_448 = tpu.memref_slice %arg8[%add3A_440, %dma_start3A_447] : memref<252x80xi32, #tpu.memory_space<vmem>> -> memref<1x80xi32, #tpu.memory_space<vmem>>
        %dma_start3A_449 = tpu.memref_squeeze %dma_start3A_448 : memref<1x80xi32, #tpu.memory_space<vmem>> -> memref<80xi32, #tpu.memory_space<vmem>>
        %dma_start3A_450 = arith.constant 0 : i32
        %dma_start3A_451 = arith.constant 0 : i32
        %dma_start3A_452 = tpu.memref_slice %arg16[%dma_start3A_450, %dma_start3A_451] : memref<10240x64xf32, #tpu.memory_space<vmem_shared>> -> memref<10240x64xf32, #tpu.memory_space<vmem_shared>>
        tpu.enqueue_indirect_dma source(%arg10 : memref<80x64xf32, #tpu.memory_space<vmem>>) target(%dma_start3A_452 : memref<10240x64xf32, #tpu.memory_space<vmem_shared>>) offsets(%dma_start3A_449 : memref<80xi32, #tpu.memory_space<vmem>>) semaphore(%arg24 : memref<!tpu.dma_semaphore, #tpu.memory_space<semaphore_mem>>) {add = true}
        %sub3A_453 = arith.constant 2 : i32
        %sub3A_454 = arith.subi %add3A_440, %sub3A_453 : i32
        %dma_wait3A_455 = arith.constant 0 : i32
        %dma_wait3A_456 = tpu.memref_slice %arg8[%sub3A_454, %dma_wait3A_455] : memref<252x80xi32, #tpu.memory_space<vmem>> -> memref<1x80xi32, #tpu.memory_space<vmem>>
        %dma_wait3A_457 = tpu.memref_squeeze %dma_wait3A_456 : memref<1x80xi32, #tpu.memory_space<vmem>> -> memref<80xi32, #tpu.memory_space<vmem>>
        %dma_wait3A_458 = arith.constant 0 : i32
        %dma_wait3A_459 = arith.constant 0 : i32
        %dma_wait3A_460 = tpu.memref_slice %arg16[%dma_wait3A_458, %dma_wait3A_459] : memref<10240x64xf32, #tpu.memory_space<vmem_shared>> -> memref<10240x64xf32, #tpu.memory_space<vmem_shared>>
        tpu.wait_indirect_dma semaphore(%arg28 : memref<!tpu.dma_semaphore, #tpu.memory_space<semaphore_mem>>) src(%arg14 : memref<80x64xf32, #tpu.memory_space<vmem>>) dst(%dma_wait3A_460 : memref<10240x64xf32, #tpu.memory_space<vmem_shared>>)
        %add3A_461 = arith.constant 4 : i32
        %add3A_462 = arith.addi %add3A_440, %add3A_461 : i32
        %dma_start3A_463 = arith.constant 0 : i32
        %dma_start3A_464 = tpu.memref_slice %arg7[%add3A_462, %dma_start3A_463] : memref<252x80xi32, #tpu.memory_space<vmem>> -> memref<1x80xi32, #tpu.memory_space<vmem>>
        %dma_start3A_465 = tpu.memref_squeeze %dma_start3A_464 : memref<1x80xi32, #tpu.memory_space<vmem>> -> memref<80xi32, #tpu.memory_space<vmem>>
        %dma_start3A_466 = arith.constant 0 : i32
        %dma_start3A_467 = arith.constant 0 : i32
        %dma_start3A_468 = tpu.memref_slice %arg5[%dma_start3A_466, %dma_start3A_467] : memref<10000x64xf32, #tpu.memory_space<hbm>> -> memref<10000x64xf32, #tpu.memory_space<hbm>>
        tpu.enqueue_indirect_dma source(%dma_start3A_468 : memref<10000x64xf32, #tpu.memory_space<hbm>>) target(%arg14 : memref<80x64xf32, #tpu.memory_space<vmem>>) offsets(%dma_start3A_465 : memref<80xi32, #tpu.memory_space<vmem>>) semaphore(%arg22 : memref<!tpu.dma_semaphore, #tpu.memory_space<semaphore_mem>>)
        %add3A_469 = arith.constant 2 : i32
        %add3A_470 = arith.addi %mul3A_409, %add3A_469 : i32
        %dma_wait3A_471 = arith.constant 0 : i32
        %dma_wait3A_472 = tpu.memref_slice %arg7[%add3A_470, %dma_wait3A_471] : memref<252x80xi32, #tpu.memory_space<vmem>> -> memref<1x80xi32, #tpu.memory_space<vmem>>
        %dma_wait3A_473 = tpu.memref_squeeze %dma_wait3A_472 : memref<1x80xi32, #tpu.memory_space<vmem>> -> memref<80xi32, #tpu.memory_space<vmem>>
        %dma_wait3A_474 = arith.constant 0 : i32
        %dma_wait3A_475 = arith.constant 0 : i32
        %dma_wait3A_476 = tpu.memref_slice %arg5[%dma_wait3A_474, %dma_wait3A_475] : memref<10000x64xf32, #tpu.memory_space<hbm>> -> memref<10000x64xf32, #tpu.memory_space<hbm>>
        tpu.wait_indirect_dma semaphore(%arg19 : memref<!tpu.dma_semaphore, #tpu.memory_space<semaphore_mem>>) src(%dma_wait3A_476 : memref<10000x64xf32, #tpu.memory_space<hbm>>) dst(%arg11 : memref<80x64xf32, #tpu.memory_space<vmem>>)
        %dma_start3A_477 = arith.constant 0 : i32
        %dma_start3A_478 = tpu.memref_slice %arg8[%add3A_470, %dma_start3A_477] : memref<252x80xi32, #tpu.memory_space<vmem>> -> memref<1x80xi32, #tpu.memory_space<vmem>>
        %dma_start3A_479 = tpu.memref_squeeze %dma_start3A_478 : memref<1x80xi32, #tpu.memory_space<vmem>> -> memref<80xi32, #tpu.memory_space<vmem>>
        %dma_start3A_480 = arith.constant 0 : i32
        %dma_start3A_481 = arith.constant 0 : i32
        %dma_start3A_482 = tpu.memref_slice %arg16[%dma_start3A_480, %dma_start3A_481] : memref<10240x64xf32, #tpu.memory_space<vmem_shared>> -> memref<10240x64xf32, #tpu.memory_space<vmem_shared>>
        tpu.enqueue_indirect_dma source(%arg11 : memref<80x64xf32, #tpu.memory_space<vmem>>) target(%dma_start3A_482 : memref<10240x64xf32, #tpu.memory_space<vmem_shared>>) offsets(%dma_start3A_479 : memref<80xi32, #tpu.memory_space<vmem>>) semaphore(%arg25 : memref<!tpu.dma_semaphore, #tpu.memory_space<semaphore_mem>>) {add = true}
        %sub3A_483 = arith.constant 2 : i32
        %sub3A_484 = arith.subi %add3A_470, %sub3A_483 : i32
        %dma_wait3A_485 = arith.constant 0 : i32
        %dma_wait3A_486 = tpu.memref_slice %arg8[%sub3A_484, %dma_wait3A_485] : memref<252x80xi32, #tpu.memory_space<vmem>> -> memref<1x80xi32, #tpu.memory_space<vmem>>
        %dma_wait3A_487 = tpu.memref_squeeze %dma_wait3A_486 : memref<1x80xi32, #tpu.memory_space<vmem>> -> memref<80xi32, #tpu.memory_space<vmem>>
        %dma_wait3A_488 = arith.constant 0 : i32
        %dma_wait3A_489 = arith.constant 0 : i32
        %dma_wait3A_490 = tpu.memref_slice %arg16[%dma_wait3A_488, %dma_wait3A_489] : memref<10240x64xf32, #tpu.memory_space<vmem_shared>> -> memref<10240x64xf32, #tpu.memory_space<vmem_shared>>
        tpu.wait_indirect_dma semaphore(%arg23 : memref<!tpu.dma_semaphore, #tpu.memory_space<semaphore_mem>>) src(%arg9 : memref<80x64xf32, #tpu.memory_space<vmem>>) dst(%dma_wait3A_490 : memref<10240x64xf32, #tpu.memory_space<vmem_shared>>)
        %add3A_491 = arith.constant 4 : i32
        %add3A_492 = arith.addi %add3A_470, %add3A_491 : i32
        %dma_start3A_493 = arith.constant 0 : i32
        %dma_start3A_494 = tpu.memref_slice %arg7[%add3A_492, %dma_start3A_493] : memref<252x80xi32, #tpu.memory_space<vmem>> -> memref<1x80xi32, #tpu.memory_space<vmem>>
        %dma_start3A_495 = tpu.memref_squeeze %dma_start3A_494 : memref<1x80xi32, #tpu.memory_space<vmem>> -> memref<80xi32, #tpu.memory_space<vmem>>
        %dma_start3A_496 = arith.constant 0 : i32
        %dma_start3A_497 = arith.constant 0 : i32
        %dma_start3A_498 = tpu.memref_slice %arg5[%dma_start3A_496, %dma_start3A_497] : memref<10000x64xf32, #tpu.memory_space<hbm>> -> memref<10000x64xf32, #tpu.memory_space<hbm>>
        tpu.enqueue_indirect_dma source(%dma_start3A_498 : memref<10000x64xf32, #tpu.memory_space<hbm>>) target(%arg9 : memref<80x64xf32, #tpu.memory_space<vmem>>) offsets(%dma_start3A_495 : memref<80xi32, #tpu.memory_space<vmem>>) semaphore(%arg17 : memref<!tpu.dma_semaphore, #tpu.memory_space<semaphore_mem>>)
        %add3A_499 = arith.constant 3 : i32
        %add3A_500 = arith.addi %mul3A_409, %add3A_499 : i32
        %dma_wait3A_501 = arith.constant 0 : i32
        %dma_wait3A_502 = tpu.memref_slice %arg7[%add3A_500, %dma_wait3A_501] : memref<252x80xi32, #tpu.memory_space<vmem>> -> memref<1x80xi32, #tpu.memory_space<vmem>>
        %dma_wait3A_503 = tpu.memref_squeeze %dma_wait3A_502 : memref<1x80xi32, #tpu.memory_space<vmem>> -> memref<80xi32, #tpu.memory_space<vmem>>
        %dma_wait3A_504 = arith.constant 0 : i32
        %dma_wait3A_505 = arith.constant 0 : i32
        %dma_wait3A_506 = tpu.memref_slice %arg5[%dma_wait3A_504, %dma_wait3A_505] : memref<10000x64xf32, #tpu.memory_space<hbm>> -> memref<10000x64xf32, #tpu.memory_space<hbm>>
        tpu.wait_indirect_dma semaphore(%arg20 : memref<!tpu.dma_semaphore, #tpu.memory_space<semaphore_mem>>) src(%dma_wait3A_506 : memref<10000x64xf32, #tpu.memory_space<hbm>>) dst(%arg12 : memref<80x64xf32, #tpu.memory_space<vmem>>)
        %dma_start3A_507 = arith.constant 0 : i32
        %dma_start3A_508 = tpu.memref_slice %arg8[%add3A_500, %dma_start3A_507] : memref<252x80xi32, #tpu.memory_space<vmem>> -> memref<1x80xi32, #tpu.memory_space<vmem>>
        %dma_start3A_509 = tpu.memref_squeeze %dma_start3A_508 : memref<1x80xi32, #tpu.memory_space<vmem>> -> memref<80xi32, #tpu.memory_space<vmem>>
        %dma_start3A_510 = arith.constant 0 : i32
        %dma_start3A_511 = arith.constant 0 : i32
        %dma_start3A_512 = tpu.memref_slice %arg16[%dma_start3A_510, %dma_start3A_511] : memref<10240x64xf32, #tpu.memory_space<vmem_shared>> -> memref<10240x64xf32, #tpu.memory_space<vmem_shared>>
        tpu.enqueue_indirect_dma source(%arg12 : memref<80x64xf32, #tpu.memory_space<vmem>>) target(%dma_start3A_512 : memref<10240x64xf32, #tpu.memory_space<vmem_shared>>) offsets(%dma_start3A_509 : memref<80xi32, #tpu.memory_space<vmem>>) semaphore(%arg26 : memref<!tpu.dma_semaphore, #tpu.memory_space<semaphore_mem>>) {add = true}
        %sub3A_513 = arith.constant 2 : i32
        %sub3A_514 = arith.subi %add3A_500, %sub3A_513 : i32
        %dma_wait3A_515 = arith.constant 0 : i32
        %dma_wait3A_516 = tpu.memref_slice %arg8[%sub3A_514, %dma_wait3A_515] : memref<252x80xi32, #tpu.memory_space<vmem>> -> memref<1x80xi32, #tpu.memory_space<vmem>>
        %dma_wait3A_517 = tpu.memref_squeeze %dma_wait3A_516 : memref<1x80xi32, #tpu.memory_space<vmem>> -> memref<80xi32, #tpu.memory_space<vmem>>
        %dma_wait3A_518 = arith.constant 0 : i32
        %dma_wait3A_519 = arith.constant 0 : i32
        %dma_wait3A_520 = tpu.memref_slice %arg16[%dma_wait3A_518, %dma_wait3A_519] : memref<10240x64xf32, #tpu.memory_space<vmem_shared>> -> memref<10240x64xf32, #tpu.memory_space<vmem_shared>>
        tpu.wait_indirect_dma semaphore(%arg24 : memref<!tpu.dma_semaphore, #tpu.memory_space<semaphore_mem>>) src(%arg10 : memref<80x64xf32, #tpu.memory_space<vmem>>) dst(%dma_wait3A_520 : memref<10240x64xf32, #tpu.memory_space<vmem_shared>>)
        %add3A_521 = arith.constant 4 : i32
        %add3A_522 = arith.addi %add3A_500, %add3A_521 : i32
        %dma_start3A_523 = arith.constant 0 : i32
        %dma_start3A_524 = tpu.memref_slice %arg7[%add3A_522, %dma_start3A_523] : memref<252x80xi32, #tpu.memory_space<vmem>> -> memref<1x80xi32, #tpu.memory_space<vmem>>
        %dma_start3A_525 = tpu.memref_squeeze %dma_start3A_524 : memref<1x80xi32, #tpu.memory_space<vmem>> -> memref<80xi32, #tpu.memory_space<vmem>>
        %dma_start3A_526 = arith.constant 0 : i32
        %dma_start3A_527 = arith.constant 0 : i32
        %dma_start3A_528 = tpu.memref_slice %arg5[%dma_start3A_526, %dma_start3A_527] : memref<10000x64xf32, #tpu.memory_space<hbm>> -> memref<10000x64xf32, #tpu.memory_space<hbm>>
        tpu.enqueue_indirect_dma source(%dma_start3A_528 : memref<10000x64xf32, #tpu.memory_space<hbm>>) target(%arg10 : memref<80x64xf32, #tpu.memory_space<vmem>>) offsets(%dma_start3A_525 : memref<80xi32, #tpu.memory_space<vmem>>) semaphore(%arg18 : memref<!tpu.dma_semaphore, #tpu.memory_space<semaphore_mem>>)
        %add3A_529 = arith.constant 4 : i32
        %add3A_530 = arith.addi %mul3A_409, %add3A_529 : i32
        %dma_wait3A_531 = arith.constant 0 : i32
        %dma_wait3A_532 = tpu.memref_slice %arg7[%add3A_530, %dma_wait3A_531] : memref<252x80xi32, #tpu.memory_space<vmem>> -> memref<1x80xi32, #tpu.memory_space<vmem>>
        %dma_wait3A_533 = tpu.memref_squeeze %dma_wait3A_532 : memref<1x80xi32, #tpu.memory_space<vmem>> -> memref<80xi32, #tpu.memory_space<vmem>>
        %dma_wait3A_534 = arith.constant 0 : i32
        %dma_wait3A_535 = arith.constant 0 : i32
        %dma_wait3A_536 = tpu.memref_slice %arg5[%dma_wait3A_534, %dma_wait3A_535] : memref<10000x64xf32, #tpu.memory_space<hbm>> -> memref<10000x64xf32, #tpu.memory_space<hbm>>
        tpu.wait_indirect_dma semaphore(%arg21 : memref<!tpu.dma_semaphore, #tpu.memory_space<semaphore_mem>>) src(%dma_wait3A_536 : memref<10000x64xf32, #tpu.memory_space<hbm>>) dst(%arg13 : memref<80x64xf32, #tpu.memory_space<vmem>>)
        %dma_start3A_537 = arith.constant 0 : i32
        %dma_start3A_538 = tpu.memref_slice %arg8[%add3A_530, %dma_start3A_537] : memref<252x80xi32, #tpu.memory_space<vmem>> -> memref<1x80xi32, #tpu.memory_space<vmem>>
        %dma_start3A_539 = tpu.memref_squeeze %dma_start3A_538 : memref<1x80xi32, #tpu.memory_space<vmem>> -> memref<80xi32, #tpu.memory_space<vmem>>
        %dma_start3A_540 = arith.constant 0 : i32
        %dma_start3A_541 = arith.constant 0 : i32
        %dma_start3A_542 = tpu.memref_slice %arg16[%dma_start3A_540, %dma_start3A_541] : memref<10240x64xf32, #tpu.memory_space<vmem_shared>> -> memref<10240x64xf32, #tpu.memory_space<vmem_shared>>
        tpu.enqueue_indirect_dma source(%arg13 : memref<80x64xf32, #tpu.memory_space<vmem>>) target(%dma_start3A_542 : memref<10240x64xf32, #tpu.memory_space<vmem_shared>>) offsets(%dma_start3A_539 : memref<80xi32, #tpu.memory_space<vmem>>) semaphore(%arg27 : memref<!tpu.dma_semaphore, #tpu.memory_space<semaphore_mem>>) {add = true}
        %sub3A_543 = arith.constant 2 : i32
        %sub3A_544 = arith.subi %add3A_530, %sub3A_543 : i32
        %dma_wait3A_545 = arith.constant 0 : i32
        %dma_wait3A_546 = tpu.memref_slice %arg8[%sub3A_544, %dma_wait3A_545] : memref<252x80xi32, #tpu.memory_space<vmem>> -> memref<1x80xi32, #tpu.memory_space<vmem>>
        %dma_wait3A_547 = tpu.memref_squeeze %dma_wait3A_546 : memref<1x80xi32, #tpu.memory_space<vmem>> -> memref<80xi32, #tpu.memory_space<vmem>>
        %dma_wait3A_548 = arith.constant 0 : i32
        %dma_wait3A_549 = arith.constant 0 : i32
        %dma_wait3A_550 = tpu.memref_slice %arg16[%dma_wait3A_548, %dma_wait3A_549] : memref<10240x64xf32, #tpu.memory_space<vmem_shared>> -> memref<10240x64xf32, #tpu.memory_space<vmem_shared>>
        tpu.wait_indirect_dma semaphore(%arg25 : memref<!tpu.dma_semaphore, #tpu.memory_space<semaphore_mem>>) src(%arg11 : memref<80x64xf32, #tpu.memory_space<vmem>>) dst(%dma_wait3A_550 : memref<10240x64xf32, #tpu.memory_space<vmem_shared>>)
        %add3A_551 = arith.constant 4 : i32
        %add3A_552 = arith.addi %add3A_530, %add3A_551 : i32
        %dma_start3A_553 = arith.constant 0 : i32
        %dma_start3A_554 = tpu.memref_slice %arg7[%add3A_552, %dma_start3A_553] : memref<252x80xi32, #tpu.memory_space<vmem>> -> memref<1x80xi32, #tpu.memory_space<vmem>>
        %dma_start3A_555 = tpu.memref_squeeze %dma_start3A_554 : memref<1x80xi32, #tpu.memory_space<vmem>> -> memref<80xi32, #tpu.memory_space<vmem>>
        %dma_start3A_556 = arith.constant 0 : i32
        %dma_start3A_557 = arith.constant 0 : i32
        %dma_start3A_558 = tpu.memref_slice %arg5[%dma_start3A_556, %dma_start3A_557] : memref<10000x64xf32, #tpu.memory_space<hbm>> -> memref<10000x64xf32, #tpu.memory_space<hbm>>
        tpu.enqueue_indirect_dma source(%dma_start3A_558 : memref<10000x64xf32, #tpu.memory_space<hbm>>) target(%arg11 : memref<80x64xf32, #tpu.memory_space<vmem>>) offsets(%dma_start3A_555 : memref<80xi32, #tpu.memory_space<vmem>>) semaphore(%arg19 : memref<!tpu.dma_semaphore, #tpu.memory_space<semaphore_mem>>)
        %add3A_559 = arith.constant 5 : i32
        %add3A_560 = arith.addi %mul3A_409, %add3A_559 : i32
        %dma_wait3A_561 = arith.constant 0 : i32
        %dma_wait3A_562 = tpu.memref_slice %arg7[%add3A_560, %dma_wait3A_561] : memref<252x80xi32, #tpu.memory_space<vmem>> -> memref<1x80xi32, #tpu.memory_space<vmem>>
        %dma_wait3A_563 = tpu.memref_squeeze %dma_wait3A_562 : memref<1x80xi32, #tpu.memory_space<vmem>> -> memref<80xi32, #tpu.memory_space<vmem>>
        %dma_wait3A_564 = arith.constant 0 : i32
        %dma_wait3A_565 = arith.constant 0 : i32
        %dma_wait3A_566 = tpu.memref_slice %arg5[%dma_wait3A_564, %dma_wait3A_565] : memref<10000x64xf32, #tpu.memory_space<hbm>> -> memref<10000x64xf32, #tpu.memory_space<hbm>>
        tpu.wait_indirect_dma semaphore(%arg22 : memref<!tpu.dma_semaphore, #tpu.memory_space<semaphore_mem>>) src(%dma_wait3A_566 : memref<10000x64xf32, #tpu.memory_space<hbm>>) dst(%arg14 : memref<80x64xf32, #tpu.memory_space<vmem>>)
        %dma_start3A_567 = arith.constant 0 : i32
        %dma_start3A_568 = tpu.memref_slice %arg8[%add3A_560, %dma_start3A_567] : memref<252x80xi32, #tpu.memory_space<vmem>> -> memref<1x80xi32, #tpu.memory_space<vmem>>
        %dma_start3A_569 = tpu.memref_squeeze %dma_start3A_568 : memref<1x80xi32, #tpu.memory_space<vmem>> -> memref<80xi32, #tpu.memory_space<vmem>>
        %dma_start3A_570 = arith.constant 0 : i32
        %dma_start3A_571 = arith.constant 0 : i32
        %dma_start3A_572 = tpu.memref_slice %arg16[%dma_start3A_570, %dma_start3A_571] : memref<10240x64xf32, #tpu.memory_space<vmem_shared>> -> memref<10240x64xf32, #tpu.memory_space<vmem_shared>>
        tpu.enqueue_indirect_dma source(%arg14 : memref<80x64xf32, #tpu.memory_space<vmem>>) target(%dma_start3A_572 : memref<10240x64xf32, #tpu.memory_space<vmem_shared>>) offsets(%dma_start3A_569 : memref<80xi32, #tpu.memory_space<vmem>>) semaphore(%arg28 : memref<!tpu.dma_semaphore, #tpu.memory_space<semaphore_mem>>) {add = true}
        %sub3A_573 = arith.constant 2 : i32
        %sub3A_574 = arith.subi %add3A_560, %sub3A_573 : i32
        %dma_wait3A_575 = arith.constant 0 : i32
        %dma_wait3A_576 = tpu.memref_slice %arg8[%sub3A_574, %dma_wait3A_575] : memref<252x80xi32, #tpu.memory_space<vmem>> -> memref<1x80xi32, #tpu.memory_space<vmem>>
        %dma_wait3A_577 = tpu.memref_squeeze %dma_wait3A_576 : memref<1x80xi32, #tpu.memory_space<vmem>> -> memref<80xi32, #tpu.memory_space<vmem>>
        %dma_wait3A_578 = arith.constant 0 : i32
        %dma_wait3A_579 = arith.constant 0 : i32
        %dma_wait3A_580 = tpu.memref_slice %arg16[%dma_wait3A_578, %dma_wait3A_579] : memref<10240x64xf32, #tpu.memory_space<vmem_shared>> -> memref<10240x64xf32, #tpu.memory_space<vmem_shared>>
        tpu.wait_indirect_dma semaphore(%arg26 : memref<!tpu.dma_semaphore, #tpu.memory_space<semaphore_mem>>) src(%arg12 : memref<80x64xf32, #tpu.memory_space<vmem>>) dst(%dma_wait3A_580 : memref<10240x64xf32, #tpu.memory_space<vmem_shared>>)
        %add3A_581 = arith.constant 4 : i32
        %add3A_582 = arith.addi %add3A_560, %add3A_581 : i32
        %dma_start3A_583 = arith.constant 0 : i32
        %dma_start3A_584 = tpu.memref_slice %arg7[%add3A_582, %dma_start3A_583] : memref<252x80xi32, #tpu.memory_space<vmem>> -> memref<1x80xi32, #tpu.memory_space<vmem>>
        %dma_start3A_585 = tpu.memref_squeeze %dma_start3A_584 : memref<1x80xi32, #tpu.memory_space<vmem>> -> memref<80xi32, #tpu.memory_space<vmem>>
        %dma_start3A_586 = arith.constant 0 : i32
        %dma_start3A_587 = arith.constant 0 : i32
        %dma_start3A_588 = tpu.memref_slice %arg5[%dma_start3A_586, %dma_start3A_587] : memref<10000x64xf32, #tpu.memory_space<hbm>> -> memref<10000x64xf32, #tpu.memory_space<hbm>>
        tpu.enqueue_indirect_dma source(%dma_start3A_588 : memref<10000x64xf32, #tpu.memory_space<hbm>>) target(%arg12 : memref<80x64xf32, #tpu.memory_space<vmem>>) offsets(%dma_start3A_585 : memref<80xi32, #tpu.memory_space<vmem>>) semaphore(%arg20 : memref<!tpu.dma_semaphore, #tpu.memory_space<semaphore_mem>>)
      }
      %scan3A_252 = arith.constant 40 : i32
      %dma_wait3A_253 = arith.constant 246 : i32
      %dma_wait3A_254 = arith.constant 0 : i32
      %dma_wait3A_255 = tpu.memref_slice %arg7[%dma_wait3A_253, %dma_wait3A_254] : memref<252x80xi32, #tpu.memory_space<vmem>> -> memref<1x80xi32, #tpu.memory_space<vmem>>
      %dma_wait3A_256 = tpu.memref_squeeze %dma_wait3A_255 : memref<1x80xi32, #tpu.memory_space<vmem>> -> memref<80xi32, #tpu.memory_space<vmem>>
      %dma_wait3A_257 = arith.constant 0 : i32
      %dma_wait3A_258 = arith.constant 0 : i32
      %dma_wait3A_259 = tpu.memref_slice %arg5[%dma_wait3A_257, %dma_wait3A_258] : memref<10000x64xf32, #tpu.memory_space<hbm>> -> memref<10000x64xf32, #tpu.memory_space<hbm>>
      tpu.wait_indirect_dma semaphore(%arg17 : memref<!tpu.dma_semaphore, #tpu.memory_space<semaphore_mem>>) src(%dma_wait3A_259 : memref<10000x64xf32, #tpu.memory_space<hbm>>) dst(%arg9 : memref<80x64xf32, #tpu.memory_space<vmem>>)
      %dma_start3A_260 = arith.constant 246 : i32
      %dma_start3A_261 = arith.constant 0 : i32
      %dma_start3A_262 = tpu.memref_slice %arg8[%dma_start3A_260, %dma_start3A_261] : memref<252x80xi32, #tpu.memory_space<vmem>> -> memref<1x80xi32, #tpu.memory_space<vmem>>
      %dma_start3A_263 = tpu.memref_squeeze %dma_start3A_262 : memref<1x80xi32, #tpu.memory_space<vmem>> -> memref<80xi32, #tpu.memory_space<vmem>>
      %dma_start3A_264 = arith.constant 0 : i32
      %dma_start3A_265 = arith.constant 0 : i32
      %dma_start3A_266 = tpu.memref_slice %arg16[%dma_start3A_264, %dma_start3A_265] : memref<10240x64xf32, #tpu.memory_space<vmem_shared>> -> memref<10240x64xf32, #tpu.memory_space<vmem_shared>>
      tpu.enqueue_indirect_dma source(%arg9 : memref<80x64xf32, #tpu.memory_space<vmem>>) target(%dma_start3A_266 : memref<10240x64xf32, #tpu.memory_space<vmem_shared>>) offsets(%dma_start3A_263 : memref<80xi32, #tpu.memory_space<vmem>>) semaphore(%arg23 : memref<!tpu.dma_semaphore, #tpu.memory_space<semaphore_mem>>) {add = true}
      %dma_wait3A_267 = arith.constant 244 : i32
      %dma_wait3A_268 = arith.constant 0 : i32
      %dma_wait3A_269 = tpu.memref_slice %arg8[%dma_wait3A_267, %dma_wait3A_268] : memref<252x80xi32, #tpu.memory_space<vmem>> -> memref<1x80xi32, #tpu.memory_space<vmem>>
      %dma_wait3A_270 = tpu.memref_squeeze %dma_wait3A_269 : memref<1x80xi32, #tpu.memory_space<vmem>> -> memref<80xi32, #tpu.memory_space<vmem>>
      %dma_wait3A_271 = arith.constant 0 : i32
      %dma_wait3A_272 = arith.constant 0 : i32
      %dma_wait3A_273 = tpu.memref_slice %arg16[%dma_wait3A_271, %dma_wait3A_272] : memref<10240x64xf32, #tpu.memory_space<vmem_shared>> -> memref<10240x64xf32, #tpu.memory_space<vmem_shared>>
      tpu.wait_indirect_dma semaphore(%arg27 : memref<!tpu.dma_semaphore, #tpu.memory_space<semaphore_mem>>) src(%arg13 : memref<80x64xf32, #tpu.memory_space<vmem>>) dst(%dma_wait3A_273 : memref<10240x64xf32, #tpu.memory_space<vmem_shared>>)
      %dma_start3A_274 = arith.constant 250 : i32
      %dma_start3A_275 = arith.constant 0 : i32
      %dma_start3A_276 = tpu.memref_slice %arg7[%dma_start3A_274, %dma_start3A_275] : memref<252x80xi32, #tpu.memory_space<vmem>> -> memref<1x80xi32, #tpu.memory_space<vmem>>
      %dma_start3A_277 = tpu.memref_squeeze %dma_start3A_276 : memref<1x80xi32, #tpu.memory_space<vmem>> -> memref<80xi32, #tpu.memory_space<vmem>>
      %dma_start3A_278 = arith.constant 0 : i32
      %dma_start3A_279 = arith.constant 0 : i32
      %dma_start3A_280 = tpu.memref_slice %arg5[%dma_start3A_278, %dma_start3A_279] : memref<10000x64xf32, #tpu.memory_space<hbm>> -> memref<10000x64xf32, #tpu.memory_space<hbm>>
      tpu.enqueue_indirect_dma source(%dma_start3A_280 : memref<10000x64xf32, #tpu.memory_space<hbm>>) target(%arg13 : memref<80x64xf32, #tpu.memory_space<vmem>>) offsets(%dma_start3A_277 : memref<80xi32, #tpu.memory_space<vmem>>) semaphore(%arg21 : memref<!tpu.dma_semaphore, #tpu.memory_space<semaphore_mem>>)
      %dma_wait3A_281 = arith.constant 247 : i32
      %dma_wait3A_282 = arith.constant 0 : i32
      %dma_wait3A_283 = tpu.memref_slice %arg7[%dma_wait3A_281, %dma_wait3A_282] : memref<252x80xi32, #tpu.memory_space<vmem>> -> memref<1x80xi32, #tpu.memory_space<vmem>>
      %dma_wait3A_284 = tpu.memref_squeeze %dma_wait3A_283 : memref<1x80xi32, #tpu.memory_space<vmem>> -> memref<80xi32, #tpu.memory_space<vmem>>
      %dma_wait3A_285 = arith.constant 0 : i32
      %dma_wait3A_286 = arith.constant 0 : i32
      %dma_wait3A_287 = tpu.memref_slice %arg5[%dma_wait3A_285, %dma_wait3A_286] : memref<10000x64xf32, #tpu.memory_space<hbm>> -> memref<10000x64xf32, #tpu.memory_space<hbm>>
      tpu.wait_indirect_dma semaphore(%arg18 : memref<!tpu.dma_semaphore, #tpu.memory_space<semaphore_mem>>) src(%dma_wait3A_287 : memref<10000x64xf32, #tpu.memory_space<hbm>>) dst(%arg10 : memref<80x64xf32, #tpu.memory_space<vmem>>)
      %dma_start3A_288 = arith.constant 247 : i32
      %dma_start3A_289 = arith.constant 0 : i32
      %dma_start3A_290 = tpu.memref_slice %arg8[%dma_start3A_288, %dma_start3A_289] : memref<252x80xi32, #tpu.memory_space<vmem>> -> memref<1x80xi32, #tpu.memory_space<vmem>>
      %dma_start3A_291 = tpu.memref_squeeze %dma_start3A_290 : memref<1x80xi32, #tpu.memory_space<vmem>> -> memref<80xi32, #tpu.memory_space<vmem>>
      %dma_start3A_292 = arith.constant 0 : i32
      %dma_start3A_293 = arith.constant 0 : i32
      %dma_start3A_294 = tpu.memref_slice %arg16[%dma_start3A_292, %dma_start3A_293] : memref<10240x64xf32, #tpu.memory_space<vmem_shared>> -> memref<10240x64xf32, #tpu.memory_space<vmem_shared>>
      tpu.enqueue_indirect_dma source(%arg10 : memref<80x64xf32, #tpu.memory_space<vmem>>) target(%dma_start3A_294 : memref<10240x64xf32, #tpu.memory_space<vmem_shared>>) offsets(%dma_start3A_291 : memref<80xi32, #tpu.memory_space<vmem>>) semaphore(%arg24 : memref<!tpu.dma_semaphore, #tpu.memory_space<semaphore_mem>>) {add = true}
      %dma_wait3A_295 = arith.constant 245 : i32
      %dma_wait3A_296 = arith.constant 0 : i32
      %dma_wait3A_297 = tpu.memref_slice %arg8[%dma_wait3A_295, %dma_wait3A_296] : memref<252x80xi32, #tpu.memory_space<vmem>> -> memref<1x80xi32, #tpu.memory_space<vmem>>
      %dma_wait3A_298 = tpu.memref_squeeze %dma_wait3A_297 : memref<1x80xi32, #tpu.memory_space<vmem>> -> memref<80xi32, #tpu.memory_space<vmem>>
      %dma_wait3A_299 = arith.constant 0 : i32
      %dma_wait3A_300 = arith.constant 0 : i32
      %dma_wait3A_301 = tpu.memref_slice %arg16[%dma_wait3A_299, %dma_wait3A_300] : memref<10240x64xf32, #tpu.memory_space<vmem_shared>> -> memref<10240x64xf32, #tpu.memory_space<vmem_shared>>
      tpu.wait_indirect_dma semaphore(%arg28 : memref<!tpu.dma_semaphore, #tpu.memory_space<semaphore_mem>>) src(%arg14 : memref<80x64xf32, #tpu.memory_space<vmem>>) dst(%dma_wait3A_301 : memref<10240x64xf32, #tpu.memory_space<vmem_shared>>)
      %dma_start3A_302 = arith.constant 251 : i32
      %dma_start3A_303 = arith.constant 0 : i32
      %dma_start3A_304 = tpu.memref_slice %arg7[%dma_start3A_302, %dma_start3A_303] : memref<252x80xi32, #tpu.memory_space<vmem>> -> memref<1x80xi32, #tpu.memory_space<vmem>>
      %dma_start3A_305 = tpu.memref_squeeze %dma_start3A_304 : memref<1x80xi32, #tpu.memory_space<vmem>> -> memref<80xi32, #tpu.memory_space<vmem>>
      %dma_start3A_306 = arith.constant 0 : i32
      %dma_start3A_307 = arith.constant 0 : i32
      %dma_start3A_308 = tpu.memref_slice %arg5[%dma_start3A_306, %dma_start3A_307] : memref<10000x64xf32, #tpu.memory_space<hbm>> -> memref<10000x64xf32, #tpu.memory_space<hbm>>
      tpu.enqueue_indirect_dma source(%dma_start3A_308 : memref<10000x64xf32, #tpu.memory_space<hbm>>) target(%arg14 : memref<80x64xf32, #tpu.memory_space<vmem>>) offsets(%dma_start3A_305 : memref<80xi32, #tpu.memory_space<vmem>>) semaphore(%arg22 : memref<!tpu.dma_semaphore, #tpu.memory_space<semaphore_mem>>)
      %dma_wait3A_309 = arith.constant 248 : i32
      %dma_wait3A_310 = arith.constant 0 : i32
      %dma_wait3A_311 = tpu.memref_slice %arg7[%dma_wait3A_309, %dma_wait3A_310] : memref<252x80xi32, #tpu.memory_space<vmem>> -> memref<1x80xi32, #tpu.memory_space<vmem>>
      %dma_wait3A_312 = tpu.memref_squeeze %dma_wait3A_311 : memref<1x80xi32, #tpu.memory_space<vmem>> -> memref<80xi32, #tpu.memory_space<vmem>>
      %dma_wait3A_313 = arith.constant 0 : i32
      %dma_wait3A_314 = arith.constant 0 : i32
      %dma_wait3A_315 = tpu.memref_slice %arg5[%dma_wait3A_313, %dma_wait3A_314] : memref<10000x64xf32, #tpu.memory_space<hbm>> -> memref<10000x64xf32, #tpu.memory_space<hbm>>
      tpu.wait_indirect_dma semaphore(%arg19 : memref<!tpu.dma_semaphore, #tpu.memory_space<semaphore_mem>>) src(%dma_wait3A_315 : memref<10000x64xf32, #tpu.memory_space<hbm>>) dst(%arg11 : memref<80x64xf32, #tpu.memory_space<vmem>>)
      %dma_start3A_316 = arith.constant 248 : i32
      %dma_start3A_317 = arith.constant 0 : i32
      %dma_start3A_318 = tpu.memref_slice %arg8[%dma_start3A_316, %dma_start3A_317] : memref<252x80xi32, #tpu.memory_space<vmem>> -> memref<1x80xi32, #tpu.memory_space<vmem>>
      %dma_start3A_319 = tpu.memref_squeeze %dma_start3A_318 : memref<1x80xi32, #tpu.memory_space<vmem>> -> memref<80xi32, #tpu.memory_space<vmem>>
      %dma_start3A_320 = arith.constant 0 : i32
      %dma_start3A_321 = arith.constant 0 : i32
      %dma_start3A_322 = tpu.memref_slice %arg16[%dma_start3A_320, %dma_start3A_321] : memref<10240x64xf32, #tpu.memory_space<vmem_shared>> -> memref<10240x64xf32, #tpu.memory_space<vmem_shared>>
      tpu.enqueue_indirect_dma source(%arg11 : memref<80x64xf32, #tpu.memory_space<vmem>>) target(%dma_start3A_322 : memref<10240x64xf32, #tpu.memory_space<vmem_shared>>) offsets(%dma_start3A_319 : memref<80xi32, #tpu.memory_space<vmem>>) semaphore(%arg25 : memref<!tpu.dma_semaphore, #tpu.memory_space<semaphore_mem>>) {add = true}
      %dma_wait3A_323 = arith.constant 246 : i32
      %dma_wait3A_324 = arith.constant 0 : i32
      %dma_wait3A_325 = tpu.memref_slice %arg8[%dma_wait3A_323, %dma_wait3A_324] : memref<252x80xi32, #tpu.memory_space<vmem>> -> memref<1x80xi32, #tpu.memory_space<vmem>>
      %dma_wait3A_326 = tpu.memref_squeeze %dma_wait3A_325 : memref<1x80xi32, #tpu.memory_space<vmem>> -> memref<80xi32, #tpu.memory_space<vmem>>
      %dma_wait3A_327 = arith.constant 0 : i32
      %dma_wait3A_328 = arith.constant 0 : i32
      %dma_wait3A_329 = tpu.memref_slice %arg16[%dma_wait3A_327, %dma_wait3A_328] : memref<10240x64xf32, #tpu.memory_space<vmem_shared>> -> memref<10240x64xf32, #tpu.memory_space<vmem_shared>>
      tpu.wait_indirect_dma semaphore(%arg23 : memref<!tpu.dma_semaphore, #tpu.memory_space<semaphore_mem>>) src(%arg9 : memref<80x64xf32, #tpu.memory_space<vmem>>) dst(%dma_wait3A_329 : memref<10240x64xf32, #tpu.memory_space<vmem_shared>>)
      %dma_wait3A_330 = arith.constant 249 : i32
      %dma_wait3A_331 = arith.constant 0 : i32
      %dma_wait3A_332 = tpu.memref_slice %arg7[%dma_wait3A_330, %dma_wait3A_331] : memref<252x80xi32, #tpu.memory_space<vmem>> -> memref<1x80xi32, #tpu.memory_space<vmem>>
      %dma_wait3A_333 = tpu.memref_squeeze %dma_wait3A_332 : memref<1x80xi32, #tpu.memory_space<vmem>> -> memref<80xi32, #tpu.memory_space<vmem>>
      %dma_wait3A_334 = arith.constant 0 : i32
      %dma_wait3A_335 = arith.constant 0 : i32
      %dma_wait3A_336 = tpu.memref_slice %arg5[%dma_wait3A_334, %dma_wait3A_335] : memref<10000x64xf32, #tpu.memory_space<hbm>> -> memref<10000x64xf32, #tpu.memory_space<hbm>>
      tpu.wait_indirect_dma semaphore(%arg20 : memref<!tpu.dma_semaphore, #tpu.memory_space<semaphore_mem>>) src(%dma_wait3A_336 : memref<10000x64xf32, #tpu.memory_space<hbm>>) dst(%arg12 : memref<80x64xf32, #tpu.memory_space<vmem>>)
      %dma_start3A_337 = arith.constant 249 : i32
      %dma_start3A_338 = arith.constant 0 : i32
      %dma_start3A_339 = tpu.memref_slice %arg8[%dma_start3A_337, %dma_start3A_338] : memref<252x80xi32, #tpu.memory_space<vmem>> -> memref<1x80xi32, #tpu.memory_space<vmem>>
      %dma_start3A_340 = tpu.memref_squeeze %dma_start3A_339 : memref<1x80xi32, #tpu.memory_space<vmem>> -> memref<80xi32, #tpu.memory_space<vmem>>
      %dma_start3A_341 = arith.constant 0 : i32
      %dma_start3A_342 = arith.constant 0 : i32
      %dma_start3A_343 = tpu.memref_slice %arg16[%dma_start3A_341, %dma_start3A_342] : memref<10240x64xf32, #tpu.memory_space<vmem_shared>> -> memref<10240x64xf32, #tpu.memory_space<vmem_shared>>
      tpu.enqueue_indirect_dma source(%arg12 : memref<80x64xf32, #tpu.memory_space<vmem>>) target(%dma_start3A_343 : memref<10240x64xf32, #tpu.memory_space<vmem_shared>>) offsets(%dma_start3A_340 : memref<80xi32, #tpu.memory_space<vmem>>) semaphore(%arg26 : memref<!tpu.dma_semaphore, #tpu.memory_space<semaphore_mem>>) {add = true}
      %dma_wait3A_344 = arith.constant 247 : i32
      %dma_wait3A_345 = arith.constant 0 : i32
      %dma_wait3A_346 = tpu.memref_slice %arg8[%dma_wait3A_344, %dma_wait3A_345] : memref<252x80xi32, #tpu.memory_space<vmem>> -> memref<1x80xi32, #tpu.memory_space<vmem>>
      %dma_wait3A_347 = tpu.memref_squeeze %dma_wait3A_346 : memref<1x80xi32, #tpu.memory_space<vmem>> -> memref<80xi32, #tpu.memory_space<vmem>>
      %dma_wait3A_348 = arith.constant 0 : i32
      %dma_wait3A_349 = arith.constant 0 : i32
      %dma_wait3A_350 = tpu.memref_slice %arg16[%dma_wait3A_348, %dma_wait3A_349] : memref<10240x64xf32, #tpu.memory_space<vmem_shared>> -> memref<10240x64xf32, #tpu.memory_space<vmem_shared>>
      tpu.wait_indirect_dma semaphore(%arg24 : memref<!tpu.dma_semaphore, #tpu.memory_space<semaphore_mem>>) src(%arg10 : memref<80x64xf32, #tpu.memory_space<vmem>>) dst(%dma_wait3A_350 : memref<10240x64xf32, #tpu.memory_space<vmem_shared>>)
      %dma_wait3A_351 = arith.constant 250 : i32
      %dma_wait3A_352 = arith.constant 0 : i32
      %dma_wait3A_353 = tpu.memref_slice %arg7[%dma_wait3A_351, %dma_wait3A_352] : memref<252x80xi32, #tpu.memory_space<vmem>> -> memref<1x80xi32, #tpu.memory_space<vmem>>
      %dma_wait3A_354 = tpu.memref_squeeze %dma_wait3A_353 : memref<1x80xi32, #tpu.memory_space<vmem>> -> memref<80xi32, #tpu.memory_space<vmem>>
      %dma_wait3A_355 = arith.constant 0 : i32
      %dma_wait3A_356 = arith.constant 0 : i32
      %dma_wait3A_357 = tpu.memref_slice %arg5[%dma_wait3A_355, %dma_wait3A_356] : memref<10000x64xf32, #tpu.memory_space<hbm>> -> memref<10000x64xf32, #tpu.memory_space<hbm>>
      tpu.wait_indirect_dma semaphore(%arg21 : memref<!tpu.dma_semaphore, #tpu.memory_space<semaphore_mem>>) src(%dma_wait3A_357 : memref<10000x64xf32, #tpu.memory_space<hbm>>) dst(%arg13 : memref<80x64xf32, #tpu.memory_space<vmem>>)
      %dma_start3A_358 = arith.constant 250 : i32
      %dma_start3A_359 = arith.constant 0 : i32
      %dma_start3A_360 = tpu.memref_slice %arg8[%dma_start3A_358, %dma_start3A_359] : memref<252x80xi32, #tpu.memory_space<vmem>> -> memref<1x80xi32, #tpu.memory_space<vmem>>
      %dma_start3A_361 = tpu.memref_squeeze %dma_start3A_360 : memref<1x80xi32, #tpu.memory_space<vmem>> -> memref<80xi32, #tpu.memory_space<vmem>>
      %dma_start3A_362 = arith.constant 0 : i32
      %dma_start3A_363 = arith.constant 0 : i32
      %dma_start3A_364 = tpu.memref_slice %arg16[%dma_start3A_362, %dma_start3A_363] : memref<10240x64xf32, #tpu.memory_space<vmem_shared>> -> memref<10240x64xf32, #tpu.memory_space<vmem_shared>>
      tpu.enqueue_indirect_dma source(%arg13 : memref<80x64xf32, #tpu.memory_space<vmem>>) target(%dma_start3A_364 : memref<10240x64xf32, #tpu.memory_space<vmem_shared>>) offsets(%dma_start3A_361 : memref<80xi32, #tpu.memory_space<vmem>>) semaphore(%arg27 : memref<!tpu.dma_semaphore, #tpu.memory_space<semaphore_mem>>) {add = true}
      %dma_wait3A_365 = arith.constant 248 : i32
      %dma_wait3A_366 = arith.constant 0 : i32
      %dma_wait3A_367 = tpu.memref_slice %arg8[%dma_wait3A_365, %dma_wait3A_366] : memref<252x80xi32, #tpu.memory_space<vmem>> -> memref<1x80xi32, #tpu.memory_space<vmem>>
      %dma_wait3A_368 = tpu.memref_squeeze %dma_wait3A_367 : memref<1x80xi32, #tpu.memory_space<vmem>> -> memref<80xi32, #tpu.memory_space<vmem>>
      %dma_wait3A_369 = arith.constant 0 : i32
      %dma_wait3A_370 = arith.constant 0 : i32
      %dma_wait3A_371 = tpu.memref_slice %arg16[%dma_wait3A_369, %dma_wait3A_370] : memref<10240x64xf32, #tpu.memory_space<vmem_shared>> -> memref<10240x64xf32, #tpu.memory_space<vmem_shared>>
      tpu.wait_indirect_dma semaphore(%arg25 : memref<!tpu.dma_semaphore, #tpu.memory_space<semaphore_mem>>) src(%arg11 : memref<80x64xf32, #tpu.memory_space<vmem>>) dst(%dma_wait3A_371 : memref<10240x64xf32, #tpu.memory_space<vmem_shared>>)
      %dma_wait3A_372 = arith.constant 251 : i32
      %dma_wait3A_373 = arith.constant 0 : i32
      %dma_wait3A_374 = tpu.memref_slice %arg7[%dma_wait3A_372, %dma_wait3A_373] : memref<252x80xi32, #tpu.memory_space<vmem>> -> memref<1x80xi32, #tpu.memory_space<vmem>>
      %dma_wait3A_375 = tpu.memref_squeeze %dma_wait3A_374 : memref<1x80xi32, #tpu.memory_space<vmem>> -> memref<80xi32, #tpu.memory_space<vmem>>
      %dma_wait3A_376 = arith.constant 0 : i32
      %dma_wait3A_377 = arith.constant 0 : i32
      %dma_wait3A_378 = tpu.memref_slice %arg5[%dma_wait3A_376, %dma_wait3A_377] : memref<10000x64xf32, #tpu.memory_space<hbm>> -> memref<10000x64xf32, #tpu.memory_space<hbm>>
      tpu.wait_indirect_dma semaphore(%arg22 : memref<!tpu.dma_semaphore, #tpu.memory_space<semaphore_mem>>) src(%dma_wait3A_378 : memref<10000x64xf32, #tpu.memory_space<hbm>>) dst(%arg14 : memref<80x64xf32, #tpu.memory_space<vmem>>)
      %dma_start3A_379 = arith.constant 251 : i32
      %dma_start3A_380 = arith.constant 0 : i32
      %dma_start3A_381 = tpu.memref_slice %arg8[%dma_start3A_379, %dma_start3A_380] : memref<252x80xi32, #tpu.memory_space<vmem>> -> memref<1x80xi32, #tpu.memory_space<vmem>>
      %dma_start3A_382 = tpu.memref_squeeze %dma_start3A_381 : memref<1x80xi32, #tpu.memory_space<vmem>> -> memref<80xi32, #tpu.memory_space<vmem>>
      %dma_start3A_383 = arith.constant 0 : i32
      %dma_start3A_384 = arith.constant 0 : i32
      %dma_start3A_385 = tpu.memref_slice %arg16[%dma_start3A_383, %dma_start3A_384] : memref<10240x64xf32, #tpu.memory_space<vmem_shared>> -> memref<10240x64xf32, #tpu.memory_space<vmem_shared>>
      tpu.enqueue_indirect_dma source(%arg14 : memref<80x64xf32, #tpu.memory_space<vmem>>) target(%dma_start3A_385 : memref<10240x64xf32, #tpu.memory_space<vmem_shared>>) offsets(%dma_start3A_382 : memref<80xi32, #tpu.memory_space<vmem>>) semaphore(%arg28 : memref<!tpu.dma_semaphore, #tpu.memory_space<semaphore_mem>>) {add = true}
      %dma_wait3A_386 = arith.constant 249 : i32
      %dma_wait3A_387 = arith.constant 0 : i32
      %dma_wait3A_388 = tpu.memref_slice %arg8[%dma_wait3A_386, %dma_wait3A_387] : memref<252x80xi32, #tpu.memory_space<vmem>> -> memref<1x80xi32, #tpu.memory_space<vmem>>
      %dma_wait3A_389 = tpu.memref_squeeze %dma_wait3A_388 : memref<1x80xi32, #tpu.memory_space<vmem>> -> memref<80xi32, #tpu.memory_space<vmem>>
      %dma_wait3A_390 = arith.constant 0 : i32
      %dma_wait3A_391 = arith.constant 0 : i32
      %dma_wait3A_392 = tpu.memref_slice %arg16[%dma_wait3A_390, %dma_wait3A_391] : memref<10240x64xf32, #tpu.memory_space<vmem_shared>> -> memref<10240x64xf32, #tpu.memory_space<vmem_shared>>
      tpu.wait_indirect_dma semaphore(%arg26 : memref<!tpu.dma_semaphore, #tpu.memory_space<semaphore_mem>>) src(%arg12 : memref<80x64xf32, #tpu.memory_space<vmem>>) dst(%dma_wait3A_392 : memref<10240x64xf32, #tpu.memory_space<vmem_shared>>)
      %dma_wait3A_393 = arith.constant 250 : i32
      %dma_wait3A_394 = arith.constant 0 : i32
      %dma_wait3A_395 = tpu.memref_slice %arg8[%dma_wait3A_393, %dma_wait3A_394] : memref<252x80xi32, #tpu.memory_space<vmem>> -> memref<1x80xi32, #tpu.memory_space<vmem>>
      %dma_wait3A_396 = tpu.memref_squeeze %dma_wait3A_395 : memref<1x80xi32, #tpu.memory_space<vmem>> -> memref<80xi32, #tpu.memory_space<vmem>>
      %dma_wait3A_397 = arith.constant 0 : i32
      %dma_wait3A_398 = arith.constant 0 : i32
      %dma_wait3A_399 = tpu.memref_slice %arg16[%dma_wait3A_397, %dma_wait3A_398] : memref<10240x64xf32, #tpu.memory_space<vmem_shared>> -> memref<10240x64xf32, #tpu.memory_space<vmem_shared>>
      tpu.wait_indirect_dma semaphore(%arg27 : memref<!tpu.dma_semaphore, #tpu.memory_space<semaphore_mem>>) src(%arg13 : memref<80x64xf32, #tpu.memory_space<vmem>>) dst(%dma_wait3A_399 : memref<10240x64xf32, #tpu.memory_space<vmem_shared>>)
      %dma_wait3A_400 = arith.constant 251 : i32
      %dma_wait3A_401 = arith.constant 0 : i32
      %dma_wait3A_402 = tpu.memref_slice %arg8[%dma_wait3A_400, %dma_wait3A_401] : memref<252x80xi32, #tpu.memory_space<vmem>> -> memref<1x80xi32, #tpu.memory_space<vmem>>
      %dma_wait3A_403 = tpu.memref_squeeze %dma_wait3A_402 : memref<1x80xi32, #tpu.memory_space<vmem>> -> memref<80xi32, #tpu.memory_space<vmem>>
      %dma_wait3A_404 = arith.constant 0 : i32
      %dma_wait3A_405 = arith.constant 0 : i32
      %dma_wait3A_406 = tpu.memref_slice %arg16[%dma_wait3A_404, %dma_wait3A_405] : memref<10240x64xf32, #tpu.memory_space<vmem_shared>> -> memref<10240x64xf32, #tpu.memory_space<vmem_shared>>
      tpu.wait_indirect_dma semaphore(%arg28 : memref<!tpu.dma_semaphore, #tpu.memory_space<semaphore_mem>>) src(%arg14 : memref<80x64xf32, #tpu.memory_space<vmem>>) dst(%dma_wait3A_406 : memref<10240x64xf32, #tpu.memory_space<vmem_shared>>)
    } else {
    }
    %barrier3A_60 = arith.constant 0 : index
    tpu.barrier barrier_id(%barrier3A_60)
    %mul3A_61 = arith.constant 640 : i32
    %mul3A_62 = arith.muli %arg1, %mul3A_61 : i32
    %mul3A_63 = arith.constant 640 : i32
    %mul3A_64 = arith.muli %arg1, %mul3A_63 : i32
    "tpu.region"() ({
      %run_scoped3A = tpu.sem_alloc : memref<!tpu.dma_semaphore, #tpu.memory_space<semaphore_mem>>
      %dma_start3A_65 = arith.constant 0 : i32
      %dma_start3A_66 = tpu.memref_slice %arg6[%arg0, %mul3A_64, %dma_start3A_65] : memref<2x10240x64xf32, #tpu.memory_space<hbm>> -> memref<1x640x64xf32, #tpu.memory_space<hbm>>
      %dma_start3A_67 = tpu.memref_squeeze %dma_start3A_66 : memref<1x640x64xf32, #tpu.memory_space<hbm>> -> memref<640x64xf32, #tpu.memory_space<hbm>>
      %dma_start3A_68 = arith.constant 0 : i32
      %dma_start3A_69 = tpu.memref_slice %arg16[%mul3A_62, %dma_start3A_68] : memref<10240x64xf32, #tpu.memory_space<vmem_shared>> -> memref<640x64xf32, #tpu.memory_space<vmem_shared>>
      tpu.enqueue_dma source(%dma_start3A_69 : memref<640x64xf32, #tpu.memory_space<vmem_shared>>) target(%dma_start3A_67 : memref<640x64xf32, #tpu.memory_space<hbm>>) target_semaphore(%run_scoped3A : memref<!tpu.dma_semaphore, #tpu.memory_space<semaphore_mem>>)
      %dma_wait3A_70 = arith.constant 0 : i32
      %dma_wait3A_71 = tpu.memref_slice %arg6[%arg0, %mul3A_64, %dma_wait3A_70] : memref<2x10240x64xf32, #tpu.memory_space<hbm>> -> memref<1x640x64xf32, #tpu.memory_space<hbm>>
      %dma_wait3A_72 = tpu.memref_squeeze %dma_wait3A_71 : memref<1x640x64xf32, #tpu.memory_space<hbm>> -> memref<640x64xf32, #tpu.memory_space<hbm>>
      %dma_wait3A_73 = arith.constant 0 : i32
      %dma_wait3A_74 = tpu.memref_slice %arg16[%mul3A_62, %dma_wait3A_73] : memref<10240x64xf32, #tpu.memory_space<vmem_shared>> -> memref<640x64xf32, #tpu.memory_space<vmem_shared>>
      tpu.wait_dma2 semaphore(%run_scoped3A : memref<!tpu.dma_semaphore, #tpu.memory_space<semaphore_mem>>) src(%dma_wait3A_74 : memref<640x64xf32, #tpu.memory_space<vmem_shared>>) dst(%dma_wait3A_72 : memref<640x64xf32, #tpu.memory_space<hbm>>)
      tpu.yield
    }) : () -> ()
    return
  }
}

module attributes {stable_mosaic.version = 14 : i64} {
  func.func @_mlp_body(%arg0: i32, %arg1: memref<1000x128xf32, #tpu.memory_space<vmem>>, %arg2: memref<1000x64xf32, #tpu.memory_space<vmem>>, %arg3: memref<1000x64xf32, #tpu.memory_space<vmem>>, %arg4: memref<128x128xf32, #tpu.memory_space<vmem>>, %arg5: memref<1x128xf32, #tpu.memory_space<vmem>>, %arg6: memref<128x128xf32, #tpu.memory_space<vmem>>, %arg7: memref<1x128xf32, #tpu.memory_space<vmem>>, %arg8: memref<1000x128xf32, #tpu.memory_space<vmem>>) attributes {dimension_semantics = [#tpu.dimension_semantics<arbitrary>], iteration_bounds = array<i64: 10>, scalar_prefetch = 0 : i64, scratch_operands = 0 : i64, tpu.core_type = #tpu.core_type<tc>, window_params = [{transform_indices = @transform_0, window_bounds = array<i64: 1000, 128>}, {transform_indices = @transform_1, window_bounds = array<i64: 1000, 64>}, {transform_indices = @transform_2, window_bounds = array<i64: 1000, 64>}, {pipeline_mode = #tpu.pipeline_mode<synchronous>, transform_indices = @transform_3, window_bounds = array<i64: 128, 128>}, {pipeline_mode = #tpu.pipeline_mode<synchronous>, transform_indices = @transform_4, window_bounds = array<i64: 1, 128>}, {pipeline_mode = #tpu.pipeline_mode<synchronous>, transform_indices = @transform_5, window_bounds = array<i64: 128, 128>}, {pipeline_mode = #tpu.pipeline_mode<synchronous>, transform_indices = @transform_6, window_bounds = array<i64: 1, 128>}, {transform_indices = @transform_7, window_bounds = array<i64: 1000, 128>}]} {
    %get3A = arith.constant 0 : index
    %get3A_0 = arith.constant 0 : index
    %get3A_1 = vector.load %arg2[%get3A, %get3A_0] : memref<1000x64xf32, #tpu.memory_space<vmem>>, vector<1000x64xf32>
    %get3A_2 = arith.constant 0 : index
    %get3A_3 = arith.constant 0 : index
    %get3A_4 = vector.load %arg3[%get3A_2, %get3A_3] : memref<1000x64xf32, #tpu.memory_space<vmem>>, vector<1000x64xf32>
    %concatenate3A = tpu.concatenate %get3A_1, %get3A_4 in 1 : vector<1000x64xf32>, vector<1000x64xf32> -> vector<1000x128xf32>
    %get3A_5 = arith.constant 0 : index
    %get3A_6 = arith.constant 0 : index
    %get3A_7 = vector.load %arg1[%get3A_5, %get3A_6] : memref<1000x128xf32, #tpu.memory_space<vmem>>, vector<1000x128xf32>
    %add3A = arith.addf %get3A_7, %concatenate3A : vector<1000x128xf32>
    %get3A_8 = arith.constant 0 : index
    %get3A_9 = arith.constant 0 : index
    %get3A_10 = vector.load %arg4[%get3A_8, %get3A_9] : memref<128x128xf32, #tpu.memory_space<vmem>>, vector<128x128xf32>
    %dot_general3A = arith.constant dense<0.000000e+00> : vector<1000x128xf32>
    %dot_general3A_11 = tpu.matmul %add3A, %get3A_10, %dot_general3A {dimension_numbers = #tpu.dot_dimension_numbers<[1], [0], [0], [1], [0, 0, 1, 1], [], []>, transpose_lhs_hint = false} : vector<1000x128xf32>, vector<128x128xf32>, vector<1000x128xf32> -> vector<1000x128xf32>
    %get3A_12 = arith.constant 0 : index
    %get3A_13 = arith.constant 0 : index
    %get3A_14 = vector.load %arg5[%get3A_12, %get3A_13] : memref<1x128xf32, #tpu.memory_space<vmem>>, vector<1x128xf32>
    %add3A_15 = vector.broadcast %get3A_14 : vector<1x128xf32> to vector<1000x128xf32>
    %add3A_16 = arith.addf %dot_general3A_11, %add3A_15 : vector<1000x128xf32>
    %max3A = arith.constant 0.000000e+00 : f32
    %max3A_17 = vector.broadcast %max3A : f32 to vector<1000x128xf32>
    %max3A_18 = arith.maximumf %add3A_16, %max3A_17 : vector<1000x128xf32>
    %get3A_19 = arith.constant 0 : index
    %get3A_20 = arith.constant 0 : index
    %get3A_21 = vector.load %arg6[%get3A_19, %get3A_20] : memref<128x128xf32, #tpu.memory_space<vmem>>, vector<128x128xf32>
    %dot_general3A_22 = arith.constant dense<0.000000e+00> : vector<1000x128xf32>
    %dot_general3A_23 = tpu.matmul %max3A_18, %get3A_21, %dot_general3A_22 {dimension_numbers = #tpu.dot_dimension_numbers<[1], [0], [0], [1], [0, 0, 1, 1], [], []>, transpose_lhs_hint = false} : vector<1000x128xf32>, vector<128x128xf32>, vector<1000x128xf32> -> vector<1000x128xf32>
    %get3A_24 = arith.constant 0 : index
    %get3A_25 = arith.constant 0 : index
    %get3A_26 = vector.load %arg7[%get3A_24, %get3A_25] : memref<1x128xf32, #tpu.memory_space<vmem>>, vector<1x128xf32>
    %add3A_27 = vector.broadcast %get3A_26 : vector<1x128xf32> to vector<1000x128xf32>
    %add3A_28 = arith.addf %dot_general3A_23, %add3A_27 : vector<1000x128xf32>
    %swap3A = arith.constant 0 : index
    %swap3A_29 = arith.constant 0 : index
    %swap3A_30 = vector.load %arg8[%swap3A, %swap3A_29] : memref<1000x128xf32, #tpu.memory_space<vmem>>, vector<1000x128xf32>
    tpu.vector_store %arg8[%swap3A, %swap3A_29], %add3A_28 {strides = array<i32>} : memref<1000x128xf32, #tpu.memory_space<vmem>>, vector<1000x128xf32>,
    return
  }
  func.func @transform_0(%arg0: i32) -> (i32, i32) {
    %c0_i32 = arith.constant 0 : i32
    %c0_i32_0 = arith.constant 0 : i32
    return %arg0, %c0_i32 : i32, i32
  }
  func.func @transform_1(%arg0: i32) -> (i32, i32) {
    %c0_i32 = arith.constant 0 : i32
    %c0_i32_0 = arith.constant 0 : i32
    return %arg0, %c0_i32 : i32, i32
  }
  func.func @transform_2(%arg0: i32) -> (i32, i32) {
    %c0_i32 = arith.constant 0 : i32
    %c0_i32_0 = arith.constant 0 : i32
    return %arg0, %c0_i32 : i32, i32
  }
  func.func @transform_3(%arg0: i32) -> (i32, i32) {
    %c0_i32 = arith.constant 0 : i32
    %c0_i32_0 = arith.constant 0 : i32
    %c0_i32_1 = arith.constant 0 : i32
    return %c0_i32, %c0_i32_0 : i32, i32
  }
  func.func @transform_4(%arg0: i32) -> (i32, i32) {
    %c0_i32 = arith.constant 0 : i32
    %c0_i32_0 = arith.constant 0 : i32
    %c0_i32_1 = arith.constant 0 : i32
    return %c0_i32, %c0_i32_0 : i32, i32
  }
  func.func @transform_5(%arg0: i32) -> (i32, i32) {
    %c0_i32 = arith.constant 0 : i32
    %c0_i32_0 = arith.constant 0 : i32
    %c0_i32_1 = arith.constant 0 : i32
    return %c0_i32, %c0_i32_0 : i32, i32
  }
  func.func @transform_6(%arg0: i32) -> (i32, i32) {
    %c0_i32 = arith.constant 0 : i32
    %c0_i32_0 = arith.constant 0 : i32
    %c0_i32_1 = arith.constant 0 : i32
    return %c0_i32, %c0_i32_0 : i32, i32
  }
  func.func @transform_7(%arg0: i32) -> (i32, i32) {
    %c0_i32 = arith.constant 0 : i32
    %c0_i32_0 = arith.constant 0 : i32
    return %arg0, %c0_i32 : i32, i32
  }
}

</mosaic_0001>

<sc_bundles>
// kernel: kernel.4.cloned.1.call-start
scs
__scs_entry_jumppad:
0x0: {  	(pc) =	sbr.rel $0x88, $3  }
0x1: {  	(tag) =	ssettag $0x0;
	lr =	simm.s32 $0x1  }
0x2: {  	[smem:$0x3F9B] =	sst lr;
	_ =	strace $0xD0000000  }
0x3: {  	_ = 	snop  }
0x4: {  	_ = 	snop  }
0x5: {  	_ = 	snop  }
0x6: {  	_ = 	snop  }
0x7: {  	_ = 	snop  }
__scs_overlays_trampoline_lowered:
0x8: {  	[smem:$0x3FAA] =	sst s0  }
0x9: {  	[smem:$0x3FAB] =	sst s1  }
0xa: {  	[smem:$0x3FAC] =	sst s2  }
0xb: {  	[smem:$0x3FAD] =	sst s3  }
0xc: {  	[smem:$0x3FAE] =	sst s4  }
0xd: {  	[smem:$0x3FAF] =	sst s5  }
0xe: {  	[smem:$0x3FB0] =	sst s6  }
0xf: {  	[smem:$0x3FB1] =	sst s7  }
0x10: {  	[smem:$0x3FB2] =	sst s8  }
0x11: {  	[smem:$0x3FB3] =	sst s9;
	s0 =	simm.s32 @!p0 $0x0  }
0x12: {  	s1 =	sld [smem:$0x3F99];
	s0 =	simm.s32 @p0 $0x1  }
0x13: {  	[smem:$0x3FB4] =	sst s0;
	s0 =	simm.s32 @!p1 $0x0  }
0x14: {  	s2 =	sld [smem:$0x3F98];
	s0 =	simm.s32 @p1 $0x1  }
0x15: {  	[smem:$0x3FB5] =	sst s0;
	s0 =	simm.s32 @!p2 $0x0  }
0x16: {  	s3 =	sld [smem:$0x3FDB];
	s0 =	simm.s32 @p2 $0x1  }
0x17: {  	s4 =	simm.s32 $0x1BF5;
	[smem:$0x3FB7] =	sst s0  }
0x18: {  	s0 =	sld [smem:$0x3F9A];
	_ =	swait.ge [sflag:s4], $0x0  }
0x19: {  	s7 =	sld [smem:$0x3F9B]  }
0x1a: {  	s8 =	sadd.s32 $0xFFFFE003, lr  }
0x1b: {  	s9 =	sadd.s32 $0xFFFFFEF7, lr;
	s5 =	simm.s32 $0xFFFFFFFF;
	p2 =	slt.u32 s8, $0xFFFFF086  }
0x1c: {  	p1 =	slt.u32 s9, $0xF7A;
	s5 =	simm.s32 @!p2 $0x0  }
0x1d: {  	s5 =	simm.s32 @p1 $0x1;
	p0 =	seq.s32 s7, s2  }
0x1e: {  	s7 =	smul.u32 @!p0 $0xF7A, s2;
	p2 =	seq.s32 @!p0 s5, $0x0  }
0x1f: {  	s9 =	smul.u32 $0xF7A, s1;
	s8 =	simm.s32 @!p0 $0x1BF5;
	p2 =	por !p2, p0  }
0x20: {  	[sflag:s8] =	ssyncset.s32 @!p0 $0xFFFFF086;
	s6 =	sadd.s32 @!p0 s3, s7;
	s7 =	simm.s32 @!p0 $0x108  }
0x21: {  	s3 =	sadd.s32 s3, s9;
	s6 =	sadd.s32 @!p0 $0x88, s6;
	s7 =	simm.s32 @p2 $0x1082  }
0x22: {  	[simem:s7], [sflag:s8] =	dma.local @!p0 [hbm:s6], $0xF7A  }
0x23: {  	s9 =	sor.u32 $0xD0000000, s2;
	s6 =	simm.s32 $0x108;
	_ =	swait.ge @!p0 [sflag:s8], $0x0  }
0x24: {  	s3 =	sadd.s32 $0x88, s3;
	s6 =	simm.s32 @!p1 $0x1082;
	[sflag:s4] =	ssyncset.s32 $0xFFFFF086  }
0x25: {  	[simem:s6], [sflag:s4] =	dma.local [hbm:s3], $0xF7A  }
0x26: {  	[smem:$0x3F9B] =	sst s1;
	(tag) =	ssettag s2;
	_ =	strace s9  }
0x27: {  	s1 =	sld [smem:$0x3FAB]  }
0x28: {  	s2 =	sld [smem:$0x3FAC]  }
0x29: {  	s4 =	sld [smem:$0x3FAE]  }
0x2a: {  	p0 =	seq.s32 s5, $0x0;
	s5 =	sld [smem:$0x3FAF]  }
0x2b: {  	s6 =	sld [smem:$0x3FB0]  }
0x2c: {  	s7 =	sld [smem:$0x3FB1]  }
0x2d: {  	s3 =	simm.s32 $0x108;
	s8 =	sld [smem:$0x3FB2]  }
0x2e: {  	s3 =	simm.s32 @!p0 $0x1082;
	s9 =	sld [smem:$0x3FB3]  }
0x2f: {  	lr =	sadd.s32 s0, s3;
	s0 =	sld [smem:$0x3FAA]  }
0x30: {  	s3 =	sld [smem:$0x3FAD]  }
0x31: {  	[smem:$0x3FB6] =	sst s10  }
0x32: {  	s10 =	sld [smem:$0x3FB4];
	_ =	sdelay $0x3  }
0x33: {  	p0 =	seq.s32 s10, $0x1;
	s10 =	sld [smem:$0x3FB6];
	_ =	sdelay $0x3  }
0x34: {  	[smem:$0x3FB6] =	sst s10  }
0x35: {  	s10 =	sld [smem:$0x3FB5];
	_ =	sdelay $0x3  }
0x36: {  	p1 =	seq.s32 s10, $0x1;
	s10 =	sld [smem:$0x3FB6];
	_ =	sdelay $0x3  }
0x37: {  	[smem:$0x3FB6] =	sst s10  }
0x38: {  	s10 =	sld [smem:$0x3FB7]  }
0x39: {  	_ = 	snop;
	(pc) =	sbr.ind lr, $3  }
0x3a: {  	_ = 	snop  }
0x3b: {  	_ = 	snop  }
0x3c: {  	p2 =	seq.s32 s10, $0x1;
	s10 =	sld [smem:$0x3FB6]  }
0x3d: {  	_ =	shalt  }
0x3e: {  	_ =	shalt  }
0x3f: {  	_ =	shalt  }
0x40: {  	_ =	shalt  }
0x41: {  	_ =	shalt  }
0x42: {  	_ =	shalt  }
0x43: {  	_ =	shalt  }
0x44: {  	_ =	shalt  }
0x45: {  	_ =	shalt  }
0x46: {  	_ =	shalt  }
0x47: {  	_ =	shalt  }
0x48: {  	_ =	shalt  }
0x49: {  	_ =	shalt  }
0x4a: {  	_ =	shalt  }
0x4b: {  	_ =	shalt  }
0x4c: {  	_ =	shalt  }
0x4d: {  	_ =	shalt  }
0x4e: {  	_ =	shalt  }
0x4f: {  	_ =	shalt  }
0x50: {  	_ =	shalt  }
0x51: {  	_ =	shalt  }
0x52: {  	_ =	shalt  }
0x53: {  	_ =	shalt  }
0x54: {  	_ =	shalt  }
0x55: {  	_ =	shalt  }
0x56: {  	_ =	shalt  }
0x57: {  	_ =	shalt  }
0x58: {  	_ =	shalt  }
0x59: {  	_ =	shalt  }
0x5a: {  	_ =	shalt  }
0x5b: {  	_ =	shalt  }
0x5c: {  	_ =	shalt  }
0x5d: {  	_ =	shalt  }
0x5e: {  	_ =	shalt  }
0x5f: {  	_ =	shalt  }
0x60: {  	_ =	shalt  }
0x61: {  	_ =	shalt  }
0x62: {  	_ =	shalt  }
0x63: {  	_ =	shalt  }
0x64: {  	_ =	shalt  }
0x65: {  	_ =	shalt  }
0x66: {  	_ =	shalt  }
0x67: {  	_ =	shalt  }
0x68: {  	_ =	shalt  }
0x69: {  	_ =	shalt  }
0x6a: {  	_ =	shalt  }
0x6b: {  	_ =	shalt  }
0x6c: {  	_ =	shalt  }
0x6d: {  	_ =	shalt  }
0x6e: {  	_ =	shalt  }
0x6f: {  	_ =	shalt  }
0x70: {  	_ =	shalt  }
0x71: {  	_ =	shalt  }
0x72: {  	_ =	shalt  }
0x73: {  	_ =	shalt  }
0x74: {  	_ =	shalt  }
0x75: {  	_ =	shalt  }
0x76: {  	_ =	shalt  }
0x77: {  	_ =	shalt  }
0x78: {  	_ =	shalt  }
0x79: {  	_ =	shalt  }
0x7a: {  	_ =	shalt  }
0x7b: {  	_ =	shalt  }
0x7c: {  	_ =	shalt  }
0x7d: {  	_ =	shalt  }
0x7e: {  	_ =	shalt  }
0x7f: {  	_ =	shalt  }
0x80: {  	_ =	shalt  }
0x81: {  	_ =	shalt  }
0x82: {  	_ =	shalt  }
0x83: {  	_ =	shalt  }
0x84: {  	_ =	shalt  }
0x85: {  	_ =	shalt  }
0x86: {  	_ =	shalt  }
0x87: {  	_ =	shalt  }
.Lfunc_end0:
.L_simem_size_0:
called_computation_lowered:
.L_overlay_start_0:
0x88: {  	s2 =	sld [smem:$0x3FD9]  }
0x89: {  	s3 =	sld [smem:$0x3FFE];
	_ =	sdelay $0x1  }
0x8a: {  	s1 =	srdreg.scid  }
0x8b: {  	s0 =	sand.u32 $0x1, s1  }
0x8c: {  	s17 =	sshll.u32 s0, $0xA;
	s2 =	sadd.s32 s3, s2  }
0x8d: {  	s2 =	sadd.s32 s2, s17  }
0x8e: {  	[smem:$0x3FC2] =	sst s2  }
0x8f: {  	_ = 	snop  }
0x90: {  	s2 =	sld [smem:$0x3FD0];
	(tm) =	ssettm $0x1  }
0x91: {  	s18 =	sld [smem:$0x3FFB];
	_ =	sdelay $0x3  }
0x92: {  	_ =	strace s18  }
0x93: {  	s3 =	sld [smem:$0x3FFC];
	_ =	sdelay $0x3  }
0x94: {  	_ =	strace s3  }
0x95: {  	s3 =	sld [smem:$0x3FFD];
	_ =	sdelay $0x3  }
0x96: {  	_ =	strace s3  }
0x97: {  	_ =	strace $0x8FFFFFFF  }
0x98: {  	s19 =	sld [smem:$0x3FDB];
	_ =	sdelay $0x1  }
0x99: {  	s4 =	simm.s32 $_scs_section_size  }
0x9a: {  	s5 =	simm.s32 $_size__tile_overlayer_lowered;
	s6 =	simm.s32 $_tile_overlayer_lowered  }
0x9b: {  	s22 =	simm.s32 $0x1BFF;
	s21 =	sshll.u32 s6, $0x1;
	s3 =	sadd.s32 s4, s19  }
0x9c: {  	s7 =	simm.s32 $0x0;
	s20 =	sshll.u32 s5, $0x1;
	s5 =	sadd.s32 s21, s3  }
0x9d: {  	[timem:s7], [sflag:s22] =	dma.local [hbm:s5], s20  }
0x9e: {  	_ =	swait.ge [sflag:s22], s20  }
0x9f: {  	s4 =	ssub.s32 $0x0, s20;
	[sflag:s22] =	ssyncset.done $0x0  }
0xa0: {  	[sflag:s22] =	ssyncadd.s32 s4;
	_ =	sdelay $0x1  }
0xa1: {  	s23 =	simm.s32 $0x1B8B  }
0xa2: {  	_ =	swait.ge [sflag:s23], $0x1  }
0xa3: {  	[sflag:s23] =	ssyncset.done $0x0  }
0xa4: {  	s25 =	simm.s32 $0x1B8E;
	s24 =	sld [smem:$0x3FFE];
	[sflag:s23] =	ssyncadd.s32 $0xFFFFFFFF  }
0xa5: {  	s26 =	simm.s32 $execute0_lowered;
	[smem:$0x3FD2] =	sst s25  }
0xa6: {  	s5 =	sshll.u32 s26, $0x1;
	_ =	strace $0x80000046;
	[dreg:$0x1] =	wrdreg $0xFFFFFFFF  }
0xa7: {  	s28 =	simm.s32 $_size_execute0_lowered;
	s3 =	sadd.s32 s3, s5;
	[dreg:$0x0] =	wrdreg $0x0  }
0xa8: {  	s5 =	sshll.u32 s28, $0x1;
	[dreg:$0x2] =	wrdreg s3  }
0xa9: {  	[dreg:$0x3] =	wrdreg s5  }
0xaa: {  	[dreg:$0x4] =	wrdreg $0xC0  }
0xab: {  	_ =	task [dreg:s7], $0x5FFFF  }
0xac: {  	[dreg:$0x1] =	wrdreg $0xFFFFFFFF  }
0xad: {  	[dreg:$0x0] =	wrdreg $0x60  }
0xae: {  	[dreg:$0x2] =	wrdreg s24  }
0xaf: {  	[dreg:$0x3] =	wrdreg s2  }
0xb0: {  	[dreg:$0x4] =	wrdreg $0x135800  }
0xb1: {  	[dreg:$0x5] =	wrdreg $0x9  }
0xb2: {  	_ =	task.clear_ibuf [dreg:s7], $0x6FFFF;
	_ =	strace $0x90000046  }
0xb3: {  	s29 =	simm.s32 $0x9;
	_ =	strace $0x80000048  }
0xb4: {  	_ =	swait.ge [sflag:s29], $0x1  }
0xb5: {  	[sflag:s29] =	ssyncadd.s32 $0xFFFFFFFF  }
0xb6: {  	_ =	strace $0x90000048  }
0xb7: {  	_ =	sfence  }
0xb8: {  	s30 =	sld [smem:$0x0];
	_ =	sdelay $0x2  }
0xb9: {  	s31 =	sshll.u32 s1, $0xD;
	s1 =	sshrl.u32 s1, $0x2  }
0xba: {  	s3 =	sand.u32 $0x4000, s31;
	s1 =	sadd.s32 s1, s30  }
0xbb: {  	s0 =	sor.u32 s3, s0;
	s1 =	sshll.u32 s1, $0x11  }
0xbc: {  	s0 =	sor.u32 s1, s0  }
0xbd: {  	s0 =	sadd.s32 $0x8F2B, s0  }
0xbe: {  	[sflag:s0] =	ssyncadd.remote.s32 $0x1  }
0xbf: {  	_ =	sfence.sel $0xFFFF  }
0xc0: {  	[dreg:$0x0] =	wrdreg $0xFFFFFFFF;
	(pc) =	sbr.abs _section_cstart, $3  }
0xc1: {  	[dreg:$0x1] =	wrdreg $0xFFFFFFFF  }
0xc2: {  	_ =	task.clear_ibuf [dreg:s7], $0x2FFFF;
	_ =	strace $0x9FFFFFFF  }
0xc3: {  	(tm) =	ssettm $0x7FFFFFFF  }
tec
execute0_lowered:
.L_overlay_start_1:
0x0: {  	(tag) =	ssettag $0x1  }
0x1: {  	s0 =	rddreg [dreg:$0x0]  }
0x2: {  	s1 =	rddreg [dreg:$0x1];
	s9 =	stileid.u32  }
0x3: {  	s4 =	srdreg.scid;
	s3 =	rddreg [dreg:$0x2]  }
0x4: {  	s7 =	simm.s32 $0x0;
	s16 =	simm.s32 $0x11580;
	s17 =	simm.s32 $0xD  }
0x5: {  	s18 =	simm.s32 $0x1;
	s19 =	simm.s32 $0x2;
	s29 =	simm.s32 $0xED80  }
0x6: {  	s28 =	simm.s32 $0x7;
	s31 =	simm.s32 $0x4;
	s2 =	smul.u32 $0x9D8, s9  }
0x7: {  	s30 =	simm.s32 $0x8;
	s15 =	simm.s32 $0xC;
	s6 =	smul.u32 $0xA000, s9  }
0x8: {  	s4 =	sand.u32 $0x1, s4;
	[smem:$0x7FF] =	sst s7;
	s9 =	smul.u32 $0x28000, s9  }
0x9: {  	s5 =	smul.u32 $0xA0000, s4;
	_ =	strace $0x80000047;
	s8 =	ssub.s32 $0x2, s4  }
0xa: {  	p0 =	seq.s32 s4, $0x1;
	s4 =	simm.s32 $0x6;
	s2 =	sadd.s32 s2, s0  }
0xb: {  	s21 =	sshrl.u32 s8, $0x1;
	s9 =	sshrl.u32 s9, $0x2;
	s5 =	sadd.s32 s6, s5  }
0xc: {  	s7 =	ssub.s32 s8, s21;
	s22 =	sadd.s32 $0x1E200, s2;
	s2 =	sadd.s32 $0x14400, s2  }
0xd: {  	s8 =	sadd.s32 s6, s3;
	s23 =	sadd.s32 s9, s3;
	s21 =	simm.s32 $0x9D80  }
0xe: {  	s6 =	simm.s32 $0xA;
	s9 =	simm.s32 $0x0;
	[dreg:$0x4] =	wrdreg s22  }
0xf: {  	s20 =	sshrl.u32 s5, $0x3;
	s5 =	sadd.s32 $0xA00, s0;
	[dreg:$0x5] =	wrdreg s2  }
0x10: {  	s24 =	sadd.s32 $0x2000, s23;
	s25 =	sadd.s32 $0x4000, s23;
	s26 =	sadd.s32 $0x6000, s23  }
0x11: {  	s2 =	sadd.s32 $0x8000, s23;
	s14 =	smax.u32 s7, $0x1;
	[dreg:$0x6] =	wrdreg s24  }
.Ltmp0:
0x12: {  	s22 =	simm.s32 $0xB180;
	[dreg:$0x7] =	wrdreg s25;
	(pc) =	sbr.rel .LBB2_1-.Ltmp0, $4  }
0x13: {  	s23 =	simm.s32 $0x3;
	s7 =	simm.s32 $0xB;
	[dreg:$0x8] =	wrdreg s26  }
0x14: {  	s0 =	sadd.s32 s20, s0;
	[dreg:$0x9] =	wrdreg s2;
	s20 =	simm.s32 $0x50  }
0x15: {  	s24 =	simm.s32 $0xC580;
	s26 =	simm.s32 $0xD980;
	s2 =	simm.s32 $0x10180  }
0x16: {  	v0 =	vimm.f32 $0.0e+00;
	s25 =	simm.s32 $0x5;
	s13 =	sadd.s32 $0x28000, s0;
	s0 =	simm.s32 $0x9  }
.LBB2_6:
0x17: {  	[tilespmem:s26], [sflag:$0x4] =	stream.indirect.gather [hbm4b:s1+s20], $0x40, s11, s20, $0xb8;
	[tilespmem:$0x1D580] =	vst v63  }
0x18: {  	s10 =	smov.u32 s1  }
.LBB2_10:
0x19: {  	_ =	swait.ge [sflag:s18], $0x1400  }
0x1a: {  	[sflag:s18] =	ssyncset.done $0x0  }
0x1b: {  	s11 =	simm.s32 $0x9BA0;
	[sflag:s18] =	ssyncadd.s32 $0xFFFFEC00  }
0x1c: {  	[spmem:s3] =	stream.indirect.scatter.add.f32 [tilespmem:s21], [sflag:$0x7], $0x40, s11, s20, $0xb8;
	[tilespmem:$0x1D580] =	vst v63  }
0x1d: {  	_ =	swait.ge [sflag:s7], $0x1400  }
0x1e: {  	[sflag:s7] =	ssyncset.done $0x0  }
0x1f: {  	s12 =	simm.s32 $0x4E20;
	[sflag:s7] =	ssyncadd.s32 $0xFFFFEC00  }
0x20: {  	[tilespmem:s29], [sflag:$0x5] =	stream.indirect.gather [hbm4b:s10+s20], $0x40, s12, s20, $0xb8;
	[tilespmem:$0x1D580] =	vst v63  }
0x21: {  	_ =	swait.ge [sflag:s19], $0x1400  }
0x22: {  	[sflag:s19] =	ssyncset.done $0x0  }
0x23: {  	s12 =	simm.s32 $0x9BF0;
	[sflag:s19] =	ssyncadd.s32 $0xFFFFEC00  }
0x24: {  	[spmem:s3] =	stream.indirect.scatter.add.f32 [tilespmem:s22], [sflag:$0x8], $0x40, s12, s20, $0xb8;
	[tilespmem:$0x1D580] =	vst v63  }
0x25: {  	_ =	swait.ge [sflag:s15], $0x1400  }
0x26: {  	[sflag:s15] =	ssyncset.done $0x0  }
0x27: {  	s12 =	simm.s32 $0x4E70;
	[sflag:s15] =	ssyncadd.s32 $0xFFFFEC00  }
0x28: {  	[tilespmem:s2], [sflag:$0x6] =	stream.indirect.gather [hbm4b:s10+s20], $0x40, s12, s20, $0xb8;
	[tilespmem:$0x1D580] =	vst v63  }
0x29: {  	_ =	swait.ge [sflag:s23], $0x1400  }
0x2a: {  	[sflag:s23] =	ssyncset.done $0x0  }
0x2b: {  	s11 =	simm.s32 $0x9C40;
	[sflag:s23] =	ssyncadd.s32 $0xFFFFEC00  }
0x2c: {  	[spmem:s3] =	stream.indirect.scatter.add.f32 [tilespmem:s24], [sflag:$0x9], $0x40, s11, s20, $0xb8;
	[tilespmem:$0x1D580] =	vst v63  }
0x2d: {  	_ =	swait.ge [sflag:s28], $0x1400  }
0x2e: {  	[sflag:s28] =	ssyncset.done $0x0  }
0x2f: {  	[sflag:s28] =	ssyncadd.s32 $0xFFFFEC00  }
0x30: {  	_ =	swait.ge [sflag:s31], $0x1400  }
0x31: {  	[sflag:s31] =	ssyncset.done $0x0  }
0x32: {  	s12 =	simm.s32 $0x9C90;
	[sflag:s31] =	ssyncadd.s32 $0xFFFFEC00  }
0x33: {  	[spmem:s3] =	stream.indirect.scatter.add.f32 [tilespmem:s26], [sflag:$0xA], $0x40, s12, s20, $0xb8;
	[tilespmem:$0x1D580] =	vst v63  }
0x34: {  	_ =	swait.ge [sflag:s30], $0x1400  }
0x35: {  	[sflag:s30] =	ssyncset.done $0x0  }
0x36: {  	[sflag:s30] =	ssyncadd.s32 $0xFFFFEC00  }
0x37: {  	_ =	swait.ge [sflag:s25], $0x1400  }
0x38: {  	[sflag:s25] =	ssyncset.done $0x0  }
0x39: {  	s11 =	simm.s32 $0x9CE0;
	[sflag:s25] =	ssyncadd.s32 $0xFFFFEC00  }
0x3a: {  	[spmem:s3] =	stream.indirect.scatter.add.f32 [tilespmem:s29], [sflag:$0xB], $0x40, s11, s20, $0xb8;
	[tilespmem:$0x1D580] =	vst v63  }
0x3b: {  	_ =	swait.ge [sflag:s0], $0x1400  }
0x3c: {  	[sflag:s0] =	ssyncset.done $0x0  }
0x3d: {  	[sflag:s0] =	ssyncadd.s32 $0xFFFFEC00  }
0x3e: {  	_ =	swait.ge [sflag:s4], $0x1400  }
0x3f: {  	[sflag:s4] =	ssyncset.done $0x0  }
0x40: {  	s12 =	simm.s32 $0x9D30;
	[sflag:s4] =	ssyncadd.s32 $0xFFFFEC00  }
0x41: {  	[spmem:s3] =	stream.indirect.scatter.add.f32 [tilespmem:s2], [sflag:$0xC], $0x40, s12, s20, $0xb8;
	[tilespmem:$0x1D580] =	vst v63  }
0x42: {  	_ =	swait.ge [sflag:s6], $0x1400  }
0x43: {  	[sflag:s6] =	ssyncset.done $0x0  }
0x44: {  	[sflag:s6] =	ssyncadd.s32 $0xFFFFEC00  }
0x45: {  	_ =	swait.ge [sflag:s7], $0x1400  }
0x46: {  	[sflag:s7] =	ssyncset.done $0x0  }
0x47: {  	[sflag:s7] =	ssyncadd.s32 $0xFFFFEC00  }
0x48: {  	s11 =	stileid.u32;
	_ =	swait.ge [sflag:s15], $0x1400  }
0x49: {  	s9 =	sadd.s32 $0x1, s9;
	s10 =	sshll.u32 s11, $0x6;
	[sflag:s15] =	ssyncset.done $0x0  }
0x4a: {  	p1 =	sne.s32 s9, s14;
	s10 =	sor.u32 $0x1C0D, s10;
	[sflag:s15] =	ssyncadd.s32 $0xFFFFEC00  }
.Ltmp1:
0x4b: {  	s12 =	sshrl.u32 s8, $0x3;
	[bflag:$0x0] =	sbarrier.arrive $0xFFFF;
	(pc) =	sbr.rel @!p1 .LBB2_11-.Ltmp1, $4  }
0x4c: {  	[hbm:s13], [sflag:s10] =	dma.local [spmem:s12], $0x1400  }
0x4d: {  	_ =	swait.ge [sflag:s17], $0x1400  }
0x4e: {  	[sflag:s17] =	ssyncset.done $0x0  }
0x4f: {  	[sflag:s17] =	ssyncadd.s32 $0xFFFFEC00  }
.LBB2_1:
0x50: {  	s10 =	simm.s32 $0x0;
	s11 =	rddreg [dreg:$0x4]  }
0x51: {  	[tilespmem:s10], [sflag:$0x1] =	stream.linear.gather [hbm4b:s11+s10], $0x4EC0, $0x38;
	[tilespmem:$0x1D580] =	vst v63  }
0x52: {  	s12 =	simm.s32 $0x4EC0;
	s11 =	rddreg [dreg:$0x5]  }
0x53: {  	[tilespmem:s12], [sflag:$0x2] =	stream.linear.gather [hbm4b:s11+s10], $0x4EC0, $0x38;
	[tilespmem:$0x1D580] =	vst v63  }
0x54: {  	s11 =	simm.s32 $0x100;
	s10 =	simm.s32 $0x0  }
.LBB2_2:
0x55: {  	p1 =	sne.s32 s11, $0x7F00;
	[tilespmem:s10+$0x115B0] =	vst v0;
	s12 =	smov.u32 s11;
	s11 =	sadd.s32 $0x100, s11  }
.Ltmp2:
0x56: {  	[tilespmem:s10+$0x115A0] =	vst v0;
	(pc) =	sbr.rel @p1 .LBB2_2-.Ltmp2, $3  }
0x57: {  	[tilespmem:s10+$0x11580] =	vst v0  }
0x58: {  	[tilespmem:s10+$0x11590] =	vst v0;
	_ =	sdelay $0x1  }
0x59: {  	s10 =	sshra.s32 s12, $0x2  }
0x5a: {  	[tilespmem:s10+$0x115B0] =	vst v0  }
0x5b: {  	[tilespmem:s10+$0x115A0] =	vst v0  }
0x5c: {  	[tilespmem:s10+$0x11580] =	vst v0  }
0x5d: {  	[tilespmem:s10+$0x11590] =	vst v0  }
0x5e: {  	[spmem:s8] =	stream.linear.scatter [tilespmem:s16], [sflag:$0xD], $0x2000, $0x38;
	[tilespmem:$0x1D580] =	vst v63  }
0x5f: {  	_ =	swait.ge [sflag:s17], $0x2000  }
0x60: {  	[sflag:s17] =	ssyncset.done $0x0  }
0x61: {  	s11 =	rddreg [dreg:$0x6];
	[sflag:s17] =	ssyncadd.s32 $0xFFFFE000  }
0x62: {  	[spmem:s11] =	stream.linear.scatter [tilespmem:s16], [sflag:$0xD], $0x2000, $0x38;
	[tilespmem:$0x1D580] =	vst v63  }
0x63: {  	_ =	swait.ge [sflag:s17], $0x2000  }
0x64: {  	[sflag:s17] =	ssyncset.done $0x0  }
0x65: {  	s12 =	rddreg [dreg:$0x7];
	[sflag:s17] =	ssyncadd.s32 $0xFFFFE000  }
0x66: {  	[spmem:s12] =	stream.linear.scatter [tilespmem:s16], [sflag:$0xD], $0x2000, $0x38;
	[tilespmem:$0x1D580] =	vst v63  }
0x67: {  	_ =	swait.ge [sflag:s17], $0x2000  }
0x68: {  	[sflag:s17] =	ssyncset.done $0x0  }
0x69: {  	s11 =	rddreg [dreg:$0x8];
	[sflag:s17] =	ssyncadd.s32 $0xFFFFE000  }
0x6a: {  	[spmem:s11] =	stream.linear.scatter [tilespmem:s16], [sflag:$0xD], $0x2000, $0x38;
	[tilespmem:$0x1D580] =	vst v63  }
0x6b: {  	_ =	swait.ge [sflag:s17], $0x2000  }
0x6c: {  	[sflag:s17] =	ssyncset.done $0x0  }
0x6d: {  	s12 =	rddreg [dreg:$0x9];
	[sflag:s17] =	ssyncadd.s32 $0xFFFFE000  }
0x6e: {  	[spmem:s12] =	stream.linear.scatter [tilespmem:s16], [sflag:$0xD], $0x2000, $0x38;
	[tilespmem:$0x1D580] =	vst v63  }
0x6f: {  	_ =	swait.ge [sflag:s17], $0x2000  }
0x70: {  	[sflag:s17] =	ssyncset.done $0x0  }
0x71: {  	[sflag:s17] =	ssyncadd.s32 $0xFFFFE000  }
0x72: {  	_ =	swait.ge [sflag:s18], $0x4EC0  }
0x73: {  	[sflag:s18] =	ssyncset.done $0x0  }
0x74: {  	[sflag:s18] =	ssyncadd.s32 $0xFFFFB140  }
.Ltmp3:
0x75: {  	_ =	swait.ge [sflag:s19], $0x4EC0;
	(pc) =	sbr.rel @!p0 .LBB2_4-.Ltmp3, $4  }
0x76: {  	[sflag:s19] =	ssyncset.done $0x0  }
0x77: {  	[sflag:s19] =	ssyncadd.s32 $0xFFFFB140  }
0x78: {  	[bflag:$0x0] =	sbarrier.arrive $0xFFFF  }
0x79: {  	s10 =	simm.s32 $0x0  }
0x7a: {  	[tilespmem:s21], [sflag:$0x1] =	stream.indirect.gather [hbm4b:s5+s20], $0x40, s10, s20, $0xb8;
	[tilespmem:$0x1D580] =	vst v63  }
0x7b: {  	_ = 	snop  }
0x7c: {  	[tilespmem:s22], [sflag:$0x2] =	stream.indirect.gather [hbm4b:s5+s20], $0x40, s20, s20, $0xb8;
	[tilespmem:$0x1D580] =	vst v63  }
0x7d: {  	s12 =	simm.s32 $0xA0  }
0x7e: {  	[tilespmem:s24], [sflag:$0x3] =	stream.indirect.gather [hbm4b:s5+s20], $0x40, s12, s20, $0xb8;
	[tilespmem:$0x1D580] =	vst v63  }
0x7f: {  	s11 =	simm.s32 $0xF0  }
0x80: {  	[tilespmem:s26], [sflag:$0x4] =	stream.indirect.gather [hbm4b:s5+s20], $0x40, s11, s20, $0xb8;
	[tilespmem:$0x1D580] =	vst v63  }
0x81: {  	_ =	swait.ge [sflag:s18], $0x1400  }
0x82: {  	[sflag:s18] =	ssyncset.done $0x0  }
0x83: {  	s12 =	simm.s32 $0x4EC0;
	[sflag:s18] =	ssyncadd.s32 $0xFFFFEC00  }
0x84: {  	[spmem:s3] =	stream.indirect.scatter.add.f32 [tilespmem:s21], [sflag:$0x7], $0x40, s12, s20, $0xb8;
	[tilespmem:$0x1D580] =	vst v63  }
0x85: {  	s11 =	simm.s32 $0x140  }
0x86: {  	[tilespmem:s29], [sflag:$0x5] =	stream.indirect.gather [hbm4b:s5+s20], $0x40, s11, s20, $0xb8;
	[tilespmem:$0x1D580] =	vst v63  }
0x87: {  	_ =	swait.ge [sflag:s19], $0x1400  }
0x88: {  	[sflag:s19] =	ssyncset.done $0x0  }
0x89: {  	s12 =	simm.s32 $0x4F10;
	[sflag:s19] =	ssyncadd.s32 $0xFFFFEC00  }
0x8a: {  	[spmem:s3] =	stream.indirect.scatter.add.f32 [tilespmem:s22], [sflag:$0x8], $0x40, s12, s20, $0xb8;
	[tilespmem:$0x1D580] =	vst v63  }
0x8b: {  	s11 =	simm.s32 $0x190  }
0x8c: {  	[tilespmem:s2], [sflag:$0x6] =	stream.indirect.gather [hbm4b:s5+s20], $0x40, s11, s20, $0xb8;
	[tilespmem:$0x1D580] =	vst v63  }
0x8d: {  	_ =	swait.ge [sflag:s23], $0x1400  }
0x8e: {  	[sflag:s23] =	ssyncset.done $0x0  }
0x8f: {  	s12 =	simm.s32 $0x4F60;
	[sflag:s23] =	ssyncadd.s32 $0xFFFFEC00  }
0x90: {  	[spmem:s3] =	stream.indirect.scatter.add.f32 [tilespmem:s24], [sflag:$0x9], $0x40, s12, s20, $0xb8;
	[tilespmem:$0x1D580] =	vst v63  }
0x91: {  	_ =	swait.ge [sflag:s28], $0x1400  }
0x92: {  	[sflag:s28] =	ssyncset.done $0x0  }
0x93: {  	s11 =	simm.s32 $0x1E0;
	[sflag:s28] =	ssyncadd.s32 $0xFFFFEC00  }
0x94: {  	[tilespmem:s21], [sflag:$0x1] =	stream.indirect.gather [hbm4b:s5+s20], $0x40, s11, s20, $0xb8;
	[tilespmem:$0x1D580] =	vst v63  }
0x95: {  	_ =	swait.ge [sflag:s31], $0x1400  }
0x96: {  	[sflag:s31] =	ssyncset.done $0x0  }
0x97: {  	s12 =	simm.s32 $0x4FB0;
	[sflag:s31] =	ssyncadd.s32 $0xFFFFEC00  }
0x98: {  	[spmem:s3] =	stream.indirect.scatter.add.f32 [tilespmem:s26], [sflag:$0xA], $0x40, s12, s20, $0xb8;
	[tilespmem:$0x1D580] =	vst v63  }
0x99: {  	_ =	swait.ge [sflag:s30], $0x1400  }
0x9a: {  	[sflag:s30] =	ssyncset.done $0x0  }
0x9b: {  	s11 =	simm.s32 $0x230;
	[sflag:s30] =	ssyncadd.s32 $0xFFFFEC00  }
0x9c: {  	[tilespmem:s22], [sflag:$0x2] =	stream.indirect.gather [hbm4b:s5+s20], $0x40, s11, s20, $0xb8;
	[tilespmem:$0x1D580] =	vst v63  }
0x9d: {  	_ =	swait.ge [sflag:s25], $0x1400  }
0x9e: {  	[sflag:s25] =	ssyncset.done $0x0  }
0x9f: {  	s12 =	simm.s32 $0x5000;
	[sflag:s25] =	ssyncadd.s32 $0xFFFFEC00  }
0xa0: {  	[spmem:s3] =	stream.indirect.scatter.add.f32 [tilespmem:s29], [sflag:$0xB], $0x40, s12, s20, $0xb8;
	[tilespmem:$0x1D580] =	vst v63  }
0xa1: {  	_ =	swait.ge [sflag:s0], $0x1400  }
0xa2: {  	[sflag:s0] =	ssyncset.done $0x0  }
0xa3: {  	s11 =	simm.s32 $0x280;
	[sflag:s0] =	ssyncadd.s32 $0xFFFFEC00  }
0xa4: {  	[tilespmem:s24], [sflag:$0x3] =	stream.indirect.gather [hbm4b:s5+s20], $0x40, s11, s20, $0xb8;
	[tilespmem:$0x1D580] =	vst v63  }
0xa5: {  	_ =	swait.ge [sflag:s4], $0x1400  }
0xa6: {  	[sflag:s4] =	ssyncset.done $0x0  }
0xa7: {  	s12 =	simm.s32 $0x5050;
	[sflag:s4] =	ssyncadd.s32 $0xFFFFEC00  }
0xa8: {  	[spmem:s3] =	stream.indirect.scatter.add.f32 [tilespmem:s2], [sflag:$0xC], $0x40, s12, s20, $0xb8;
	[tilespmem:$0x1D580] =	vst v63  }
0xa9: {  	_ =	swait.ge [sflag:s6], $0x1400  }
0xaa: {  	[sflag:s6] =	ssyncset.done $0x0  }
0xab: {  	s11 =	simm.s32 $0x2D0;
	[sflag:s6] =	ssyncadd.s32 $0xFFFFEC00  }
0xac: {  	[tilespmem:s26], [sflag:$0x4] =	stream.indirect.gather [hbm4b:s5+s20], $0x40, s11, s20, $0xb8;
	[tilespmem:$0x1D580] =	vst v63  }
0xad: {  	_ =	swait.ge [sflag:s18], $0x1400  }
0xae: {  	[sflag:s18] =	ssyncset.done $0x0  }
0xaf: {  	s12 =	simm.s32 $0x50A0;
	[sflag:s18] =	ssyncadd.s32 $0xFFFFEC00  }
0xb0: {  	[spmem:s3] =	stream.indirect.scatter.add.f32 [tilespmem:s21], [sflag:$0x7], $0x40, s12, s20, $0xb8;
	[tilespmem:$0x1D580] =	vst v63  }
0xb1: {  	_ =	swait.ge [sflag:s7], $0x1400  }
0xb2: {  	[sflag:s7] =	ssyncset.done $0x0  }
0xb3: {  	s11 =	simm.s32 $0x320;
	[sflag:s7] =	ssyncadd.s32 $0xFFFFEC00  }
0xb4: {  	[tilespmem:s29], [sflag:$0x5] =	stream.indirect.gather [hbm4b:s5+s20], $0x40, s11, s20, $0xb8;
	[tilespmem:$0x1D580] =	vst v63  }
0xb5: {  	_ =	swait.ge [sflag:s19], $0x1400  }
0xb6: {  	[sflag:s19] =	ssyncset.done $0x0  }
0xb7: {  	s12 =	simm.s32 $0x50F0;
	[sflag:s19] =	ssyncadd.s32 $0xFFFFEC00  }
0xb8: {  	[spmem:s3] =	stream.indirect.scatter.add.f32 [tilespmem:s22], [sflag:$0x8], $0x40, s12, s20, $0xb8;
	[tilespmem:$0x1D580] =	vst v63  }
0xb9: {  	_ =	swait.ge [sflag:s15], $0x1400  }
0xba: {  	[sflag:s15] =	ssyncset.done $0x0  }
0xbb: {  	s11 =	simm.s32 $0x370;
	[sflag:s15] =	ssyncadd.s32 $0xFFFFEC00  }
0xbc: {  	[tilespmem:s2], [sflag:$0x6] =	stream.indirect.gather [hbm4b:s5+s20], $0x40, s11, s20, $0xb8;
	[tilespmem:$0x1D580] =	vst v63  }
0xbd: {  	_ =	swait.ge [sflag:s23], $0x1400  }
0xbe: {  	[sflag:s23] =	ssyncset.done $0x0  }
0xbf: {  	s12 =	simm.s32 $0x5140;
	[sflag:s23] =	ssyncadd.s32 $0xFFFFEC00  }
0xc0: {  	[spmem:s3] =	stream.indirect.scatter.add.f32 [tilespmem:s24], [sflag:$0x9], $0x40, s12, s20, $0xb8;
	[tilespmem:$0x1D580] =	vst v63  }
0xc1: {  	_ =	swait.ge [sflag:s28], $0x1400  }
0xc2: {  	[sflag:s28] =	ssyncset.done $0x0  }
0xc3: {  	s11 =	simm.s32 $0x3C0;
	[sflag:s28] =	ssyncadd.s32 $0xFFFFEC00  }
0xc4: {  	[tilespmem:s21], [sflag:$0x1] =	stream.indirect.gather [hbm4b:s5+s20], $0x40, s11, s20, $0xb8;
	[tilespmem:$0x1D580] =	vst v63  }
0xc5: {  	_ =	swait.ge [sflag:s31], $0x1400  }
0xc6: {  	[sflag:s31] =	ssyncset.done $0x0  }
0xc7: {  	s12 =	simm.s32 $0x5190;
	[sflag:s31] =	ssyncadd.s32 $0xFFFFEC00  }
0xc8: {  	[spmem:s3] =	stream.indirect.scatter.add.f32 [tilespmem:s26], [sflag:$0xA], $0x40, s12, s20, $0xb8;
	[tilespmem:$0x1D580] =	vst v63  }
0xc9: {  	_ =	swait.ge [sflag:s30], $0x1400  }
0xca: {  	[sflag:s30] =	ssyncset.done $0x0  }
0xcb: {  	s11 =	simm.s32 $0x410;
	[sflag:s30] =	ssyncadd.s32 $0xFFFFEC00  }
0xcc: {  	[tilespmem:s22], [sflag:$0x2] =	stream.indirect.gather [hbm4b:s5+s20], $0x40, s11, s20, $0xb8;
	[tilespmem:$0x1D580] =	vst v63  }
0xcd: {  	_ =	swait.ge [sflag:s25], $0x1400  }
0xce: {  	[sflag:s25] =	ssyncset.done $0x0  }
0xcf: {  	s12 =	simm.s32 $0x51E0;
	[sflag:s25] =	ssyncadd.s32 $0xFFFFEC00  }
0xd0: {  	[spmem:s3] =	stream.indirect.scatter.add.f32 [tilespmem:s29], [sflag:$0xB], $0x40, s12, s20, $0xb8;
	[tilespmem:$0x1D580] =	vst v63  }
0xd1: {  	_ =	swait.ge [sflag:s0], $0x1400  }
0xd2: {  	[sflag:s0] =	ssyncset.done $0x0  }
0xd3: {  	s11 =	simm.s32 $0x460;
	[sflag:s0] =	ssyncadd.s32 $0xFFFFEC00  }
0xd4: {  	[tilespmem:s24], [sflag:$0x3] =	stream.indirect.gather [hbm4b:s5+s20], $0x40, s11, s20, $0xb8;
	[tilespmem:$0x1D580] =	vst v63  }
0xd5: {  	_ =	swait.ge [sflag:s4], $0x1400  }
0xd6: {  	[sflag:s4] =	ssyncset.done $0x0  }
0xd7: {  	s12 =	simm.s32 $0x5230;
	[sflag:s4] =	ssyncadd.s32 $0xFFFFEC00  }
0xd8: {  	[spmem:s3] =	stream.indirect.scatter.add.f32 [tilespmem:s2], [sflag:$0xC], $0x40, s12, s20, $0xb8;
	[tilespmem:$0x1D580] =	vst v63  }
0xd9: {  	_ =	swait.ge [sflag:s6], $0x1400  }
0xda: {  	[sflag:s6] =	ssyncset.done $0x0  }
0xdb: {  	s10 =	simm.s32 $0x780;
	s11 =	simm.s32 $0x4B0;
	[sflag:s6] =	ssyncadd.s32 $0xFFFFEC00  }
.LBB2_8:
0xdc: {  	[tilespmem:s26], [sflag:$0x4] =	stream.indirect.gather [hbm4b:s5+s20], $0x40, s11, s20, $0xb8;
	[tilespmem:$0x1D580] =	vst v63  }
0xdd: {  	s11 =	smov.u32 s10  }
0xde: {  	p1 =	sne.s32 s10, $0x12480;
	s10 =	sadd.s32 $0x780, s10;
	_ =	swait.ge [sflag:s18], $0x1400  }
0xdf: {  	s11 =	sshra.s32 s11, $0x2;
	[sflag:s18] =	ssyncset.done $0x0  }
0xe0: {  	s12 =	sadd.s32 $0x50A0, s11;
	[sflag:s18] =	ssyncadd.s32 $0xFFFFEC00  }
0xe1: {  	[spmem:s3] =	stream.indirect.scatter.add.f32 [tilespmem:s21], [sflag:$0x7], $0x40, s12, s20, $0xb8;
	[tilespmem:$0x1D580] =	vst v63  }
0xe2: {  	_ =	swait.ge [sflag:s7], $0x1400  }
0xe3: {  	[sflag:s7] =	ssyncset.done $0x0  }
0xe4: {  	s12 =	sadd.s32 $0x320, s11;
	[sflag:s7] =	ssyncadd.s32 $0xFFFFEC00  }
0xe5: {  	[tilespmem:s29], [sflag:$0x5] =	stream.indirect.gather [hbm4b:s5+s20], $0x40, s12, s20, $0xb8;
	[tilespmem:$0x1D580] =	vst v63  }
0xe6: {  	_ =	swait.ge [sflag:s19], $0x1400  }
0xe7: {  	[sflag:s19] =	ssyncset.done $0x0  }
0xe8: {  	s12 =	sadd.s32 $0x50F0, s11;
	[sflag:s19] =	ssyncadd.s32 $0xFFFFEC00  }
0xe9: {  	[spmem:s3] =	stream.indirect.scatter.add.f32 [tilespmem:s22], [sflag:$0x8], $0x40, s12, s20, $0xb8;
	[tilespmem:$0x1D580] =	vst v63  }
0xea: {  	_ =	swait.ge [sflag:s15], $0x1400  }
0xeb: {  	[sflag:s15] =	ssyncset.done $0x0  }
0xec: {  	s12 =	sadd.s32 $0x370, s11;
	[sflag:s15] =	ssyncadd.s32 $0xFFFFEC00  }
0xed: {  	[tilespmem:s2], [sflag:$0x6] =	stream.indirect.gather [hbm4b:s5+s20], $0x40, s12, s20, $0xb8;
	[tilespmem:$0x1D580] =	vst v63  }
0xee: {  	_ =	swait.ge [sflag:s23], $0x1400  }
0xef: {  	[sflag:s23] =	ssyncset.done $0x0  }
0xf0: {  	s12 =	sadd.s32 $0x5140, s11;
	[sflag:s23] =	ssyncadd.s32 $0xFFFFEC00  }
0xf1: {  	[spmem:s3] =	stream.indirect.scatter.add.f32 [tilespmem:s24], [sflag:$0x9], $0x40, s12, s20, $0xb8;
	[tilespmem:$0x1D580] =	vst v63  }
0xf2: {  	_ =	swait.ge [sflag:s28], $0x1400  }
0xf3: {  	[sflag:s28] =	ssyncset.done $0x0  }
0xf4: {  	s12 =	sadd.s32 $0x3C0, s11;
	[sflag:s28] =	ssyncadd.s32 $0xFFFFEC00  }
0xf5: {  	[tilespmem:s21], [sflag:$0x1] =	stream.indirect.gather [hbm4b:s5+s20], $0x40, s12, s20, $0xb8;
	[tilespmem:$0x1D580] =	vst v63  }
0xf6: {  	_ =	swait.ge [sflag:s31], $0x1400  }
0xf7: {  	[sflag:s31] =	ssyncset.done $0x0  }
0xf8: {  	s12 =	sadd.s32 $0x5190, s11;
	[sflag:s31] =	ssyncadd.s32 $0xFFFFEC00  }
0xf9: {  	[spmem:s3] =	stream.indirect.scatter.add.f32 [tilespmem:s26], [sflag:$0xA], $0x40, s12, s20, $0xb8;
	[tilespmem:$0x1D580] =	vst v63  }
0xfa: {  	_ =	swait.ge [sflag:s30], $0x1400  }
0xfb: {  	[sflag:s30] =	ssyncset.done $0x0  }
0xfc: {  	s12 =	sadd.s32 $0x410, s11;
	[sflag:s30] =	ssyncadd.s32 $0xFFFFEC00  }
0xfd: {  	[tilespmem:s22], [sflag:$0x2] =	stream.indirect.gather [hbm4b:s5+s20], $0x40, s12, s20, $0xb8;
	[tilespmem:$0x1D580] =	vst v63  }
0xfe: {  	_ =	swait.ge [sflag:s25], $0x1400  }
0xff: {  	[sflag:s25] =	ssyncset.done $0x0  }
0x100: {  	s12 =	sadd.s32 $0x51E0, s11;
	[sflag:s25] =	ssyncadd.s32 $0xFFFFEC00  }
0x101: {  	[spmem:s3] =	stream.indirect.scatter.add.f32 [tilespmem:s29], [sflag:$0xB], $0x40, s12, s20, $0xb8;
	[tilespmem:$0x1D580] =	vst v63  }
0x102: {  	_ =	swait.ge [sflag:s0], $0x1400  }
0x103: {  	[sflag:s0] =	ssyncset.done $0x0  }
0x104: {  	s12 =	sadd.s32 $0x460, s11;
	[sflag:s0] =	ssyncadd.s32 $0xFFFFEC00  }
0x105: {  	[tilespmem:s24], [sflag:$0x3] =	stream.indirect.gather [hbm4b:s5+s20], $0x40, s12, s20, $0xb8;
	[tilespmem:$0x1D580] =	vst v63  }
0x106: {  	_ =	swait.ge [sflag:s4], $0x1400  }
0x107: {  	[sflag:s4] =	ssyncset.done $0x0  }
.Ltmp4:
0x108: {  	s12 =	sadd.s32 $0x5230, s11;
	[sflag:s4] =	ssyncadd.s32 $0xFFFFEC00;
	(pc) =	sbr.rel @p1 .LBB2_8-.Ltmp4, $4  }
0x109: {  	[spmem:s3] =	stream.indirect.scatter.add.f32 [tilespmem:s2], [sflag:$0xC], $0x40, s12, s20, $0xb8;
	[tilespmem:$0x1D580] =	vst v63  }
0x10a: {  	_ =	swait.ge [sflag:s6], $0x1400  }
0x10b: {  	[sflag:s6] =	ssyncset.done $0x0  }
0x10c: {  	s11 =	sadd.s32 $0x4B0, s11;
	[sflag:s6] =	ssyncadd.s32 $0xFFFFEC00  }
.Ltmp5:
0x10d: {  	(pc) =	sbr.rel .LBB2_10-.Ltmp5, $3  }
0x10e: {  	_ =	sdelay $0x1  }
0x10f: {  	[tilespmem:s26], [sflag:$0x4] =	stream.indirect.gather [hbm4b:s5+s20], $0x40, s11, s20, $0xb8;
	[tilespmem:$0x1D580] =	vst v63  }
0x110: {  	s10 =	smov.u32 s5  }
.LBB2_4:
0x111: {  	[tilespmem:s21], [sflag:$0x1] =	stream.indirect.gather [hbm4b:s1+s20], $0x40, s10, s20, $0xb8;
	[tilespmem:$0x1D580] =	vst v63  }
0x112: {  	_ = 	snop  }
0x113: {  	[tilespmem:s22], [sflag:$0x2] =	stream.indirect.gather [hbm4b:s1+s20], $0x40, s20, s20, $0xb8;
	[tilespmem:$0x1D580] =	vst v63  }
0x114: {  	s12 =	simm.s32 $0xA0  }
0x115: {  	[tilespmem:s24], [sflag:$0x3] =	stream.indirect.gather [hbm4b:s1+s20], $0x40, s12, s20, $0xb8;
	[tilespmem:$0x1D580] =	vst v63  }
0x116: {  	s11 =	simm.s32 $0xF0  }
0x117: {  	[tilespmem:s26], [sflag:$0x4] =	stream.indirect.gather [hbm4b:s1+s20], $0x40, s11, s20, $0xb8;
	[tilespmem:$0x1D580] =	vst v63  }
0x118: {  	_ =	swait.ge [sflag:s18], $0x1400  }
0x119: {  	[sflag:s18] =	ssyncset.done $0x0  }
0x11a: {  	s12 =	simm.s32 $0x4EC0;
	[sflag:s18] =	ssyncadd.s32 $0xFFFFEC00  }
0x11b: {  	[spmem:s3] =	stream.indirect.scatter.add.f32 [tilespmem:s21], [sflag:$0x7], $0x40, s12, s20, $0xb8;
	[tilespmem:$0x1D580] =	vst v63  }
0x11c: {  	s11 =	simm.s32 $0x140  }
0x11d: {  	[tilespmem:s29], [sflag:$0x5] =	stream.indirect.gather [hbm4b:s1+s20], $0x40, s11, s20, $0xb8;
	[tilespmem:$0x1D580] =	vst v63  }
0x11e: {  	_ =	swait.ge [sflag:s19], $0x1400  }
0x11f: {  	[sflag:s19] =	ssyncset.done $0x0  }
0x120: {  	s12 =	simm.s32 $0x4F10;
	[sflag:s19] =	ssyncadd.s32 $0xFFFFEC00  }
0x121: {  	[spmem:s3] =	stream.indirect.scatter.add.f32 [tilespmem:s22], [sflag:$0x8], $0x40, s12, s20, $0xb8;
	[tilespmem:$0x1D580] =	vst v63  }
0x122: {  	s11 =	simm.s32 $0x190  }
0x123: {  	[tilespmem:s2], [sflag:$0x6] =	stream.indirect.gather [hbm4b:s1+s20], $0x40, s11, s20, $0xb8;
	[tilespmem:$0x1D580] =	vst v63  }
0x124: {  	_ =	swait.ge [sflag:s23], $0x1400  }
0x125: {  	[sflag:s23] =	ssyncset.done $0x0  }
0x126: {  	s12 =	simm.s32 $0x4F60;
	[sflag:s23] =	ssyncadd.s32 $0xFFFFEC00  }
0x127: {  	[spmem:s3] =	stream.indirect.scatter.add.f32 [tilespmem:s24], [sflag:$0x9], $0x40, s12, s20, $0xb8;
	[tilespmem:$0x1D580] =	vst v63  }
0x128: {  	_ =	swait.ge [sflag:s28], $0x1400  }
0x129: {  	[sflag:s28] =	ssyncset.done $0x0  }
0x12a: {  	s11 =	simm.s32 $0x1E0;
	[sflag:s28] =	ssyncadd.s32 $0xFFFFEC00  }
0x12b: {  	[tilespmem:s21], [sflag:$0x1] =	stream.indirect.gather [hbm4b:s1+s20], $0x40, s11, s20, $0xb8;
	[tilespmem:$0x1D580] =	vst v63  }
0x12c: {  	_ =	swait.ge [sflag:s31], $0x1400  }
0x12d: {  	[sflag:s31] =	ssyncset.done $0x0  }
0x12e: {  	s12 =	simm.s32 $0x4FB0;
	[sflag:s31] =	ssyncadd.s32 $0xFFFFEC00  }
0x12f: {  	[spmem:s3] =	stream.indirect.scatter.add.f32 [tilespmem:s26], [sflag:$0xA], $0x40, s12, s20, $0xb8;
	[tilespmem:$0x1D580] =	vst v63  }
0x130: {  	_ =	swait.ge [sflag:s30], $0x1400  }
0x131: {  	[sflag:s30] =	ssyncset.done $0x0  }
0x132: {  	s11 =	simm.s32 $0x230;
	[sflag:s30] =	ssyncadd.s32 $0xFFFFEC00  }
0x133: {  	[tilespmem:s22], [sflag:$0x2] =	stream.indirect.gather [hbm4b:s1+s20], $0x40, s11, s20, $0xb8;
	[tilespmem:$0x1D580] =	vst v63  }
0x134: {  	_ =	swait.ge [sflag:s25], $0x1400  }
0x135: {  	[sflag:s25] =	ssyncset.done $0x0  }
0x136: {  	s12 =	simm.s32 $0x5000;
	[sflag:s25] =	ssyncadd.s32 $0xFFFFEC00  }
0x137: {  	[spmem:s3] =	stream.indirect.scatter.add.f32 [tilespmem:s29], [sflag:$0xB], $0x40, s12, s20, $0xb8;
	[tilespmem:$0x1D580] =	vst v63  }
0x138: {  	_ =	swait.ge [sflag:s0], $0x1400  }
0x139: {  	[sflag:s0] =	ssyncset.done $0x0  }
0x13a: {  	s11 =	simm.s32 $0x280;
	[sflag:s0] =	ssyncadd.s32 $0xFFFFEC00  }
0x13b: {  	[tilespmem:s24], [sflag:$0x3] =	stream.indirect.gather [hbm4b:s1+s20], $0x40, s11, s20, $0xb8;
	[tilespmem:$0x1D580] =	vst v63  }
0x13c: {  	_ =	swait.ge [sflag:s4], $0x1400  }
0x13d: {  	[sflag:s4] =	ssyncset.done $0x0  }
0x13e: {  	s12 =	simm.s32 $0x5050;
	[sflag:s4] =	ssyncadd.s32 $0xFFFFEC00  }
0x13f: {  	[spmem:s3] =	stream.indirect.scatter.add.f32 [tilespmem:s2], [sflag:$0xC], $0x40, s12, s20, $0xb8;
	[tilespmem:$0x1D580] =	vst v63  }
0x140: {  	_ =	swait.ge [sflag:s6], $0x1400  }
0x141: {  	[sflag:s6] =	ssyncset.done $0x0  }
0x142: {  	s11 =	simm.s32 $0x2D0;
	[sflag:s6] =	ssyncadd.s32 $0xFFFFEC00  }
0x143: {  	[tilespmem:s26], [sflag:$0x4] =	stream.indirect.gather [hbm4b:s1+s20], $0x40, s11, s20, $0xb8;
	[tilespmem:$0x1D580] =	vst v63  }
0x144: {  	_ =	swait.ge [sflag:s18], $0x1400  }
0x145: {  	[sflag:s18] =	ssyncset.done $0x0  }
0x146: {  	s12 =	simm.s32 $0x50A0;
	[sflag:s18] =	ssyncadd.s32 $0xFFFFEC00  }
0x147: {  	[spmem:s3] =	stream.indirect.scatter.add.f32 [tilespmem:s21], [sflag:$0x7], $0x40, s12, s20, $0xb8;
	[tilespmem:$0x1D580] =	vst v63  }
0x148: {  	_ =	swait.ge [sflag:s7], $0x1400  }
0x149: {  	[sflag:s7] =	ssyncset.done $0x0  }
0x14a: {  	s11 =	simm.s32 $0x320;
	[sflag:s7] =	ssyncadd.s32 $0xFFFFEC00  }
0x14b: {  	[tilespmem:s29], [sflag:$0x5] =	stream.indirect.gather [hbm4b:s1+s20], $0x40, s11, s20, $0xb8;
	[tilespmem:$0x1D580] =	vst v63  }
0x14c: {  	_ =	swait.ge [sflag:s19], $0x1400  }
0x14d: {  	[sflag:s19] =	ssyncset.done $0x0  }
0x14e: {  	s12 =	simm.s32 $0x50F0;
	[sflag:s19] =	ssyncadd.s32 $0xFFFFEC00  }
0x14f: {  	[spmem:s3] =	stream.indirect.scatter.add.f32 [tilespmem:s22], [sflag:$0x8], $0x40, s12, s20, $0xb8;
	[tilespmem:$0x1D580] =	vst v63  }
0x150: {  	_ =	swait.ge [sflag:s15], $0x1400  }
0x151: {  	[sflag:s15] =	ssyncset.done $0x0  }
0x152: {  	s11 =	simm.s32 $0x370;
	[sflag:s15] =	ssyncadd.s32 $0xFFFFEC00  }
0x153: {  	[tilespmem:s2], [sflag:$0x6] =	stream.indirect.gather [hbm4b:s1+s20], $0x40, s11, s20, $0xb8;
	[tilespmem:$0x1D580] =	vst v63  }
0x154: {  	_ =	swait.ge [sflag:s23], $0x1400  }
0x155: {  	[sflag:s23] =	ssyncset.done $0x0  }
0x156: {  	s12 =	simm.s32 $0x5140;
	[sflag:s23] =	ssyncadd.s32 $0xFFFFEC00  }
0x157: {  	[spmem:s3] =	stream.indirect.scatter.add.f32 [tilespmem:s24], [sflag:$0x9], $0x40, s12, s20, $0xb8;
	[tilespmem:$0x1D580] =	vst v63  }
0x158: {  	_ =	swait.ge [sflag:s28], $0x1400  }
0x159: {  	[sflag:s28] =	ssyncset.done $0x0  }
0x15a: {  	s11 =	simm.s32 $0x3C0;
	[sflag:s28] =	ssyncadd.s32 $0xFFFFEC00  }
0x15b: {  	[tilespmem:s21], [sflag:$0x1] =	stream.indirect.gather [hbm4b:s1+s20], $0x40, s11, s20, $0xb8;
	[tilespmem:$0x1D580] =	vst v63  }
0x15c: {  	_ =	swait.ge [sflag:s31], $0x1400  }
0x15d: {  	[sflag:s31] =	ssyncset.done $0x0  }
0x15e: {  	s12 =	simm.s32 $0x5190;
	[sflag:s31] =	ssyncadd.s32 $0xFFFFEC00  }
0x15f: {  	[spmem:s3] =	stream.indirect.scatter.add.f32 [tilespmem:s26], [sflag:$0xA], $0x40, s12, s20, $0xb8;
	[tilespmem:$0x1D580] =	vst v63  }
0x160: {  	_ =	swait.ge [sflag:s30], $0x1400  }
0x161: {  	[sflag:s30] =	ssyncset.done $0x0  }
0x162: {  	s11 =	simm.s32 $0x410;
	[sflag:s30] =	ssyncadd.s32 $0xFFFFEC00  }
0x163: {  	[tilespmem:s22], [sflag:$0x2] =	stream.indirect.gather [hbm4b:s1+s20], $0x40, s11, s20, $0xb8;
	[tilespmem:$0x1D580] =	vst v63  }
0x164: {  	_ =	swait.ge [sflag:s25], $0x1400  }
0x165: {  	[sflag:s25] =	ssyncset.done $0x0  }
0x166: {  	s12 =	simm.s32 $0x51E0;
	[sflag:s25] =	ssyncadd.s32 $0xFFFFEC00  }
0x167: {  	[spmem:s3] =	stream.indirect.scatter.add.f32 [tilespmem:s29], [sflag:$0xB], $0x40, s12, s20, $0xb8;
	[tilespmem:$0x1D580] =	vst v63  }
0x168: {  	_ =	swait.ge [sflag:s0], $0x1400  }
0x169: {  	[sflag:s0] =	ssyncset.done $0x0  }
0x16a: {  	s11 =	simm.s32 $0x460;
	[sflag:s0] =	ssyncadd.s32 $0xFFFFEC00  }
0x16b: {  	[tilespmem:s24], [sflag:$0x3] =	stream.indirect.gather [hbm4b:s1+s20], $0x40, s11, s20, $0xb8;
	[tilespmem:$0x1D580] =	vst v63  }
0x16c: {  	_ =	swait.ge [sflag:s4], $0x1400  }
0x16d: {  	[sflag:s4] =	ssyncset.done $0x0  }
0x16e: {  	s12 =	simm.s32 $0x5230;
	[sflag:s4] =	ssyncadd.s32 $0xFFFFEC00  }
0x16f: {  	[spmem:s3] =	stream.indirect.scatter.add.f32 [tilespmem:s2], [sflag:$0xC], $0x40, s12, s20, $0xb8;
	[tilespmem:$0x1D580] =	vst v63  }
0x170: {  	_ =	swait.ge [sflag:s6], $0x1400  }
0x171: {  	[sflag:s6] =	ssyncset.done $0x0  }
0x172: {  	s10 =	simm.s32 $0x780;
	s11 =	simm.s32 $0x4B0;
	[sflag:s6] =	ssyncadd.s32 $0xFFFFEC00  }
.LBB2_5:
0x173: {  	[tilespmem:s26], [sflag:$0x4] =	stream.indirect.gather [hbm4b:s1+s20], $0x40, s11, s20, $0xb8;
	[tilespmem:$0x1D580] =	vst v63  }
0x174: {  	s11 =	smov.u32 s10  }
0x175: {  	p1 =	seq.s32 s10, $0x12480;
	s10 =	sadd.s32 $0x780, s10;
	_ =	swait.ge [sflag:s18], $0x1400  }
0x176: {  	s11 =	sshra.s32 s11, $0x2;
	[sflag:s18] =	ssyncset.done $0x0  }
0x177: {  	s12 =	sadd.s32 $0x50A0, s11;
	[sflag:s18] =	ssyncadd.s32 $0xFFFFEC00  }
0x178: {  	[spmem:s3] =	stream.indirect.scatter.add.f32 [tilespmem:s21], [sflag:$0x7], $0x40, s12, s20, $0xb8;
	[tilespmem:$0x1D580] =	vst v63  }
0x179: {  	_ =	swait.ge [sflag:s7], $0x1400  }
0x17a: {  	[sflag:s7] =	ssyncset.done $0x0  }
0x17b: {  	s12 =	sadd.s32 $0x320, s11;
	[sflag:s7] =	ssyncadd.s32 $0xFFFFEC00  }
0x17c: {  	[tilespmem:s29], [sflag:$0x5] =	stream.indirect.gather [hbm4b:s1+s20], $0x40, s12, s20, $0xb8;
	[tilespmem:$0x1D580] =	vst v63  }
0x17d: {  	_ =	swait.ge [sflag:s19], $0x1400  }
0x17e: {  	[sflag:s19] =	ssyncset.done $0x0  }
0x17f: {  	s12 =	sadd.s32 $0x50F0, s11;
	[sflag:s19] =	ssyncadd.s32 $0xFFFFEC00  }
0x180: {  	[spmem:s3] =	stream.indirect.scatter.add.f32 [tilespmem:s22], [sflag:$0x8], $0x40, s12, s20, $0xb8;
	[tilespmem:$0x1D580] =	vst v63  }
0x181: {  	_ =	swait.ge [sflag:s15], $0x1400  }
0x182: {  	[sflag:s15] =	ssyncset.done $0x0  }
0x183: {  	s12 =	sadd.s32 $0x370, s11;
	[sflag:s15] =	ssyncadd.s32 $0xFFFFEC00  }
0x184: {  	[tilespmem:s2], [sflag:$0x6] =	stream.indirect.gather [hbm4b:s1+s20], $0x40, s12, s20, $0xb8;
	[tilespmem:$0x1D580] =	vst v63  }
0x185: {  	_ =	swait.ge [sflag:s23], $0x1400  }
0x186: {  	[sflag:s23] =	ssyncset.done $0x0  }
0x187: {  	s12 =	sadd.s32 $0x5140, s11;
	[sflag:s23] =	ssyncadd.s32 $0xFFFFEC00  }
0x188: {  	[spmem:s3] =	stream.indirect.scatter.add.f32 [tilespmem:s24], [sflag:$0x9], $0x40, s12, s20, $0xb8;
	[tilespmem:$0x1D580] =	vst v63  }
0x189: {  	_ =	swait.ge [sflag:s28], $0x1400  }
0x18a: {  	[sflag:s28] =	ssyncset.done $0x0  }
0x18b: {  	s12 =	sadd.s32 $0x3C0, s11;
	[sflag:s28] =	ssyncadd.s32 $0xFFFFEC00  }
0x18c: {  	[tilespmem:s21], [sflag:$0x1] =	stream.indirect.gather [hbm4b:s1+s20], $0x40, s12, s20, $0xb8;
	[tilespmem:$0x1D580] =	vst v63  }
0x18d: {  	_ =	swait.ge [sflag:s31], $0x1400  }
0x18e: {  	[sflag:s31] =	ssyncset.done $0x0  }
0x18f: {  	s12 =	sadd.s32 $0x5190, s11;
	[sflag:s31] =	ssyncadd.s32 $0xFFFFEC00  }
0x190: {  	[spmem:s3] =	stream.indirect.scatter.add.f32 [tilespmem:s26], [sflag:$0xA], $0x40, s12, s20, $0xb8;
	[tilespmem:$0x1D580] =	vst v63  }
0x191: {  	_ =	swait.ge [sflag:s30], $0x1400  }
0x192: {  	[sflag:s30] =	ssyncset.done $0x0  }
0x193: {  	s12 =	sadd.s32 $0x410, s11;
	[sflag:s30] =	ssyncadd.s32 $0xFFFFEC00  }
0x194: {  	[tilespmem:s22], [sflag:$0x2] =	stream.indirect.gather [hbm4b:s1+s20], $0x40, s12, s20, $0xb8;
	[tilespmem:$0x1D580] =	vst v63  }
0x195: {  	_ =	swait.ge [sflag:s25], $0x1400  }
0x196: {  	[sflag:s25] =	ssyncset.done $0x0  }
0x197: {  	s12 =	sadd.s32 $0x51E0, s11;
	[sflag:s25] =	ssyncadd.s32 $0xFFFFEC00  }
0x198: {  	[spmem:s3] =	stream.indirect.scatter.add.f32 [tilespmem:s29], [sflag:$0xB], $0x40, s12, s20, $0xb8;
	[tilespmem:$0x1D580] =	vst v63  }
0x199: {  	_ =	swait.ge [sflag:s0], $0x1400  }
0x19a: {  	[sflag:s0] =	ssyncset.done $0x0  }
0x19b: {  	s12 =	sadd.s32 $0x460, s11;
	[sflag:s0] =	ssyncadd.s32 $0xFFFFEC00  }
0x19c: {  	[tilespmem:s24], [sflag:$0x3] =	stream.indirect.gather [hbm4b:s1+s20], $0x40, s12, s20, $0xb8;
	[tilespmem:$0x1D580] =	vst v63  }
0x19d: {  	_ =	swait.ge [sflag:s4], $0x1400  }
0x19e: {  	[sflag:s4] =	ssyncset.done $0x0  }
.Ltmp6:
0x19f: {  	s12 =	sadd.s32 $0x5230, s11;
	[sflag:s4] =	ssyncadd.s32 $0xFFFFEC00;
	(pc) =	sbr.rel @!p1 .LBB2_5-.Ltmp6, $4  }
0x1a0: {  	[spmem:s3] =	stream.indirect.scatter.add.f32 [tilespmem:s2], [sflag:$0xC], $0x40, s12, s20, $0xb8;
	[tilespmem:$0x1D580] =	vst v63  }
0x1a1: {  	_ =	swait.ge [sflag:s6], $0x1400  }
0x1a2: {  	[sflag:s6] =	ssyncset.done $0x0  }
0x1a3: {  	s11 =	sadd.s32 $0x4B0, s11;
	[sflag:s6] =	ssyncadd.s32 $0xFFFFEC00  }
.Ltmp7:
0x1a4: {  	_ = 	snop;
	(pc) =	sbr.rel .LBB2_6-.Ltmp7, $1  }
0x1a5: {  	_ =	sdelay $0x3  }
.LBB2_11:
0x1a6: {  	_ =	sfence.sel $0x180000  }
0x1a7: {  	[bflag:$0x0] =	sbarrier.arrive $0xFFFF  }
0x1a8: {  	_ =	strace $0x90000047  }
0x1a9: {  	s0 =	stileid.u32;
	[bflag:$0x2] =	sbarrier.arrive $0xFFFF  }
0x1aa: {  	p0 =	sne.s32 s0, $0x0;
	s0 =	rddreg [dreg:$0x3]  }
0x1ab: {  	s0 =	sadd.s32 @!p0 $0x100000, s0  }
0x1ac: {  	[sflag:s0] =	ssyncadd.tile.s32 @!p0 $0x1;
	_ =	shalt  }
.Lfunc_end2:
_tile_overlayer_lowered:
.L_overlay_start_2:
0x1ad: {  	(tag) =	ssettag $0x2  }
0x1ae: {  	s0 =	rddreg [dreg:$0x0];
	s2 =	stileid.u32  }
0x1af: {  	s1 =	rddreg [dreg:$0x1];
	p0 =	sne.s32 s2, $0x0  }
0x1b0: {  	s3 =	rddreg [dreg:$0x2];
	[bflag:$0x3] =	sbarrier.arrive $0xFFFF;
	s2 =	simm.s32 @!p0 $0x1C0D  }
0x1b1: {  	[timem:s3], [sflag:s2] =	dma.local @!p0 [hbm:s0], s1  }
0x1b2: {  	s0 =	simm.s32 @!p0 $0xD  }
0x1b3: {  	_ =	swait.ge @!p0 [sflag:s0], s1  }
0x1b4: {  	s1 =	ssub.s32 @!p0 $0x0, s1;
	[sflag:s0] =	ssyncset.done @!p0 $0x0  }
0x1b5: {  	[sflag:s0] =	ssyncadd.s32 @!p0 s1  }
0x1b6: {  	[bflag:$0x3] =	sbarrier.arrive $0xFFFF  }
0x1b7: {  	_ =	shalt  }

</sc_bundles>
